<compile_context>
chip_gen: v7x
topology: tpu7x:2x2x1
jax: 0.10.2.dev20260603
libtpu: 0.0.44.dev20260713+nightly
codegen_flags: <defaults>
</compile_context>

<pallas_src>
import dataclasses
import functools
import jax
import jax.numpy as jnp
from jax import lax
from jax.experimental import pallas as pl
from jax.experimental.pallas import tpu as pltpu
from jax.experimental.pallas import tpu_sc as plsc

N = 10000
E = 160000
D = 256
LRELU = 0.2

NC, NS, L = 2, 16, 16
NW = NC * NS
CHUNK = 1408
NCH = 114
E_PAD = NCH * CHUNK
N_PAD = 10240
CPS = 8

_mesh = plsc.VectorSubcoreMesh(core_axis_name="c", subcore_axis_name="s")

_sc_params = pltpu.CompilerParams()
if "needs_layout_passes" in pltpu.CompilerParams.__dataclass_fields__:
    _sc_params = dataclasses.replace(_sc_params, needs_layout_passes=False)
_sc_params_untiled = dataclasses.replace(_sc_params, use_tc_tiling_on_sc=False)


def _wid():
    return lax.axis_index("s") * NC + lax.axis_index("c")


def _tc_proj_body(x_ref, w_ref, asrc_ref, adst_ref, es_ref, ed_ref):
    wa = jnp.dot(w_ref[...], asrc_ref[...],
                 preferred_element_type=jnp.float32,
                 precision=lax.Precision.HIGHEST)
    wb = jnp.dot(w_ref[...], adst_ref[...],
                 preferred_element_type=jnp.float32,
                 precision=lax.Precision.HIGHEST)
    x = x_ref[...]
    es_ref[...] = jnp.dot(x, wa, preferred_element_type=jnp.float32,
                          precision=lax.Precision.HIGHEST)
    ed_ref[...] = jnp.dot(x, wb, preferred_element_type=jnp.float32,
                          precision=lax.Precision.HIGHEST)


def _tc_proj(x, w, asrc, adst):
    blk = 1024
    return pl.pallas_call(
        _tc_proj_body,
        grid=(N_PAD // blk,),
        in_specs=[
            pl.BlockSpec((blk, D), lambda i: (i, 0)),
            pl.BlockSpec((D, D), lambda i: (0, 0)),
            pl.BlockSpec((D, 1), lambda i: (0, 0)),
            pl.BlockSpec((D, 1), lambda i: (0, 0)),
        ],
        out_specs=[
            pl.BlockSpec((blk, 1), lambda i: (i, 0)),
            pl.BlockSpec((blk, 1), lambda i: (i, 0)),
        ],
        out_shape=[
            jax.ShapeDtypeStruct((N, 1), jnp.float32),
            jax.ShapeDtypeStruct((N, 1), jnp.float32),
        ],
    )(x, w, asrc, adst)


def _tc_head_body(x_ref, w_ref, h_ref, ht_ref):
    h = jnp.dot(x_ref[...], w_ref[...],
                preferred_element_type=jnp.float32,
                precision=lax.Precision.HIGHEST)
    h_ref[...] = h
    ht_ref[...] = h.T


def _tc_head(x, w):
    blk = 1024
    return pl.pallas_call(
        _tc_head_body,
        grid=(N_PAD // blk,),
        in_specs=[
            pl.BlockSpec((blk, D), lambda i: (i, 0)),
            pl.BlockSpec((D, D), lambda i: (0, 0)),
        ],
        out_specs=[
            pl.BlockSpec((blk, D), lambda i: (i, 0)),
            pl.BlockSpec((D, blk), lambda i: (0, i)),
        ],
        out_shape=[
            jax.ShapeDtypeStruct((N, D), jnp.float32),
            jax.ShapeDtypeStruct((D, N_PAD), jnp.float32),
        ],
    )(x, w)


_NJ = -(-NCH // NW)


def _sc_edge_body(src_hbm, dst_hbm, mw_hbm, es_hbm, ed_hbm,
                  ex_hbm, pk_hbm, dpart_hbm, cpart_hbm,
                  es_v, ed_v, den_v, cnt_v, *rest):
    bufs = [rest[5 * j:5 * j + 5] for j in range(_NJ)]
    sem_t = rest[5 * _NJ]
    sems_i = rest[5 * _NJ + 1:5 * _NJ + 1 + _NJ]
    sem_o = rest[5 * _NJ + 1 + _NJ]
    wid = _wid()

    pltpu.async_copy(es_hbm, es_v, sem_t)
    pltpu.async_copy(ed_hbm, ed_v, sem_t)

    for j in range(_NJ):
        cid = wid + j * NW
        src_v, dst_v, mw_v, _, _ = bufs[j]

        @pl.when(cid < NCH)
        def _():
            base = cid * CHUNK
            pltpu.async_copy(src_hbm.at[pl.ds(base, CHUNK)], src_v, sems_i[j])
            pltpu.async_copy(dst_hbm.at[pl.ds(base, CHUNK)], dst_v, sems_i[j])
            pltpu.async_copy(mw_hbm.at[pl.ds(base, CHUNK)], mw_v, sems_i[j])

    @pl.loop(0, N_PAD, step=L)
    def _(i):
        zero = jnp.zeros((L,), jnp.float32)
        den_v[pl.ds(i, L)] = zero
        cnt_v[pl.ds(i, L)] = zero

    pltpu.make_async_copy(es_hbm, es_v, sem_t).wait()
    pltpu.make_async_copy(ed_hbm, ed_v, sem_t).wait()

    for j in range(_NJ):
        cid = wid + j * NW
        src_v, dst_v, mw_v, ex_v, pk_v = bufs[j]

        @pl.when(cid < NCH)
        def _():
            base = cid * CHUNK
            pltpu.make_async_copy(src_hbm.at[pl.ds(base, CHUNK)], src_v,
                                  sems_i[j]).wait()
            pltpu.make_async_copy(dst_hbm.at[pl.ds(base, CHUNK)], dst_v,
                                  sems_i[j]).wait()
            pltpu.make_async_copy(mw_hbm.at[pl.ds(base, CHUNK)], mw_v,
                                  sems_i[j]).wait()

            @plsc.parallel_loop(0, CHUNK, step=L)
            def _(i):
                sv = src_v[pl.ds(i, L)]
                dv = dst_v[pl.ds(i, L)]
                pk_v[pl.ds(i, L)] = sv * 16384 + dv
                e = plsc.load_gather(es_v, [sv]) + plsc.load_gather(ed_v, [dv])
                e = jnp.where(e > 0, e, LRELU * e)
                ex = jnp.exp(mw_v[pl.ds(i, L)] * e)
                ex_v[pl.ds(i, L)] = ex
                plsc.addupdate_scatter(den_v, [sv], ex)
                plsc.addupdate_scatter(cnt_v, [sv], jnp.ones((L,), jnp.float32))

            pltpu.async_copy(ex_v, ex_hbm.at[pl.ds(base, CHUNK)], sem_o)
            pltpu.async_copy(pk_v, pk_hbm.at[pl.ds(base, CHUNK)], sem_o)

    pltpu.sync_copy(den_v, dpart_hbm.at[wid])
    pltpu.sync_copy(cnt_v, cpart_hbm.at[wid])

    for j in range(_NJ):
        cid = wid + j * NW
        _, _, _, ex_v, pk_v = bufs[j]

        @pl.when(cid < NCH)
        def _():
            base = cid * CHUNK
            pltpu.make_async_copy(ex_v, ex_hbm.at[pl.ds(base, CHUNK)],
                                  sem_o).wait()
            pltpu.make_async_copy(pk_v, pk_hbm.at[pl.ds(base, CHUNK)],
                                  sem_o).wait()


def _sc_edge(src, dst, mw, es, ed):
    buf_types = []
    for _ in range(_NJ):
        buf_types += [
            pltpu.VMEM((CHUNK,), jnp.int32),
            pltpu.VMEM((CHUNK,), jnp.int32),
            pltpu.VMEM((CHUNK,), jnp.float32),
            pltpu.VMEM((CHUNK,), jnp.float32),
            pltpu.VMEM((CHUNK,), jnp.int32),
        ]
    return pl.kernel(
        _sc_edge_body,
        out_type=[
            jax.ShapeDtypeStruct((E_PAD,), jnp.float32),
            jax.ShapeDtypeStruct((E_PAD,), jnp.int32),
            jax.ShapeDtypeStruct((NW, N_PAD), jnp.float32),
            jax.ShapeDtypeStruct((NW, N_PAD), jnp.float32),
        ],
        mesh=_mesh,
        compiler_params=_sc_params,
        scratch_types=[
            pltpu.VMEM((N_PAD,), jnp.float32),
            pltpu.VMEM((N_PAD,), jnp.float32),
            pltpu.VMEM((N_PAD,), jnp.float32),
            pltpu.VMEM((N_PAD,), jnp.float32),
        ] + buf_types + [pltpu.SemaphoreType.DMA] * (_NJ + 2),
    )(src, dst, mw, es, ed)


def _sc_pack_body(ht_hbm, hpk_hbm, a_v, b_v, q_v):
    wid = _wid()
    for r in range(CPS // 2):
        k = wid * (CPS // 2) + r
        pltpu.sync_copy(ht_hbm.at[2 * k], a_v)
        pltpu.sync_copy(ht_hbm.at[2 * k + 1], b_v)

        @plsc.parallel_loop(0, N_PAD, step=L)
        def _(i):
            pkd = plsc.pack(a_v[pl.ds(i, L)], b_v[pl.ds(i, L)],
                            format=plsc.PackFormat.INTERLEAVED)
            q_v[pl.ds(i, L)] = plsc.bitcast(pkd, jnp.int32)

        pltpu.sync_copy(q_v, hpk_hbm.at[k])


def _sc_pack(ht):
    return pl.kernel(
        _sc_pack_body,
        out_type=jax.ShapeDtypeStruct((D // 2, N_PAD), jnp.int32),
        mesh=_mesh,
        compiler_params=_sc_params,
        scratch_types=[
            pltpu.VMEM((N_PAD,), jnp.float32),
            pltpu.VMEM((N_PAD,), jnp.float32),
            pltpu.VMEM((N_PAD,), jnp.int32),
        ],
    )(ht)


def _sc_agg_body(pk_hbm, al_hbm, hpk_hbm, zt_hbm,
                 h_v, z_v, pa_v, aa_v, pb_v, ab_v,
                 sem_a, sem_b):

    wid = _wid()

    def issue(cid, pv, av, sem):
        base = cid * CHUNK
        pltpu.async_copy(pk_hbm.at[pl.ds(base, CHUNK)], pv, sem)
        pltpu.async_copy(al_hbm.at[pl.ds(base, CHUNK)], av, sem)

    def drain(cid, pv, av, sem):
        base = cid * CHUNK
        pltpu.make_async_copy(pk_hbm.at[pl.ds(base, CHUNK)], pv, sem).wait()
        pltpu.make_async_copy(al_hbm.at[pl.ds(base, CHUNK)], av, sem).wait()

    def process(pv_ref, av_ref):
        @plsc.parallel_loop(0, CHUNK, step=L, unroll=2)
        def _(i):
            pv = pv_ref[pl.ds(i, L)]
            sv = lax.shift_right_logical(pv, 14)
            dv = pv & 16383
            av = av_ref[pl.ds(i, L)]
            for c2 in range(CPS // 2):
                cvec = jnp.full((L,), c2, jnp.int32)
                g32 = plsc.load_gather(h_v, [cvec, dv])
                ha, hb = plsc.unpack(plsc.bitcast(g32, jnp.bfloat16),
                                     format=plsc.PackFormat.INTERLEAVED)
                plsc.addupdate_scatter(z_v, [sv + (2 * c2) * N_PAD], ha * av)
                plsc.addupdate_scatter(z_v, [sv + (2 * c2 + 1) * N_PAD],
                                       hb * av)

    c0 = wid * CPS
    pltpu.sync_copy(hpk_hbm.at[pl.ds(wid * (CPS // 2), CPS // 2)], h_v)

    @pl.loop(0, N_PAD * CPS, step=L)
    def _(i):
        z_v[pl.ds(i, L)] = jnp.zeros((L,), jnp.float32)

    issue(0, pa_v, aa_v, sem_a)

    @pl.loop(0, NCH, step=2)
    def _(ci):
        issue(ci + 1, pb_v, ab_v, sem_b)
        drain(ci, pa_v, aa_v, sem_a)
        process(pa_v, aa_v)

        @pl.when(ci + 2 < NCH)
        def _():
            issue(ci + 2, pa_v, aa_v, sem_a)

        drain(ci + 1, pb_v, ab_v, sem_b)
        process(pb_v, ab_v)

    for c in range(CPS):
        pltpu.sync_copy(z_v.at[pl.ds(c * N_PAD, N_PAD)], zt_hbm.at[c0 + c])


def _sc_agg(pk, alpha, hpk):
    return pl.kernel(
        _sc_agg_body,
        out_type=jax.ShapeDtypeStruct((D, N_PAD), jnp.float32),
        mesh=_mesh,
        compiler_params=_sc_params_untiled,
        scratch_types=[
            pltpu.VMEM((CPS // 2, N_PAD), jnp.int32),
            pltpu.VMEM((N_PAD * CPS,), jnp.float32),
            pltpu.VMEM((CHUNK,), jnp.int32),
            pltpu.VMEM((CHUNK,), jnp.float32),
            pltpu.VMEM((CHUNK,), jnp.int32),
            pltpu.VMEM((CHUNK,), jnp.float32),
            pltpu.SemaphoreType.DMA,
            pltpu.SemaphoreType.DMA,
        ],
    )(pk, alpha, hpk)


def _tc_tail_body(zt_ref, x_ref, h_ref, cnt_ref, dp_ref, g_ref, b_ref, o_ref):
    den = jnp.sum(dp_ref[...].T, axis=1, keepdims=True)
    z = zt_ref[...].T / (den + 1e-16)
    cnt = jnp.sum(cnt_ref[...].T, axis=1, keepdims=True)
    zb = jnp.where(cnt > 0.0, z, h_ref[...])
    zr = zb + x_ref[...]
    mu = jnp.mean(zr, axis=1, keepdims=True)
    d = zr - mu
    var = jnp.mean(d * d, axis=1, keepdims=True)
    zn = d * lax.rsqrt(var + 1e-5) * g_ref[...] + b_ref[...]
    o_ref[...] = jnp.where(zn > 0.0, zn, jnp.exp(zn) - 1.0)


def _tc_tail(zt, x, h, cpart, dpart, gamma, beta):
    blk = 1024
    return pl.pallas_call(
        _tc_tail_body,
        grid=(N_PAD // blk,),
        in_specs=[
            pl.BlockSpec((D, blk), lambda i: (0, i)),
            pl.BlockSpec((blk, D), lambda i: (i, 0)),
            pl.BlockSpec((blk, D), lambda i: (i, 0)),
            pl.BlockSpec((NW, blk), lambda i: (0, i)),
            pl.BlockSpec((NW, blk), lambda i: (0, i)),
            pl.BlockSpec((1, D), lambda i: (0, 0)),
            pl.BlockSpec((1, D), lambda i: (0, 0)),
        ],
        out_specs=pl.BlockSpec((blk, D), lambda i: (i, 0)),
        out_shape=jax.ShapeDtypeStruct((N, D), jnp.float32),
    )(zt, x, h, cpart, dpart, gamma, beta)


@jax.jit
def kernel(X, M_ei, M_w, W, a_src, a_dst, gamma, beta):
    src = M_ei[0]
    dst = M_ei[1]
    pad = E_PAD - E
    src_p = jnp.concatenate([src, jnp.full((pad,), N, jnp.int32)])
    dst_p = jnp.concatenate([dst, jnp.zeros((pad,), jnp.int32)])
    mw_p = jnp.concatenate([M_w, jnp.zeros((pad,), jnp.float32)])

    es, ed = _tc_proj(X, W, a_src[:, None], a_dst[:, None])
    H, HT = _tc_head(X, W)
    es_p = jnp.pad(es[:, 0], (0, N_PAD - N))
    ed_p = jnp.pad(ed[:, 0], (0, N_PAD - N))

    ex, pk, dpart, cpart = _sc_edge(src_p, dst_p, mw_p, es_p, ed_p)
    HPK = _sc_pack(HT)
    zt = _sc_agg(pk, ex, HPK)
    return _tc_tail(zt, X, H, cpart, dpart, gamma[None, :], beta[None, :])

# --- scband reference (transcript-rebuilt; emitter-appended) ---
"""Pipeline reference for scband-sparse-structural-gatlayer-88648124989883 (READ-ONLY COPY).

The authoritative reference and input builder live on the scoring server;
editing this copy changes nothing except your own understanding.
"""

import jax, jax.numpy as jnp
import numpy as np

N = 10000
E = 160000
D_IN = 256
D_OUT = 256
ALPHA = 0.2

def setup_inputs(seed: int = 0) -> dict:
    key = jax.random.key(seed)
    ks = jax.random.split(key, 6)
    X = jax.random.normal(ks[0], (N, D_IN), dtype=jnp.float32)
    M_ei = jax.random.randint(ks[1], (2, E), 0, N, dtype=jnp.int32)
    M_w = jax.random.normal(ks[2], (E,), dtype=jnp.float32)
    W = jax.random.normal(ks[3], (D_IN, D_OUT), dtype=jnp.float32) / np.sqrt(D_IN)
    a_src = jax.random.normal(ks[4], (D_OUT,), dtype=jnp.float32) / np.sqrt(D_OUT)
    a_dst = jax.random.normal(ks[5], (D_OUT,), dtype=jnp.float32) / np.sqrt(D_OUT)
    gamma = jnp.ones((D_OUT,), dtype=jnp.float32)
    beta = jnp.zeros((D_OUT,), dtype=jnp.float32)
    return {"X": X, "M_ei": M_ei, "M_w": M_w, "W": W, "a_src": a_src, "a_dst": a_dst, "gamma": gamma, "beta": beta}

def reference(X, M_ei, M_w, W, a_src, a_dst, gamma, beta):
    src = M_ei[0]
    dst = M_ei[1]
    H = X @ W
    res = X  # in_dim == out_dim -> Identity residual
    e_src = H @ a_src
    e_dst = H @ a_dst
    e_ij = e_src[src] + e_dst[dst]
    e_ij = jnp.where(e_ij > 0, e_ij, ALPHA * e_ij)  # LeakyReLU
    logits = M_w * e_ij
    # scatter softmax per src group (PyG-style)
    m = jax.ops.segment_max(logits, src, num_segments=N)
    m = jnp.where(jnp.isfinite(m), m, 0.0)
    m = jax.lax.stop_gradient(m)
    ex = jnp.exp(logits - m[src])
    denom = jax.ops.segment_sum(ex, src, num_segments=N)
    alpha = ex / (denom[src] + 1e-16)
    msg = H[dst] * alpha[:, None]
    Z = jax.ops.segment_sum(msg, src, num_segments=N)
    has_nb = jnp.zeros((N,), dtype=bool).at[src].set(True)
    Z = jnp.where(has_nb[:, None], Z, H)
    Zr = Z + res
    mu = jnp.mean(Zr, axis=-1, keepdims=True)
    var = jnp.var(Zr, axis=-1, keepdims=True)
    Zn = (Zr - mu) / jnp.sqrt(var + 1e-5) * gamma + beta
    out = jnp.where(Zn > 0, Zn, jnp.expm1(Zn))  # ELU
    return out

if __name__ == "__main__":
    import jax
    _d = setup_inputs()
    print(jax.jit(kernel)(*tuple(_d.values())))

</pallas_src>

<mosaic_0001>
#map = affine_map<(d0, d1) -> (0, 0)>
module attributes {stable_mosaic.version = 14 : i64} {
  func.func @_sc_pack_body(%arg0: i32, %arg1: i32, %arg2: memref<256x10240xf32, #tpu.memory_space<hbm>>, %arg3: memref<128x10240xi32, #tpu.memory_space<hbm>>, %arg4: memref<10240xf32, #tpu.memory_space<vmem>>, %arg5: memref<10240xf32, #tpu.memory_space<vmem>>, %arg6: memref<10240xi32, #tpu.memory_space<vmem>>) attributes {dimension_semantics = [#tpu.dimension_semantics<core_parallel>, #tpu.dimension_semantics<subcore_parallel>], iteration_bounds = array<i64: 2, 16>, scalar_prefetch = 0 : i64, scratch_operands = 3 : i64, tpu.core_type = #tpu.core_type<sc_vector_subcore>, window_params = [{transform_indices = #map}, {transform_indices = #map}]} {
    %mul3A = arith.constant 2 : i32
    %mul3A_0 = arith.muli %arg1, %mul3A : i32
    %add3A = arith.addi %mul3A_0, %arg0 : i32
    %mul3A_1 = arith.constant 4 : i32
    %mul3A_2 = arith.muli %add3A, %mul3A_1 : i32
    %add3A_3 = arith.constant 0 : i32
    %add3A_4 = arith.addi %mul3A_2, %add3A_3 : i32
    %mul3A_5 = arith.constant 2 : i32
    %mul3A_6 = arith.muli %mul3A_5, %add3A_4 : i32
    "tpu.region"() ({
      %run_scoped3A = tpu.sem_alloc : memref<!tpu.dma_semaphore, #tpu.memory_space<semaphore_mem>>
      %dma_start3A = arith.constant 0 : i32
      %dma_start3A_52 = tpu.memref_slice %arg2[%mul3A_6, %dma_start3A] : memref<256x10240xf32, #tpu.memory_space<hbm>> -> memref<1x10240xf32, #tpu.memory_space<hbm>>
      %dma_start3A_53 = tpu.memref_squeeze %dma_start3A_52 : memref<1x10240xf32, #tpu.memory_space<hbm>> -> memref<10240xf32, #tpu.memory_space<hbm>>
      %dma_start3A_54 = arith.constant 0 : i32
      %dma_start3A_55 = tpu.memref_slice %arg2[%mul3A_6, %dma_start3A_54] : memref<256x10240xf32, #tpu.memory_space<hbm>> -> memref<1x10240xf32, #tpu.memory_space<hbm>>
      %dma_start3A_56 = tpu.memref_squeeze %dma_start3A_55 : memref<1x10240xf32, #tpu.memory_space<hbm>> -> memref<10240xf32, #tpu.memory_space<hbm>>
      tpu.enqueue_dma source(%dma_start3A_56 : memref<10240xf32, #tpu.memory_space<hbm>>) target(%arg4 : memref<10240xf32, #tpu.memory_space<vmem>>) target_semaphore(%run_scoped3A : memref<!tpu.dma_semaphore, #tpu.memory_space<semaphore_mem>>)
      %dma_wait3A = arith.constant 0 : i32
      %dma_wait3A_57 = tpu.memref_slice %arg2[%mul3A_6, %dma_wait3A] : memref<256x10240xf32, #tpu.memory_space<hbm>> -> memref<1x10240xf32, #tpu.memory_space<hbm>>
      %dma_wait3A_58 = tpu.memref_squeeze %dma_wait3A_57 : memref<1x10240xf32, #tpu.memory_space<hbm>> -> memref<10240xf32, #tpu.memory_space<hbm>>
      %dma_wait3A_59 = arith.constant 0 : i32
      %dma_wait3A_60 = tpu.memref_slice %arg2[%mul3A_6, %dma_wait3A_59] : memref<256x10240xf32, #tpu.memory_space<hbm>> -> memref<1x10240xf32, #tpu.memory_space<hbm>>
      %dma_wait3A_61 = tpu.memref_squeeze %dma_wait3A_60 : memref<1x10240xf32, #tpu.memory_space<hbm>> -> memref<10240xf32, #tpu.memory_space<hbm>>
      tpu.wait_dma2 semaphore(%run_scoped3A : memref<!tpu.dma_semaphore, #tpu.memory_space<semaphore_mem>>) src(%dma_wait3A_61 : memref<10240xf32, #tpu.memory_space<hbm>>) dst(%arg4 : memref<10240xf32, #tpu.memory_space<vmem>>)
      tpu.yield
    }) : () -> ()
    %mul3A_7 = arith.constant 2 : i32
    %mul3A_8 = arith.muli %mul3A_7, %add3A_4 : i32
    %add3A_9 = arith.constant 1 : i32
    %add3A_10 = arith.addi %mul3A_8, %add3A_9 : i32
    "tpu.region"() ({
      %run_scoped3A = tpu.sem_alloc : memref<!tpu.dma_semaphore, #tpu.memory_space<semaphore_mem>>
      %dma_start3A = arith.constant 0 : i32
      %dma_start3A_52 = tpu.memref_slice %arg2[%add3A_10, %dma_start3A] : memref<256x10240xf32, #tpu.memory_space<hbm>> -> memref<1x10240xf32, #tpu.memory_space<hbm>>
      %dma_start3A_53 = tpu.memref_squeeze %dma_start3A_52 : memref<1x10240xf32, #tpu.memory_space<hbm>> -> memref<10240xf32, #tpu.memory_space<hbm>>
      %dma_start3A_54 = arith.constant 0 : i32
      %dma_start3A_55 = tpu.memref_slice %arg2[%add3A_10, %dma_start3A_54] : memref<256x10240xf32, #tpu.memory_space<hbm>> -> memref<1x10240xf32, #tpu.memory_space<hbm>>
      %dma_start3A_56 = tpu.memref_squeeze %dma_start3A_55 : memref<1x10240xf32, #tpu.memory_space<hbm>> -> memref<10240xf32, #tpu.memory_space<hbm>>
      tpu.enqueue_dma source(%dma_start3A_56 : memref<10240xf32, #tpu.memory_space<hbm>>) target(%arg5 : memref<10240xf32, #tpu.memory_space<vmem>>) target_semaphore(%run_scoped3A : memref<!tpu.dma_semaphore, #tpu.memory_space<semaphore_mem>>)
      %dma_wait3A = arith.constant 0 : i32
      %dma_wait3A_57 = tpu.memref_slice %arg2[%add3A_10, %dma_wait3A] : memref<256x10240xf32, #tpu.memory_space<hbm>> -> memref<1x10240xf32, #tpu.memory_space<hbm>>
      %dma_wait3A_58 = tpu.memref_squeeze %dma_wait3A_57 : memref<1x10240xf32, #tpu.memory_space<hbm>> -> memref<10240xf32, #tpu.memory_space<hbm>>
      %dma_wait3A_59 = arith.constant 0 : i32
      %dma_wait3A_60 = tpu.memref_slice %arg2[%add3A_10, %dma_wait3A_59] : memref<256x10240xf32, #tpu.memory_space<hbm>> -> memref<1x10240xf32, #tpu.memory_space<hbm>>
      %dma_wait3A_61 = tpu.memref_squeeze %dma_wait3A_60 : memref<1x10240xf32, #tpu.memory_space<hbm>> -> memref<10240xf32, #tpu.memory_space<hbm>>
      tpu.wait_dma2 semaphore(%run_scoped3A : memref<!tpu.dma_semaphore, #tpu.memory_space<semaphore_mem>>) src(%dma_wait3A_61 : memref<10240xf32, #tpu.memory_space<hbm>>) dst(%arg5 : memref<10240xf32, #tpu.memory_space<vmem>>)
      tpu.yield
    }) : () -> ()
    %parallel_loop3A = arith.constant 0 : i32
    %parallel_loop3A_11 = arith.constant 10240 : i32
    %parallel_loop3A_12 = arith.constant 16 : i32
    scf.for %parallel_loop3A_52 = %parallel_loop3A to %parallel_loop3A_11 step %parallel_loop3A_12  : i32 {
      %parallel_loop3A_53 = arith.index_cast %parallel_loop3A_52 : i32 to index
      %parallel_loop3A_54 = tpu.vector_load %arg4[%parallel_loop3A_53] {strides = array<i32>} : memref<10240xf32, #tpu.memory_space<vmem>>, vector<16xf32>,
      %parallel_loop3A_55 = arith.index_cast %parallel_loop3A_52 : i32 to index
      %parallel_loop3A_56 = tpu.vector_load %arg5[%parallel_loop3A_55] {strides = array<i32>} : memref<10240xf32, #tpu.memory_space<vmem>>, vector<16xf32>,
      %parallel_loop3A_57 = tpu.pack_subelements %parallel_loop3A_54, %parallel_loop3A_56 {pack_format = #tpu.pack_format<interleaved>, positions = array<i32: 0, 1>} : vector<16xf32>, vector<16xf32> -> vector<32xbf16>
      %parallel_loop3A_58 = vector.bitcast %parallel_loop3A_57 : vector<32xbf16> to vector<16xi32>
      %parallel_loop3A_59 = arith.index_cast %parallel_loop3A_52 : i32 to index
      %parallel_loop3A_60 = tpu.vector_load %arg6[%parallel_loop3A_59] {strides = array<i32>} : memref<10240xi32, #tpu.memory_space<vmem>>, vector<16xi32>,
      tpu.vector_store %arg6[%parallel_loop3A_59], %parallel_loop3A_58 {strides = array<i32>} : memref<10240xi32, #tpu.memory_space<vmem>>, vector<16xi32>,
    } {sc.loop_unroll_factor = 1 : i64, sc.parallel_access}
    "tpu.region"() ({
      %run_scoped3A = tpu.sem_alloc : memref<!tpu.dma_semaphore, #tpu.memory_space<semaphore_mem>>
      %dma_start3A = arith.constant 0 : i32
      %dma_start3A_52 = tpu.memref_slice %arg3[%add3A_4, %dma_start3A] : memref<128x10240xi32, #tpu.memory_space<hbm>> -> memref<1x10240xi32, #tpu.memory_space<hbm>>
      %dma_start3A_53 = tpu.memref_squeeze %dma_start3A_52 : memref<1x10240xi32, #tpu.memory_space<hbm>> -> memref<10240xi32, #tpu.memory_space<hbm>>
      %dma_start3A_54 = arith.constant 0 : i32
      %dma_start3A_55 = tpu.memref_slice %arg3[%add3A_4, %dma_start3A_54] : memref<128x10240xi32, #tpu.memory_space<hbm>> -> memref<1x10240xi32, #tpu.memory_space<hbm>>
      %dma_start3A_56 = tpu.memref_squeeze %dma_start3A_55 : memref<1x10240xi32, #tpu.memory_space<hbm>> -> memref<10240xi32, #tpu.memory_space<hbm>>
      tpu.enqueue_dma source(%arg6 : memref<10240xi32, #tpu.memory_space<vmem>>) target(%dma_start3A_56 : memref<10240xi32, #tpu.memory_space<hbm>>) target_semaphore(%run_scoped3A : memref<!tpu.dma_semaphore, #tpu.memory_space<semaphore_mem>>)
      %dma_wait3A = arith.constant 0 : i32
      %dma_wait3A_57 = tpu.memref_slice %arg3[%add3A_4, %dma_wait3A] : memref<128x10240xi32, #tpu.memory_space<hbm>> -> memref<1x10240xi32, #tpu.memory_space<hbm>>
      %dma_wait3A_58 = tpu.memref_squeeze %dma_wait3A_57 : memref<1x10240xi32, #tpu.memory_space<hbm>> -> memref<10240xi32, #tpu.memory_space<hbm>>
      %dma_wait3A_59 = arith.constant 0 : i32
      %dma_wait3A_60 = tpu.memref_slice %arg3[%add3A_4, %dma_wait3A_59] : memref<128x10240xi32, #tpu.memory_space<hbm>> -> memref<1x10240xi32, #tpu.memory_space<hbm>>
      %dma_wait3A_61 = tpu.memref_squeeze %dma_wait3A_60 : memref<1x10240xi32, #tpu.memory_space<hbm>> -> memref<10240xi32, #tpu.memory_space<hbm>>
      tpu.wait_dma2 semaphore(%run_scoped3A : memref<!tpu.dma_semaphore, #tpu.memory_space<semaphore_mem>>) src(%arg6 : memref<10240xi32, #tpu.memory_space<vmem>>) dst(%dma_wait3A_61 : memref<10240xi32, #tpu.memory_space<hbm>>)
      tpu.yield
    }) : () -> ()
    %mul3A_13 = arith.constant 4 : i32
    %mul3A_14 = arith.muli %add3A, %mul3A_13 : i32
    %add3A_15 = arith.constant 1 : i32
    %add3A_16 = arith.addi %mul3A_14, %add3A_15 : i32
    %mul3A_17 = arith.constant 2 : i32
    %mul3A_18 = arith.muli %mul3A_17, %add3A_16 : i32
    "tpu.region"() ({
      %run_scoped3A = tpu.sem_alloc : memref<!tpu.dma_semaphore, #tpu.memory_space<semaphore_mem>>
      %dma_start3A = arith.constant 0 : i32
      %dma_start3A_52 = tpu.memref_slice %arg2[%mul3A_18, %dma_start3A] : memref<256x10240xf32, #tpu.memory_space<hbm>> -> memref<1x10240xf32, #tpu.memory_space<hbm>>
      %dma_start3A_53 = tpu.memref_squeeze %dma_start3A_52 : memref<1x10240xf32, #tpu.memory_space<hbm>> -> memref<10240xf32, #tpu.memory_space<hbm>>
      %dma_start3A_54 = arith.constant 0 : i32
      %dma_start3A_55 = tpu.memref_slice %arg2[%mul3A_18, %dma_start3A_54] : memref<256x10240xf32, #tpu.memory_space<hbm>> -> memref<1x10240xf32, #tpu.memory_space<hbm>>
      %dma_start3A_56 = tpu.memref_squeeze %dma_start3A_55 : memref<1x10240xf32, #tpu.memory_space<hbm>> -> memref<10240xf32, #tpu.memory_space<hbm>>
      tpu.enqueue_dma source(%dma_start3A_56 : memref<10240xf32, #tpu.memory_space<hbm>>) target(%arg4 : memref<10240xf32, #tpu.memory_space<vmem>>) target_semaphore(%run_scoped3A : memref<!tpu.dma_semaphore, #tpu.memory_space<semaphore_mem>>)
      %dma_wait3A = arith.constant 0 : i32
      %dma_wait3A_57 = tpu.memref_slice %arg2[%mul3A_18, %dma_wait3A] : memref<256x10240xf32, #tpu.memory_space<hbm>> -> memref<1x10240xf32, #tpu.memory_space<hbm>>
      %dma_wait3A_58 = tpu.memref_squeeze %dma_wait3A_57 : memref<1x10240xf32, #tpu.memory_space<hbm>> -> memref<10240xf32, #tpu.memory_space<hbm>>
      %dma_wait3A_59 = arith.constant 0 : i32
      %dma_wait3A_60 = tpu.memref_slice %arg2[%mul3A_18, %dma_wait3A_59] : memref<256x10240xf32, #tpu.memory_space<hbm>> -> memref<1x10240xf32, #tpu.memory_space<hbm>>
      %dma_wait3A_61 = tpu.memref_squeeze %dma_wait3A_60 : memref<1x10240xf32, #tpu.memory_space<hbm>> -> memref<10240xf32, #tpu.memory_space<hbm>>
      tpu.wait_dma2 semaphore(%run_scoped3A : memref<!tpu.dma_semaphore, #tpu.memory_space<semaphore_mem>>) src(%dma_wait3A_61 : memref<10240xf32, #tpu.memory_space<hbm>>) dst(%arg4 : memref<10240xf32, #tpu.memory_space<vmem>>)
      tpu.yield
    }) : () -> ()
    %mul3A_19 = arith.constant 2 : i32
    %mul3A_20 = arith.muli %mul3A_19, %add3A_16 : i32
    %add3A_21 = arith.constant 1 : i32
    %add3A_22 = arith.addi %mul3A_20, %add3A_21 : i32
    "tpu.region"() ({
      %run_scoped3A = tpu.sem_alloc : memref<!tpu.dma_semaphore, #tpu.memory_space<semaphore_mem>>
      %dma_start3A = arith.constant 0 : i32
      %dma_start3A_52 = tpu.memref_slice %arg2[%add3A_22, %dma_start3A] : memref<256x10240xf32, #tpu.memory_space<hbm>> -> memref<1x10240xf32, #tpu.memory_space<hbm>>
      %dma_start3A_53 = tpu.memref_squeeze %dma_start3A_52 : memref<1x10240xf32, #tpu.memory_space<hbm>> -> memref<10240xf32, #tpu.memory_space<hbm>>
      %dma_start3A_54 = arith.constant 0 : i32
      %dma_start3A_55 = tpu.memref_slice %arg2[%add3A_22, %dma_start3A_54] : memref<256x10240xf32, #tpu.memory_space<hbm>> -> memref<1x10240xf32, #tpu.memory_space<hbm>>
      %dma_start3A_56 = tpu.memref_squeeze %dma_start3A_55 : memref<1x10240xf32, #tpu.memory_space<hbm>> -> memref<10240xf32, #tpu.memory_space<hbm>>
      tpu.enqueue_dma source(%dma_start3A_56 : memref<10240xf32, #tpu.memory_space<hbm>>) target(%arg5 : memref<10240xf32, #tpu.memory_space<vmem>>) target_semaphore(%run_scoped3A : memref<!tpu.dma_semaphore, #tpu.memory_space<semaphore_mem>>)
      %dma_wait3A = arith.constant 0 : i32
      %dma_wait3A_57 = tpu.memref_slice %arg2[%add3A_22, %dma_wait3A] : memref<256x10240xf32, #tpu.memory_space<hbm>> -> memref<1x10240xf32, #tpu.memory_space<hbm>>
      %dma_wait3A_58 = tpu.memref_squeeze %dma_wait3A_57 : memref<1x10240xf32, #tpu.memory_space<hbm>> -> memref<10240xf32, #tpu.memory_space<hbm>>
      %dma_wait3A_59 = arith.constant 0 : i32
      %dma_wait3A_60 = tpu.memref_slice %arg2[%add3A_22, %dma_wait3A_59] : memref<256x10240xf32, #tpu.memory_space<hbm>> -> memref<1x10240xf32, #tpu.memory_space<hbm>>
      %dma_wait3A_61 = tpu.memref_squeeze %dma_wait3A_60 : memref<1x10240xf32, #tpu.memory_space<hbm>> -> memref<10240xf32, #tpu.memory_space<hbm>>
      tpu.wait_dma2 semaphore(%run_scoped3A : memref<!tpu.dma_semaphore, #tpu.memory_space<semaphore_mem>>) src(%dma_wait3A_61 : memref<10240xf32, #tpu.memory_space<hbm>>) dst(%arg5 : memref<10240xf32, #tpu.memory_space<vmem>>)
      tpu.yield
    }) : () -> ()
    %parallel_loop3A_23 = arith.constant 0 : i32
    %parallel_loop3A_24 = arith.constant 10240 : i32
    %parallel_loop3A_25 = arith.constant 16 : i32
    scf.for %parallel_loop3A_52 = %parallel_loop3A_23 to %parallel_loop3A_24 step %parallel_loop3A_25  : i32 {
      %parallel_loop3A_53 = arith.index_cast %parallel_loop3A_52 : i32 to index
      %parallel_loop3A_54 = tpu.vector_load %arg4[%parallel_loop3A_53] {strides = array<i32>} : memref<10240xf32, #tpu.memory_space<vmem>>, vector<16xf32>,
      %parallel_loop3A_55 = arith.index_cast %parallel_loop3A_52 : i32 to index
      %parallel_loop3A_56 = tpu.vector_load %arg5[%parallel_loop3A_55] {strides = array<i32>} : memref<10240xf32, #tpu.memory_space<vmem>>, vector<16xf32>,
      %parallel_loop3A_57 = tpu.pack_subelements %parallel_loop3A_54, %parallel_loop3A_56 {pack_format = #tpu.pack_format<interleaved>, positions = array<i32: 0, 1>} : vector<16xf32>, vector<16xf32> -> vector<32xbf16>
      %parallel_loop3A_58 = vector.bitcast %parallel_loop3A_57 : vector<32xbf16> to vector<16xi32>
      %parallel_loop3A_59 = arith.index_cast %parallel_loop3A_52 : i32 to index
      %parallel_loop3A_60 = tpu.vector_load %arg6[%parallel_loop3A_59] {strides = array<i32>} : memref<10240xi32, #tpu.memory_space<vmem>>, vector<16xi32>,
      tpu.vector_store %arg6[%parallel_loop3A_59], %parallel_loop3A_58 {strides = array<i32>} : memref<10240xi32, #tpu.memory_space<vmem>>, vector<16xi32>,
    } {sc.loop_unroll_factor = 1 : i64, sc.parallel_access}
    "tpu.region"() ({
      %run_scoped3A = tpu.sem_alloc : memref<!tpu.dma_semaphore, #tpu.memory_space<semaphore_mem>>
      %dma_start3A = arith.constant 0 : i32
      %dma_start3A_52 = tpu.memref_slice %arg3[%add3A_16, %dma_start3A] : memref<128x10240xi32, #tpu.memory_space<hbm>> -> memref<1x10240xi32, #tpu.memory_space<hbm>>
      %dma_start3A_53 = tpu.memref_squeeze %dma_start3A_52 : memref<1x10240xi32, #tpu.memory_space<hbm>> -> memref<10240xi32, #tpu.memory_space<hbm>>
      %dma_start3A_54 = arith.constant 0 : i32
      %dma_start3A_55 = tpu.memref_slice %arg3[%add3A_16, %dma_start3A_54] : memref<128x10240xi32, #tpu.memory_space<hbm>> -> memref<1x10240xi32, #tpu.memory_space<hbm>>
      %dma_start3A_56 = tpu.memref_squeeze %dma_start3A_55 : memref<1x10240xi32, #tpu.memory_space<hbm>> -> memref<10240xi32, #tpu.memory_space<hbm>>
      tpu.enqueue_dma source(%arg6 : memref<10240xi32, #tpu.memory_space<vmem>>) target(%dma_start3A_56 : memref<10240xi32, #tpu.memory_space<hbm>>) target_semaphore(%run_scoped3A : memref<!tpu.dma_semaphore, #tpu.memory_space<semaphore_mem>>)
      %dma_wait3A = arith.constant 0 : i32
      %dma_wait3A_57 = tpu.memref_slice %arg3[%add3A_16, %dma_wait3A] : memref<128x10240xi32, #tpu.memory_space<hbm>> -> memref<1x10240xi32, #tpu.memory_space<hbm>>
      %dma_wait3A_58 = tpu.memref_squeeze %dma_wait3A_57 : memref<1x10240xi32, #tpu.memory_space<hbm>> -> memref<10240xi32, #tpu.memory_space<hbm>>
      %dma_wait3A_59 = arith.constant 0 : i32
      %dma_wait3A_60 = tpu.memref_slice %arg3[%add3A_16, %dma_wait3A_59] : memref<128x10240xi32, #tpu.memory_space<hbm>> -> memref<1x10240xi32, #tpu.memory_space<hbm>>
      %dma_wait3A_61 = tpu.memref_squeeze %dma_wait3A_60 : memref<1x10240xi32, #tpu.memory_space<hbm>> -> memref<10240xi32, #tpu.memory_space<hbm>>
      tpu.wait_dma2 semaphore(%run_scoped3A : memref<!tpu.dma_semaphore, #tpu.memory_space<semaphore_mem>>) src(%arg6 : memref<10240xi32, #tpu.memory_space<vmem>>) dst(%dma_wait3A_61 : memref<10240xi32, #tpu.memory_space<hbm>>)
      tpu.yield
    }) : () -> ()
    %mul3A_26 = arith.constant 4 : i32
    %mul3A_27 = arith.muli %add3A, %mul3A_26 : i32
    %add3A_28 = arith.constant 2 : i32
    %add3A_29 = arith.addi %mul3A_27, %add3A_28 : i32
    %mul3A_30 = arith.constant 2 : i32
    %mul3A_31 = arith.muli %mul3A_30, %add3A_29 : i32
    "tpu.region"() ({
      %run_scoped3A = tpu.sem_alloc : memref<!tpu.dma_semaphore, #tpu.memory_space<semaphore_mem>>
      %dma_start3A = arith.constant 0 : i32
      %dma_start3A_52 = tpu.memref_slice %arg2[%mul3A_31, %dma_start3A] : memref<256x10240xf32, #tpu.memory_space<hbm>> -> memref<1x10240xf32, #tpu.memory_space<hbm>>
      %dma_start3A_53 = tpu.memref_squeeze %dma_start3A_52 : memref<1x10240xf32, #tpu.memory_space<hbm>> -> memref<10240xf32, #tpu.memory_space<hbm>>
      %dma_start3A_54 = arith.constant 0 : i32
      %dma_start3A_55 = tpu.memref_slice %arg2[%mul3A_31, %dma_start3A_54] : memref<256x10240xf32, #tpu.memory_space<hbm>> -> memref<1x10240xf32, #tpu.memory_space<hbm>>
      %dma_start3A_56 = tpu.memref_squeeze %dma_start3A_55 : memref<1x10240xf32, #tpu.memory_space<hbm>> -> memref<10240xf32, #tpu.memory_space<hbm>>
      tpu.enqueue_dma source(%dma_start3A_56 : memref<10240xf32, #tpu.memory_space<hbm>>) target(%arg4 : memref<10240xf32, #tpu.memory_space<vmem>>) target_semaphore(%run_scoped3A : memref<!tpu.dma_semaphore, #tpu.memory_space<semaphore_mem>>)
      %dma_wait3A = arith.constant 0 : i32
      %dma_wait3A_57 = tpu.memref_slice %arg2[%mul3A_31, %dma_wait3A] : memref<256x10240xf32, #tpu.memory_space<hbm>> -> memref<1x10240xf32, #tpu.memory_space<hbm>>
      %dma_wait3A_58 = tpu.memref_squeeze %dma_wait3A_57 : memref<1x10240xf32, #tpu.memory_space<hbm>> -> memref<10240xf32, #tpu.memory_space<hbm>>
      %dma_wait3A_59 = arith.constant 0 : i32
      %dma_wait3A_60 = tpu.memref_slice %arg2[%mul3A_31, %dma_wait3A_59] : memref<256x10240xf32, #tpu.memory_space<hbm>> -> memref<1x10240xf32, #tpu.memory_space<hbm>>
      %dma_wait3A_61 = tpu.memref_squeeze %dma_wait3A_60 : memref<1x10240xf32, #tpu.memory_space<hbm>> -> memref<10240xf32, #tpu.memory_space<hbm>>
      tpu.wait_dma2 semaphore(%run_scoped3A : memref<!tpu.dma_semaphore, #tpu.memory_space<semaphore_mem>>) src(%dma_wait3A_61 : memref<10240xf32, #tpu.memory_space<hbm>>) dst(%arg4 : memref<10240xf32, #tpu.memory_space<vmem>>)
      tpu.yield
    }) : () -> ()
    %mul3A_32 = arith.constant 2 : i32
    %mul3A_33 = arith.muli %mul3A_32, %add3A_29 : i32
    %add3A_34 = arith.constant 1 : i32
    %add3A_35 = arith.addi %mul3A_33, %add3A_34 : i32
    "tpu.region"() ({
      %run_scoped3A = tpu.sem_alloc : memref<!tpu.dma_semaphore, #tpu.memory_space<semaphore_mem>>
      %dma_start3A = arith.constant 0 : i32
      %dma_start3A_52 = tpu.memref_slice %arg2[%add3A_35, %dma_start3A] : memref<256x10240xf32, #tpu.memory_space<hbm>> -> memref<1x10240xf32, #tpu.memory_space<hbm>>
      %dma_start3A_53 = tpu.memref_squeeze %dma_start3A_52 : memref<1x10240xf32, #tpu.memory_space<hbm>> -> memref<10240xf32, #tpu.memory_space<hbm>>
      %dma_start3A_54 = arith.constant 0 : i32
      %dma_start3A_55 = tpu.memref_slice %arg2[%add3A_35, %dma_start3A_54] : memref<256x10240xf32, #tpu.memory_space<hbm>> -> memref<1x10240xf32, #tpu.memory_space<hbm>>
      %dma_start3A_56 = tpu.memref_squeeze %dma_start3A_55 : memref<1x10240xf32, #tpu.memory_space<hbm>> -> memref<10240xf32, #tpu.memory_space<hbm>>
      tpu.enqueue_dma source(%dma_start3A_56 : memref<10240xf32, #tpu.memory_space<hbm>>) target(%arg5 : memref<10240xf32, #tpu.memory_space<vmem>>) target_semaphore(%run_scoped3A : memref<!tpu.dma_semaphore, #tpu.memory_space<semaphore_mem>>)
      %dma_wait3A = arith.constant 0 : i32
      %dma_wait3A_57 = tpu.memref_slice %arg2[%add3A_35, %dma_wait3A] : memref<256x10240xf32, #tpu.memory_space<hbm>> -> memref<1x10240xf32, #tpu.memory_space<hbm>>
      %dma_wait3A_58 = tpu.memref_squeeze %dma_wait3A_57 : memref<1x10240xf32, #tpu.memory_space<hbm>> -> memref<10240xf32, #tpu.memory_space<hbm>>
      %dma_wait3A_59 = arith.constant 0 : i32
      %dma_wait3A_60 = tpu.memref_slice %arg2[%add3A_35, %dma_wait3A_59] : memref<256x10240xf32, #tpu.memory_space<hbm>> -> memref<1x10240xf32, #tpu.memory_space<hbm>>
      %dma_wait3A_61 = tpu.memref_squeeze %dma_wait3A_60 : memref<1x10240xf32, #tpu.memory_space<hbm>> -> memref<10240xf32, #tpu.memory_space<hbm>>
      tpu.wait_dma2 semaphore(%run_scoped3A : memref<!tpu.dma_semaphore, #tpu.memory_space<semaphore_mem>>) src(%dma_wait3A_61 : memref<10240xf32, #tpu.memory_space<hbm>>) dst(%arg5 : memref<10240xf32, #tpu.memory_space<vmem>>)
      tpu.yield
    }) : () -> ()
    %parallel_loop3A_36 = arith.constant 0 : i32
    %parallel_loop3A_37 = arith.constant 10240 : i32
    %parallel_loop3A_38 = arith.constant 16 : i32
    scf.for %parallel_loop3A_52 = %parallel_loop3A_36 to %parallel_loop3A_37 step %parallel_loop3A_38  : i32 {
      %parallel_loop3A_53 = arith.index_cast %parallel_loop3A_52 : i32 to index
      %parallel_loop3A_54 = tpu.vector_load %arg4[%parallel_loop3A_53] {strides = array<i32>} : memref<10240xf32, #tpu.memory_space<vmem>>, vector<16xf32>,
      %parallel_loop3A_55 = arith.index_cast %parallel_loop3A_52 : i32 to index
      %parallel_loop3A_56 = tpu.vector_load %arg5[%parallel_loop3A_55] {strides = array<i32>} : memref<10240xf32, #tpu.memory_space<vmem>>, vector<16xf32>,
      %parallel_loop3A_57 = tpu.pack_subelements %parallel_loop3A_54, %parallel_loop3A_56 {pack_format = #tpu.pack_format<interleaved>, positions = array<i32: 0, 1>} : vector<16xf32>, vector<16xf32> -> vector<32xbf16>
      %parallel_loop3A_58 = vector.bitcast %parallel_loop3A_57 : vector<32xbf16> to vector<16xi32>
      %parallel_loop3A_59 = arith.index_cast %parallel_loop3A_52 : i32 to index
      %parallel_loop3A_60 = tpu.vector_load %arg6[%parallel_loop3A_59] {strides = array<i32>} : memref<10240xi32, #tpu.memory_space<vmem>>, vector<16xi32>,
      tpu.vector_store %arg6[%parallel_loop3A_59], %parallel_loop3A_58 {strides = array<i32>} : memref<10240xi32, #tpu.memory_space<vmem>>, vector<16xi32>,
    } {sc.loop_unroll_factor = 1 : i64, sc.parallel_access}
    "tpu.region"() ({
      %run_scoped3A = tpu.sem_alloc : memref<!tpu.dma_semaphore, #tpu.memory_space<semaphore_mem>>
      %dma_start3A = arith.constant 0 : i32
      %dma_start3A_52 = tpu.memref_slice %arg3[%add3A_29, %dma_start3A] : memref<128x10240xi32, #tpu.memory_space<hbm>> -> memref<1x10240xi32, #tpu.memory_space<hbm>>
      %dma_start3A_53 = tpu.memref_squeeze %dma_start3A_52 : memref<1x10240xi32, #tpu.memory_space<hbm>> -> memref<10240xi32, #tpu.memory_space<hbm>>
      %dma_start3A_54 = arith.constant 0 : i32
      %dma_start3A_55 = tpu.memref_slice %arg3[%add3A_29, %dma_start3A_54] : memref<128x10240xi32, #tpu.memory_space<hbm>> -> memref<1x10240xi32, #tpu.memory_space<hbm>>
      %dma_start3A_56 = tpu.memref_squeeze %dma_start3A_55 : memref<1x10240xi32, #tpu.memory_space<hbm>> -> memref<10240xi32, #tpu.memory_space<hbm>>
      tpu.enqueue_dma source(%arg6 : memref<10240xi32, #tpu.memory_space<vmem>>) target(%dma_start3A_56 : memref<10240xi32, #tpu.memory_space<hbm>>) target_semaphore(%run_scoped3A : memref<!tpu.dma_semaphore, #tpu.memory_space<semaphore_mem>>)
      %dma_wait3A = arith.constant 0 : i32
      %dma_wait3A_57 = tpu.memref_slice %arg3[%add3A_29, %dma_wait3A] : memref<128x10240xi32, #tpu.memory_space<hbm>> -> memref<1x10240xi32, #tpu.memory_space<hbm>>
      %dma_wait3A_58 = tpu.memref_squeeze %dma_wait3A_57 : memref<1x10240xi32, #tpu.memory_space<hbm>> -> memref<10240xi32, #tpu.memory_space<hbm>>
      %dma_wait3A_59 = arith.constant 0 : i32
      %dma_wait3A_60 = tpu.memref_slice %arg3[%add3A_29, %dma_wait3A_59] : memref<128x10240xi32, #tpu.memory_space<hbm>> -> memref<1x10240xi32, #tpu.memory_space<hbm>>
      %dma_wait3A_61 = tpu.memref_squeeze %dma_wait3A_60 : memref<1x10240xi32, #tpu.memory_space<hbm>> -> memref<10240xi32, #tpu.memory_space<hbm>>
      tpu.wait_dma2 semaphore(%run_scoped3A : memref<!tpu.dma_semaphore, #tpu.memory_space<semaphore_mem>>) src(%arg6 : memref<10240xi32, #tpu.memory_space<vmem>>) dst(%dma_wait3A_61 : memref<10240xi32, #tpu.memory_space<hbm>>)
      tpu.yield
    }) : () -> ()
    %mul3A_39 = arith.constant 4 : i32
    %mul3A_40 = arith.muli %add3A, %mul3A_39 : i32
    %add3A_41 = arith.constant 3 : i32
    %add3A_42 = arith.addi %mul3A_40, %add3A_41 : i32
    %mul3A_43 = arith.constant 2 : i32
    %mul3A_44 = arith.muli %mul3A_43, %add3A_42 : i32
    "tpu.region"() ({
      %run_scoped3A = tpu.sem_alloc : memref<!tpu.dma_semaphore, #tpu.memory_space<semaphore_mem>>
      %dma_start3A = arith.constant 0 : i32
      %dma_start3A_52 = tpu.memref_slice %arg2[%mul3A_44, %dma_start3A] : memref<256x10240xf32, #tpu.memory_space<hbm>> -> memref<1x10240xf32, #tpu.memory_space<hbm>>
      %dma_start3A_53 = tpu.memref_squeeze %dma_start3A_52 : memref<1x10240xf32, #tpu.memory_space<hbm>> -> memref<10240xf32, #tpu.memory_space<hbm>>
      %dma_start3A_54 = arith.constant 0 : i32
      %dma_start3A_55 = tpu.memref_slice %arg2[%mul3A_44, %dma_start3A_54] : memref<256x10240xf32, #tpu.memory_space<hbm>> -> memref<1x10240xf32, #tpu.memory_space<hbm>>
      %dma_start3A_56 = tpu.memref_squeeze %dma_start3A_55 : memref<1x10240xf32, #tpu.memory_space<hbm>> -> memref<10240xf32, #tpu.memory_space<hbm>>
      tpu.enqueue_dma source(%dma_start3A_56 : memref<10240xf32, #tpu.memory_space<hbm>>) target(%arg4 : memref<10240xf32, #tpu.memory_space<vmem>>) target_semaphore(%run_scoped3A : memref<!tpu.dma_semaphore, #tpu.memory_space<semaphore_mem>>)
      %dma_wait3A = arith.constant 0 : i32
      %dma_wait3A_57 = tpu.memref_slice %arg2[%mul3A_44, %dma_wait3A] : memref<256x10240xf32, #tpu.memory_space<hbm>> -> memref<1x10240xf32, #tpu.memory_space<hbm>>
      %dma_wait3A_58 = tpu.memref_squeeze %dma_wait3A_57 : memref<1x10240xf32, #tpu.memory_space<hbm>> -> memref<10240xf32, #tpu.memory_space<hbm>>
      %dma_wait3A_59 = arith.constant 0 : i32
      %dma_wait3A_60 = tpu.memref_slice %arg2[%mul3A_44, %dma_wait3A_59] : memref<256x10240xf32, #tpu.memory_space<hbm>> -> memref<1x10240xf32, #tpu.memory_space<hbm>>
      %dma_wait3A_61 = tpu.memref_squeeze %dma_wait3A_60 : memref<1x10240xf32, #tpu.memory_space<hbm>> -> memref<10240xf32, #tpu.memory_space<hbm>>
      tpu.wait_dma2 semaphore(%run_scoped3A : memref<!tpu.dma_semaphore, #tpu.memory_space<semaphore_mem>>) src(%dma_wait3A_61 : memref<10240xf32, #tpu.memory_space<hbm>>) dst(%arg4 : memref<10240xf32, #tpu.memory_space<vmem>>)
      tpu.yield
    }) : () -> ()
    %mul3A_45 = arith.constant 2 : i32
    %mul3A_46 = arith.muli %mul3A_45, %add3A_42 : i32
    %add3A_47 = arith.constant 1 : i32
    %add3A_48 = arith.addi %mul3A_46, %add3A_47 : i32
    "tpu.region"() ({
      %run_scoped3A = tpu.sem_alloc : memref<!tpu.dma_semaphore, #tpu.memory_space<semaphore_mem>>
      %dma_start3A = arith.constant 0 : i32
      %dma_start3A_52 = tpu.memref_slice %arg2[%add3A_48, %dma_start3A] : memref<256x10240xf32, #tpu.memory_space<hbm>> -> memref<1x10240xf32, #tpu.memory_space<hbm>>
      %dma_start3A_53 = tpu.memref_squeeze %dma_start3A_52 : memref<1x10240xf32, #tpu.memory_space<hbm>> -> memref<10240xf32, #tpu.memory_space<hbm>>
      %dma_start3A_54 = arith.constant 0 : i32
      %dma_start3A_55 = tpu.memref_slice %arg2[%add3A_48, %dma_start3A_54] : memref<256x10240xf32, #tpu.memory_space<hbm>> -> memref<1x10240xf32, #tpu.memory_space<hbm>>
      %dma_start3A_56 = tpu.memref_squeeze %dma_start3A_55 : memref<1x10240xf32, #tpu.memory_space<hbm>> -> memref<10240xf32, #tpu.memory_space<hbm>>
      tpu.enqueue_dma source(%dma_start3A_56 : memref<10240xf32, #tpu.memory_space<hbm>>) target(%arg5 : memref<10240xf32, #tpu.memory_space<vmem>>) target_semaphore(%run_scoped3A : memref<!tpu.dma_semaphore, #tpu.memory_space<semaphore_mem>>)
      %dma_wait3A = arith.constant 0 : i32
      %dma_wait3A_57 = tpu.memref_slice %arg2[%add3A_48, %dma_wait3A] : memref<256x10240xf32, #tpu.memory_space<hbm>> -> memref<1x10240xf32, #tpu.memory_space<hbm>>
      %dma_wait3A_58 = tpu.memref_squeeze %dma_wait3A_57 : memref<1x10240xf32, #tpu.memory_space<hbm>> -> memref<10240xf32, #tpu.memory_space<hbm>>
      %dma_wait3A_59 = arith.constant 0 : i32
      %dma_wait3A_60 = tpu.memref_slice %arg2[%add3A_48, %dma_wait3A_59] : memref<256x10240xf32, #tpu.memory_space<hbm>> -> memref<1x10240xf32, #tpu.memory_space<hbm>>
      %dma_wait3A_61 = tpu.memref_squeeze %dma_wait3A_60 : memref<1x10240xf32, #tpu.memory_space<hbm>> -> memref<10240xf32, #tpu.memory_space<hbm>>
      tpu.wait_dma2 semaphore(%run_scoped3A : memref<!tpu.dma_semaphore, #tpu.memory_space<semaphore_mem>>) src(%dma_wait3A_61 : memref<10240xf32, #tpu.memory_space<hbm>>) dst(%arg5 : memref<10240xf32, #tpu.memory_space<vmem>>)
      tpu.yield
    }) : () -> ()
    %parallel_loop3A_49 = arith.constant 0 : i32
    %parallel_loop3A_50 = arith.constant 10240 : i32
    %parallel_loop3A_51 = arith.constant 16 : i32
    scf.for %parallel_loop3A_52 = %parallel_loop3A_49 to %parallel_loop3A_50 step %parallel_loop3A_51  : i32 {
      %parallel_loop3A_53 = arith.index_cast %parallel_loop3A_52 : i32 to index
      %parallel_loop3A_54 = tpu.vector_load %arg4[%parallel_loop3A_53] {strides = array<i32>} : memref<10240xf32, #tpu.memory_space<vmem>>, vector<16xf32>,
      %parallel_loop3A_55 = arith.index_cast %parallel_loop3A_52 : i32 to index
      %parallel_loop3A_56 = tpu.vector_load %arg5[%parallel_loop3A_55] {strides = array<i32>} : memref<10240xf32, #tpu.memory_space<vmem>>, vector<16xf32>,
      %parallel_loop3A_57 = tpu.pack_subelements %parallel_loop3A_54, %parallel_loop3A_56 {pack_format = #tpu.pack_format<interleaved>, positions = array<i32: 0, 1>} : vector<16xf32>, vector<16xf32> -> vector<32xbf16>
      %parallel_loop3A_58 = vector.bitcast %parallel_loop3A_57 : vector<32xbf16> to vector<16xi32>
      %parallel_loop3A_59 = arith.index_cast %parallel_loop3A_52 : i32 to index
      %parallel_loop3A_60 = tpu.vector_load %arg6[%parallel_loop3A_59] {strides = array<i32>} : memref<10240xi32, #tpu.memory_space<vmem>>, vector<16xi32>,
      tpu.vector_store %arg6[%parallel_loop3A_59], %parallel_loop3A_58 {strides = array<i32>} : memref<10240xi32, #tpu.memory_space<vmem>>, vector<16xi32>,
    } {sc.loop_unroll_factor = 1 : i64, sc.parallel_access}
    "tpu.region"() ({
      %run_scoped3A = tpu.sem_alloc : memref<!tpu.dma_semaphore, #tpu.memory_space<semaphore_mem>>
      %dma_start3A = arith.constant 0 : i32
      %dma_start3A_52 = tpu.memref_slice %arg3[%add3A_42, %dma_start3A] : memref<128x10240xi32, #tpu.memory_space<hbm>> -> memref<1x10240xi32, #tpu.memory_space<hbm>>
      %dma_start3A_53 = tpu.memref_squeeze %dma_start3A_52 : memref<1x10240xi32, #tpu.memory_space<hbm>> -> memref<10240xi32, #tpu.memory_space<hbm>>
      %dma_start3A_54 = arith.constant 0 : i32
      %dma_start3A_55 = tpu.memref_slice %arg3[%add3A_42, %dma_start3A_54] : memref<128x10240xi32, #tpu.memory_space<hbm>> -> memref<1x10240xi32, #tpu.memory_space<hbm>>
      %dma_start3A_56 = tpu.memref_squeeze %dma_start3A_55 : memref<1x10240xi32, #tpu.memory_space<hbm>> -> memref<10240xi32, #tpu.memory_space<hbm>>
      tpu.enqueue_dma source(%arg6 : memref<10240xi32, #tpu.memory_space<vmem>>) target(%dma_start3A_56 : memref<10240xi32, #tpu.memory_space<hbm>>) target_semaphore(%run_scoped3A : memref<!tpu.dma_semaphore, #tpu.memory_space<semaphore_mem>>)
      %dma_wait3A = arith.constant 0 : i32
      %dma_wait3A_57 = tpu.memref_slice %arg3[%add3A_42, %dma_wait3A] : memref<128x10240xi32, #tpu.memory_space<hbm>> -> memref<1x10240xi32, #tpu.memory_space<hbm>>
      %dma_wait3A_58 = tpu.memref_squeeze %dma_wait3A_57 : memref<1x10240xi32, #tpu.memory_space<hbm>> -> memref<10240xi32, #tpu.memory_space<hbm>>
      %dma_wait3A_59 = arith.constant 0 : i32
      %dma_wait3A_60 = tpu.memref_slice %arg3[%add3A_42, %dma_wait3A_59] : memref<128x10240xi32, #tpu.memory_space<hbm>> -> memref<1x10240xi32, #tpu.memory_space<hbm>>
      %dma_wait3A_61 = tpu.memref_squeeze %dma_wait3A_60 : memref<1x10240xi32, #tpu.memory_space<hbm>> -> memref<10240xi32, #tpu.memory_space<hbm>>
      tpu.wait_dma2 semaphore(%run_scoped3A : memref<!tpu.dma_semaphore, #tpu.memory_space<semaphore_mem>>) src(%arg6 : memref<10240xi32, #tpu.memory_space<vmem>>) dst(%dma_wait3A_61 : memref<10240xi32, #tpu.memory_space<hbm>>)
      tpu.yield
    }) : () -> ()
    return
  }
}

#map = affine_map<(d0, d1) -> (0)>
#map1 = affine_map<(d0, d1) -> (0, 0)>
module attributes {stable_mosaic.version = 14 : i64} {
  func.func @_sc_edge_body(%arg0: i32, %arg1: i32, %arg2: memref<160512xi32, #tpu.memory_space<hbm>>, %arg3: memref<160512xi32, #tpu.memory_space<hbm>>, %arg4: memref<160512xf32, #tpu.memory_space<hbm>>, %arg5: memref<10240xf32, #tpu.memory_space<hbm>>, %arg6: memref<10240xf32, #tpu.memory_space<hbm>>, %arg7: memref<160512xf32, #tpu.memory_space<hbm>>, %arg8: memref<160512xi32, #tpu.memory_space<hbm>>, %arg9: memref<32x10240xf32, #tpu.memory_space<hbm>>, %arg10: memref<32x10240xf32, #tpu.memory_space<hbm>>, %arg11: memref<10240xf32, #tpu.memory_space<vmem>>, %arg12: memref<10240xf32, #tpu.memory_space<vmem>>, %arg13: memref<10240xf32, #tpu.memory_space<vmem>>, %arg14: memref<10240xf32, #tpu.memory_space<vmem>>, %arg15: memref<1408xi32, #tpu.memory_space<vmem>>, %arg16: memref<1408xi32, #tpu.memory_space<vmem>>, %arg17: memref<1408xf32, #tpu.memory_space<vmem>>, %arg18: memref<1408xf32, #tpu.memory_space<vmem>>, %arg19: memref<1408xi32, #tpu.memory_space<vmem>>, %arg20: memref<1408xi32, #tpu.memory_space<vmem>>, %arg21: memref<1408xi32, #tpu.memory_space<vmem>>, %arg22: memref<1408xf32, #tpu.memory_space<vmem>>, %arg23: memref<1408xf32, #tpu.memory_space<vmem>>, %arg24: memref<1408xi32, #tpu.memory_space<vmem>>, %arg25: memref<1408xi32, #tpu.memory_space<vmem>>, %arg26: memref<1408xi32, #tpu.memory_space<vmem>>, %arg27: memref<1408xf32, #tpu.memory_space<vmem>>, %arg28: memref<1408xf32, #tpu.memory_space<vmem>>, %arg29: memref<1408xi32, #tpu.memory_space<vmem>>, %arg30: memref<1408xi32, #tpu.memory_space<vmem>>, %arg31: memref<1408xi32, #tpu.memory_space<vmem>>, %arg32: memref<1408xf32, #tpu.memory_space<vmem>>, %arg33: memref<1408xf32, #tpu.memory_space<vmem>>, %arg34: memref<1408xi32, #tpu.memory_space<vmem>>, %arg35: memref<!tpu.dma_semaphore, #tpu.memory_space<semaphore_mem>>, %arg36: memref<!tpu.dma_semaphore, #tpu.memory_space<semaphore_mem>>, %arg37: memref<!tpu.dma_semaphore, #tpu.memory_space<semaphore_mem>>, %arg38: memref<!tpu.dma_semaphore, #tpu.memory_space<semaphore_mem>>, %arg39: memref<!tpu.dma_semaphore, #tpu.memory_space<semaphore_mem>>, %arg40: memref<!tpu.dma_semaphore, #tpu.memory_space<semaphore_mem>>) attributes {dimension_semantics = [#tpu.dimension_semantics<core_parallel>, #tpu.dimension_semantics<subcore_parallel>], iteration_bounds = array<i64: 2, 16>, scalar_prefetch = 0 : i64, scratch_operands = 30 : i64, tpu.core_type = #tpu.core_type<sc_vector_subcore>, window_params = [{transform_indices = #map}, {transform_indices = #map}, {transform_indices = #map}, {transform_indices = #map}, {transform_indices = #map}, {transform_indices = #map}, {transform_indices = #map}, {transform_indices = #map1}, {transform_indices = #map1}]} {
    %mul3A = arith.constant 2 : i32
    %mul3A_0 = arith.muli %arg1, %mul3A : i32
    %add3A = arith.addi %mul3A_0, %arg0 : i32
    tpu.enqueue_dma source(%arg5 : memref<10240xf32, #tpu.memory_space<hbm>>) target(%arg11 : memref<10240xf32, #tpu.memory_space<vmem>>) target_semaphore(%arg35 : memref<!tpu.dma_semaphore, #tpu.memory_space<semaphore_mem>>)
    tpu.enqueue_dma source(%arg6 : memref<10240xf32, #tpu.memory_space<hbm>>) target(%arg12 : memref<10240xf32, #tpu.memory_space<vmem>>) target_semaphore(%arg35 : memref<!tpu.dma_semaphore, #tpu.memory_space<semaphore_mem>>)
    %add3A_1 = arith.constant 0 : i32
    %add3A_2 = arith.addi %add3A, %add3A_1 : i32
    %lt3A = arith.constant 114 : i32
    %lt3A_3 = arith.cmpi slt, %add3A_2, %lt3A : i32
    %convert_element_type3A = arith.extui %lt3A_3 : i1 to i32
    %cond3A = arith.constant 0 : i32
    %cond3A_4 = arith.cmpi ne, %convert_element_type3A, %cond3A : i32
    scf.if %cond3A_4 {
      %mul3A_86 = arith.constant 1408 : i32
      %mul3A_87 = arith.muli %add3A_2, %mul3A_86 : i32
      %dma_start3A = tpu.memref_slice %arg2[%mul3A_87] : memref<160512xi32, #tpu.memory_space<hbm>> -> memref<1408xi32, #tpu.memory_space<hbm>>
      %dma_start3A_88 = tpu.memref_slice %arg2[%mul3A_87] : memref<160512xi32, #tpu.memory_space<hbm>> -> memref<1408xi32, #tpu.memory_space<hbm>>
      tpu.enqueue_dma source(%dma_start3A_88 : memref<1408xi32, #tpu.memory_space<hbm>>) target(%arg15 : memref<1408xi32, #tpu.memory_space<vmem>>) target_semaphore(%arg36 : memref<!tpu.dma_semaphore, #tpu.memory_space<semaphore_mem>>)
      %dma_start3A_89 = tpu.memref_slice %arg3[%mul3A_87] : memref<160512xi32, #tpu.memory_space<hbm>> -> memref<1408xi32, #tpu.memory_space<hbm>>
      %dma_start3A_90 = tpu.memref_slice %arg3[%mul3A_87] : memref<160512xi32, #tpu.memory_space<hbm>> -> memref<1408xi32, #tpu.memory_space<hbm>>
      tpu.enqueue_dma source(%dma_start3A_90 : memref<1408xi32, #tpu.memory_space<hbm>>) target(%arg16 : memref<1408xi32, #tpu.memory_space<vmem>>) target_semaphore(%arg36 : memref<!tpu.dma_semaphore, #tpu.memory_space<semaphore_mem>>)
      %dma_start3A_91 = tpu.memref_slice %arg4[%mul3A_87] : memref<160512xf32, #tpu.memory_space<hbm>> -> memref<1408xf32, #tpu.memory_space<hbm>>
      %dma_start3A_92 = tpu.memref_slice %arg4[%mul3A_87] : memref<160512xf32, #tpu.memory_space<hbm>> -> memref<1408xf32, #tpu.memory_space<hbm>>
      tpu.enqueue_dma source(%dma_start3A_92 : memref<1408xf32, #tpu.memory_space<hbm>>) target(%arg17 : memref<1408xf32, #tpu.memory_space<vmem>>) target_semaphore(%arg36 : memref<!tpu.dma_semaphore, #tpu.memory_space<semaphore_mem>>)
    } else {
    }
    %add3A_5 = arith.constant 32 : i32
    %add3A_6 = arith.addi %add3A, %add3A_5 : i32
    %lt3A_7 = arith.constant 114 : i32
    %lt3A_8 = arith.cmpi slt, %add3A_6, %lt3A_7 : i32
    %convert_element_type3A_9 = arith.extui %lt3A_8 : i1 to i32
    %cond3A_10 = arith.constant 0 : i32
    %cond3A_11 = arith.cmpi ne, %convert_element_type3A_9, %cond3A_10 : i32
    scf.if %cond3A_11 {
      %mul3A_86 = arith.constant 1408 : i32
      %mul3A_87 = arith.muli %add3A_6, %mul3A_86 : i32
      %dma_start3A = tpu.memref_slice %arg2[%mul3A_87] : memref<160512xi32, #tpu.memory_space<hbm>> -> memref<1408xi32, #tpu.memory_space<hbm>>
      %dma_start3A_88 = tpu.memref_slice %arg2[%mul3A_87] : memref<160512xi32, #tpu.memory_space<hbm>> -> memref<1408xi32, #tpu.memory_space<hbm>>
      tpu.enqueue_dma source(%dma_start3A_88 : memref<1408xi32, #tpu.memory_space<hbm>>) target(%arg20 : memref<1408xi32, #tpu.memory_space<vmem>>) target_semaphore(%arg37 : memref<!tpu.dma_semaphore, #tpu.memory_space<semaphore_mem>>)
      %dma_start3A_89 = tpu.memref_slice %arg3[%mul3A_87] : memref<160512xi32, #tpu.memory_space<hbm>> -> memref<1408xi32, #tpu.memory_space<hbm>>
      %dma_start3A_90 = tpu.memref_slice %arg3[%mul3A_87] : memref<160512xi32, #tpu.memory_space<hbm>> -> memref<1408xi32, #tpu.memory_space<hbm>>
      tpu.enqueue_dma source(%dma_start3A_90 : memref<1408xi32, #tpu.memory_space<hbm>>) target(%arg21 : memref<1408xi32, #tpu.memory_space<vmem>>) target_semaphore(%arg37 : memref<!tpu.dma_semaphore, #tpu.memory_space<semaphore_mem>>)
      %dma_start3A_91 = tpu.memref_slice %arg4[%mul3A_87] : memref<160512xf32, #tpu.memory_space<hbm>> -> memref<1408xf32, #tpu.memory_space<hbm>>
      %dma_start3A_92 = tpu.memref_slice %arg4[%mul3A_87] : memref<160512xf32, #tpu.memory_space<hbm>> -> memref<1408xf32, #tpu.memory_space<hbm>>
      tpu.enqueue_dma source(%dma_start3A_92 : memref<1408xf32, #tpu.memory_space<hbm>>) target(%arg22 : memref<1408xf32, #tpu.memory_space<vmem>>) target_semaphore(%arg37 : memref<!tpu.dma_semaphore, #tpu.memory_space<semaphore_mem>>)
    } else {
    }
    %add3A_12 = arith.constant 64 : i32
    %add3A_13 = arith.addi %add3A, %add3A_12 : i32
    %lt3A_14 = arith.constant 114 : i32
    %lt3A_15 = arith.cmpi slt, %add3A_13, %lt3A_14 : i32
    %convert_element_type3A_16 = arith.extui %lt3A_15 : i1 to i32
    %cond3A_17 = arith.constant 0 : i32
    %cond3A_18 = arith.cmpi ne, %convert_element_type3A_16, %cond3A_17 : i32
    scf.if %cond3A_18 {
      %mul3A_86 = arith.constant 1408 : i32
      %mul3A_87 = arith.muli %add3A_13, %mul3A_86 : i32
      %dma_start3A = tpu.memref_slice %arg2[%mul3A_87] : memref<160512xi32, #tpu.memory_space<hbm>> -> memref<1408xi32, #tpu.memory_space<hbm>>
      %dma_start3A_88 = tpu.memref_slice %arg2[%mul3A_87] : memref<160512xi32, #tpu.memory_space<hbm>> -> memref<1408xi32, #tpu.memory_space<hbm>>
      tpu.enqueue_dma source(%dma_start3A_88 : memref<1408xi32, #tpu.memory_space<hbm>>) target(%arg25 : memref<1408xi32, #tpu.memory_space<vmem>>) target_semaphore(%arg38 : memref<!tpu.dma_semaphore, #tpu.memory_space<semaphore_mem>>)
      %dma_start3A_89 = tpu.memref_slice %arg3[%mul3A_87] : memref<160512xi32, #tpu.memory_space<hbm>> -> memref<1408xi32, #tpu.memory_space<hbm>>
      %dma_start3A_90 = tpu.memref_slice %arg3[%mul3A_87] : memref<160512xi32, #tpu.memory_space<hbm>> -> memref<1408xi32, #tpu.memory_space<hbm>>
      tpu.enqueue_dma source(%dma_start3A_90 : memref<1408xi32, #tpu.memory_space<hbm>>) target(%arg26 : memref<1408xi32, #tpu.memory_space<vmem>>) target_semaphore(%arg38 : memref<!tpu.dma_semaphore, #tpu.memory_space<semaphore_mem>>)
      %dma_start3A_91 = tpu.memref_slice %arg4[%mul3A_87] : memref<160512xf32, #tpu.memory_space<hbm>> -> memref<1408xf32, #tpu.memory_space<hbm>>
      %dma_start3A_92 = tpu.memref_slice %arg4[%mul3A_87] : memref<160512xf32, #tpu.memory_space<hbm>> -> memref<1408xf32, #tpu.memory_space<hbm>>
      tpu.enqueue_dma source(%dma_start3A_92 : memref<1408xf32, #tpu.memory_space<hbm>>) target(%arg27 : memref<1408xf32, #tpu.memory_space<vmem>>) target_semaphore(%arg38 : memref<!tpu.dma_semaphore, #tpu.memory_space<semaphore_mem>>)
    } else {
    }
    %add3A_19 = arith.constant 96 : i32
    %add3A_20 = arith.addi %add3A, %add3A_19 : i32
    %lt3A_21 = arith.constant 114 : i32
    %lt3A_22 = arith.cmpi slt, %add3A_20, %lt3A_21 : i32
    %convert_element_type3A_23 = arith.extui %lt3A_22 : i1 to i32
    %cond3A_24 = arith.constant 0 : i32
    %cond3A_25 = arith.cmpi ne, %convert_element_type3A_23, %cond3A_24 : i32
    scf.if %cond3A_25 {
      %mul3A_86 = arith.constant 1408 : i32
      %mul3A_87 = arith.muli %add3A_20, %mul3A_86 : i32
      %dma_start3A = tpu.memref_slice %arg2[%mul3A_87] : memref<160512xi32, #tpu.memory_space<hbm>> -> memref<1408xi32, #tpu.memory_space<hbm>>
      %dma_start3A_88 = tpu.memref_slice %arg2[%mul3A_87] : memref<160512xi32, #tpu.memory_space<hbm>> -> memref<1408xi32, #tpu.memory_space<hbm>>
      tpu.enqueue_dma source(%dma_start3A_88 : memref<1408xi32, #tpu.memory_space<hbm>>) target(%arg30 : memref<1408xi32, #tpu.memory_space<vmem>>) target_semaphore(%arg39 : memref<!tpu.dma_semaphore, #tpu.memory_space<semaphore_mem>>)
      %dma_start3A_89 = tpu.memref_slice %arg3[%mul3A_87] : memref<160512xi32, #tpu.memory_space<hbm>> -> memref<1408xi32, #tpu.memory_space<hbm>>
      %dma_start3A_90 = tpu.memref_slice %arg3[%mul3A_87] : memref<160512xi32, #tpu.memory_space<hbm>> -> memref<1408xi32, #tpu.memory_space<hbm>>
      tpu.enqueue_dma source(%dma_start3A_90 : memref<1408xi32, #tpu.memory_space<hbm>>) target(%arg31 : memref<1408xi32, #tpu.memory_space<vmem>>) target_semaphore(%arg39 : memref<!tpu.dma_semaphore, #tpu.memory_space<semaphore_mem>>)
      %dma_start3A_91 = tpu.memref_slice %arg4[%mul3A_87] : memref<160512xf32, #tpu.memory_space<hbm>> -> memref<1408xf32, #tpu.memory_space<hbm>>
      %dma_start3A_92 = tpu.memref_slice %arg4[%mul3A_87] : memref<160512xf32, #tpu.memory_space<hbm>> -> memref<1408xf32, #tpu.memory_space<hbm>>
      tpu.enqueue_dma source(%dma_start3A_92 : memref<1408xf32, #tpu.memory_space<hbm>>) target(%arg32 : memref<1408xf32, #tpu.memory_space<vmem>>) target_semaphore(%arg39 : memref<!tpu.dma_semaphore, #tpu.memory_space<semaphore_mem>>)
    } else {
    }
    %scan3A = arith.constant 0 : i32
    %scan3A_26 = arith.constant 640 : i32
    %scan3A_27 = arith.addi %scan3A, %scan3A_26 : i32
    %scan3A_28 = arith.constant 1 : i32
    scf.for %scan3A_86 = %scan3A to %scan3A_27 step %scan3A_28  : i32 {
      %mul3A_87 = arith.constant 16 : i32
      %mul3A_88 = arith.muli %scan3A_86, %mul3A_87 : i32
      %add3A_89 = arith.constant 0 : i32
      %add3A_90 = arith.addi %add3A_89, %mul3A_88 : i32
      %broadcast_in_dim3A = arith.constant 0.000000e+00 : f32
      %broadcast_in_dim3A_91 = vector.broadcast %broadcast_in_dim3A : f32 to vector<16xf32>
      %swap3A = arith.index_cast %add3A_90 : i32 to index
      %swap3A_92 = tpu.vector_load %arg13[%swap3A] {strides = array<i32>} : memref<10240xf32, #tpu.memory_space<vmem>>, vector<16xf32>,
      tpu.vector_store %arg13[%swap3A], %broadcast_in_dim3A_91 {strides = array<i32>} : memref<10240xf32, #tpu.memory_space<vmem>>, vector<16xf32>,
      %swap3A_93 = arith.index_cast %add3A_90 : i32 to index
      %swap3A_94 = tpu.vector_load %arg14[%swap3A_93] {strides = array<i32>} : memref<10240xf32, #tpu.memory_space<vmem>>, vector<16xf32>,
      tpu.vector_store %arg14[%swap3A_93], %broadcast_in_dim3A_91 {strides = array<i32>} : memref<10240xf32, #tpu.memory_space<vmem>>, vector<16xf32>,
    }
    %scan3A_29 = arith.constant 640 : i32
    tpu.wait_dma2 semaphore(%arg35 : memref<!tpu.dma_semaphore, #tpu.memory_space<semaphore_mem>>) src(%arg5 : memref<10240xf32, #tpu.memory_space<hbm>>) dst(%arg11 : memref<10240xf32, #tpu.memory_space<vmem>>)
    tpu.wait_dma2 semaphore(%arg35 : memref<!tpu.dma_semaphore, #tpu.memory_space<semaphore_mem>>) src(%arg6 : memref<10240xf32, #tpu.memory_space<hbm>>) dst(%arg12 : memref<10240xf32, #tpu.memory_space<vmem>>)
    %add3A_30 = arith.constant 0 : i32
    %add3A_31 = arith.addi %add3A, %add3A_30 : i32
    %lt3A_32 = arith.constant 114 : i32
    %lt3A_33 = arith.cmpi slt, %add3A_31, %lt3A_32 : i32
    %convert_element_type3A_34 = arith.extui %lt3A_33 : i1 to i32
    %cond3A_35 = arith.constant 0 : i32
    %cond3A_36 = arith.cmpi ne, %convert_element_type3A_34, %cond3A_35 : i32
    scf.if %cond3A_36 {
      %mul3A_86 = arith.constant 1408 : i32
      %mul3A_87 = arith.muli %add3A_31, %mul3A_86 : i32
      %dma_wait3A = tpu.memref_slice %arg2[%mul3A_87] : memref<160512xi32, #tpu.memory_space<hbm>> -> memref<1408xi32, #tpu.memory_space<hbm>>
      %dma_wait3A_88 = tpu.memref_slice %arg2[%mul3A_87] : memref<160512xi32, #tpu.memory_space<hbm>> -> memref<1408xi32, #tpu.memory_space<hbm>>
      tpu.wait_dma2 semaphore(%arg36 : memref<!tpu.dma_semaphore, #tpu.memory_space<semaphore_mem>>) src(%dma_wait3A_88 : memref<1408xi32, #tpu.memory_space<hbm>>) dst(%arg15 : memref<1408xi32, #tpu.memory_space<vmem>>)
      %dma_wait3A_89 = tpu.memref_slice %arg3[%mul3A_87] : memref<160512xi32, #tpu.memory_space<hbm>> -> memref<1408xi32, #tpu.memory_space<hbm>>
      %dma_wait3A_90 = tpu.memref_slice %arg3[%mul3A_87] : memref<160512xi32, #tpu.memory_space<hbm>> -> memref<1408xi32, #tpu.memory_space<hbm>>
      tpu.wait_dma2 semaphore(%arg36 : memref<!tpu.dma_semaphore, #tpu.memory_space<semaphore_mem>>) src(%dma_wait3A_90 : memref<1408xi32, #tpu.memory_space<hbm>>) dst(%arg16 : memref<1408xi32, #tpu.memory_space<vmem>>)
      %dma_wait3A_91 = tpu.memref_slice %arg4[%mul3A_87] : memref<160512xf32, #tpu.memory_space<hbm>> -> memref<1408xf32, #tpu.memory_space<hbm>>
      %dma_wait3A_92 = tpu.memref_slice %arg4[%mul3A_87] : memref<160512xf32, #tpu.memory_space<hbm>> -> memref<1408xf32, #tpu.memory_space<hbm>>
      tpu.wait_dma2 semaphore(%arg36 : memref<!tpu.dma_semaphore, #tpu.memory_space<semaphore_mem>>) src(%dma_wait3A_92 : memref<1408xf32, #tpu.memory_space<hbm>>) dst(%arg17 : memref<1408xf32, #tpu.memory_space<vmem>>)
      %parallel_loop3A = arith.constant 0 : i32
      %parallel_loop3A_93 = arith.constant 1408 : i32
      %parallel_loop3A_94 = arith.constant 16 : i32
      scf.for %parallel_loop3A_98 = %parallel_loop3A to %parallel_loop3A_93 step %parallel_loop3A_94  : i32 {
        %parallel_loop3A_99 = arith.index_cast %parallel_loop3A_98 : i32 to index
        %parallel_loop3A_100 = tpu.vector_load %arg15[%parallel_loop3A_99] {strides = array<i32>} : memref<1408xi32, #tpu.memory_space<vmem>>, vector<16xi32>,
        %parallel_loop3A_101 = arith.index_cast %parallel_loop3A_98 : i32 to index
        %parallel_loop3A_102 = tpu.vector_load %arg16[%parallel_loop3A_101] {strides = array<i32>} : memref<1408xi32, #tpu.memory_space<vmem>>, vector<16xi32>,
        %parallel_loop3A_103 = arith.constant 16384 : i32
        %parallel_loop3A_104 = vector.broadcast %parallel_loop3A_103 : i32 to vector<16xi32>
        %parallel_loop3A_105 = arith.muli %parallel_loop3A_100, %parallel_loop3A_104 : vector<16xi32>
        %parallel_loop3A_106 = arith.addi %parallel_loop3A_105, %parallel_loop3A_102 : vector<16xi32>
        %parallel_loop3A_107 = arith.index_cast %parallel_loop3A_98 : i32 to index
        %parallel_loop3A_108 = tpu.vector_load %arg19[%parallel_loop3A_107] {strides = array<i32>} : memref<1408xi32, #tpu.memory_space<vmem>>, vector<16xi32>,
        tpu.vector_store %arg19[%parallel_loop3A_107], %parallel_loop3A_106 {strides = array<i32>} : memref<1408xi32, #tpu.memory_space<vmem>>, vector<16xi32>,
        %parallel_loop3A_109 = tpu.vector_load_idx %arg11[%parallel_loop3A_100] : memref<10240xf32, #tpu.memory_space<vmem>>[vector<16xi32>], vector<16xf32>,
        %parallel_loop3A_110 = tpu.vector_load_idx %arg12[%parallel_loop3A_102] : memref<10240xf32, #tpu.memory_space<vmem>>[vector<16xi32>], vector<16xf32>,
        %parallel_loop3A_111 = arith.addf %parallel_loop3A_109, %parallel_loop3A_110 : vector<16xf32>
        %parallel_loop3A_112 = arith.constant 0.000000e+00 : f32
        %parallel_loop3A_113 = vector.broadcast %parallel_loop3A_112 : f32 to vector<16xf32>
        %parallel_loop3A_114 = arith.cmpf ogt, %parallel_loop3A_111, %parallel_loop3A_113 : vector<16xf32>
        %parallel_loop3A_115 = arith.constant 2.000000e-01 : f32
        %parallel_loop3A_116 = vector.broadcast %parallel_loop3A_115 : f32 to vector<16xf32>
        %parallel_loop3A_117 = arith.mulf %parallel_loop3A_116, %parallel_loop3A_111 : vector<16xf32>
        %parallel_loop3A_118 = arith.select %parallel_loop3A_114, %parallel_loop3A_111, %parallel_loop3A_117 : vector<16xi1>, vector<16xf32>
        %parallel_loop3A_119 = arith.index_cast %parallel_loop3A_98 : i32 to index
        %parallel_loop3A_120 = tpu.vector_load %arg17[%parallel_loop3A_119] {strides = array<i32>} : memref<1408xf32, #tpu.memory_space<vmem>>, vector<16xf32>,
        %parallel_loop3A_121 = arith.mulf %parallel_loop3A_120, %parallel_loop3A_118 : vector<16xf32>
        %parallel_loop3A_122 = math.exp %parallel_loop3A_121 : vector<16xf32>
        %parallel_loop3A_123 = arith.index_cast %parallel_loop3A_98 : i32 to index
        %parallel_loop3A_124 = tpu.vector_load %arg18[%parallel_loop3A_123] {strides = array<i32>} : memref<1408xf32, #tpu.memory_space<vmem>>, vector<16xf32>,
        tpu.vector_store %arg18[%parallel_loop3A_123], %parallel_loop3A_122 {strides = array<i32>} : memref<1408xf32, #tpu.memory_space<vmem>>, vector<16xf32>,
        tpu.vector_store_idx %arg13[%parallel_loop3A_100], %parallel_loop3A_122 {add = true} : memref<10240xf32, #tpu.memory_space<vmem>>[vector<16xi32>], vector<16xf32>,
        %parallel_loop3A_125 = arith.constant 1.000000e+00 : f32
        %parallel_loop3A_126 = vector.broadcast %parallel_loop3A_125 : f32 to vector<16xf32>
        tpu.vector_store_idx %arg14[%parallel_loop3A_100], %parallel_loop3A_126 {add = true} : memref<10240xf32, #tpu.memory_space<vmem>>[vector<16xi32>], vector<16xf32>,
      } {sc.loop_unroll_factor = 1 : i64, sc.parallel_access}
      %dma_start3A = tpu.memref_slice %arg7[%mul3A_87] : memref<160512xf32, #tpu.memory_space<hbm>> -> memref<1408xf32, #tpu.memory_space<hbm>>
      %dma_start3A_95 = tpu.memref_slice %arg7[%mul3A_87] : memref<160512xf32, #tpu.memory_space<hbm>> -> memref<1408xf32, #tpu.memory_space<hbm>>
      tpu.enqueue_dma source(%arg18 : memref<1408xf32, #tpu.memory_space<vmem>>) target(%dma_start3A_95 : memref<1408xf32, #tpu.memory_space<hbm>>) target_semaphore(%arg40 : memref<!tpu.dma_semaphore, #tpu.memory_space<semaphore_mem>>)
      %dma_start3A_96 = tpu.memref_slice %arg8[%mul3A_87] : memref<160512xi32, #tpu.memory_space<hbm>> -> memref<1408xi32, #tpu.memory_space<hbm>>
      %dma_start3A_97 = tpu.memref_slice %arg8[%mul3A_87] : memref<160512xi32, #tpu.memory_space<hbm>> -> memref<1408xi32, #tpu.memory_space<hbm>>
      tpu.enqueue_dma source(%arg19 : memref<1408xi32, #tpu.memory_space<vmem>>) target(%dma_start3A_97 : memref<1408xi32, #tpu.memory_space<hbm>>) target_semaphore(%arg40 : memref<!tpu.dma_semaphore, #tpu.memory_space<semaphore_mem>>)
    } else {
    }
    %add3A_37 = arith.constant 32 : i32
    %add3A_38 = arith.addi %add3A, %add3A_37 : i32
    %lt3A_39 = arith.constant 114 : i32
    %lt3A_40 = arith.cmpi slt, %add3A_38, %lt3A_39 : i32
    %convert_element_type3A_41 = arith.extui %lt3A_40 : i1 to i32
    %cond3A_42 = arith.constant 0 : i32
    %cond3A_43 = arith.cmpi ne, %convert_element_type3A_41, %cond3A_42 : i32
    scf.if %cond3A_43 {
      %mul3A_86 = arith.constant 1408 : i32
      %mul3A_87 = arith.muli %add3A_38, %mul3A_86 : i32
      %dma_wait3A = tpu.memref_slice %arg2[%mul3A_87] : memref<160512xi32, #tpu.memory_space<hbm>> -> memref<1408xi32, #tpu.memory_space<hbm>>
      %dma_wait3A_88 = tpu.memref_slice %arg2[%mul3A_87] : memref<160512xi32, #tpu.memory_space<hbm>> -> memref<1408xi32, #tpu.memory_space<hbm>>
      tpu.wait_dma2 semaphore(%arg37 : memref<!tpu.dma_semaphore, #tpu.memory_space<semaphore_mem>>) src(%dma_wait3A_88 : memref<1408xi32, #tpu.memory_space<hbm>>) dst(%arg20 : memref<1408xi32, #tpu.memory_space<vmem>>)
      %dma_wait3A_89 = tpu.memref_slice %arg3[%mul3A_87] : memref<160512xi32, #tpu.memory_space<hbm>> -> memref<1408xi32, #tpu.memory_space<hbm>>
      %dma_wait3A_90 = tpu.memref_slice %arg3[%mul3A_87] : memref<160512xi32, #tpu.memory_space<hbm>> -> memref<1408xi32, #tpu.memory_space<hbm>>
      tpu.wait_dma2 semaphore(%arg37 : memref<!tpu.dma_semaphore, #tpu.memory_space<semaphore_mem>>) src(%dma_wait3A_90 : memref<1408xi32, #tpu.memory_space<hbm>>) dst(%arg21 : memref<1408xi32, #tpu.memory_space<vmem>>)
      %dma_wait3A_91 = tpu.memref_slice %arg4[%mul3A_87] : memref<160512xf32, #tpu.memory_space<hbm>> -> memref<1408xf32, #tpu.memory_space<hbm>>
      %dma_wait3A_92 = tpu.memref_slice %arg4[%mul3A_87] : memref<160512xf32, #tpu.memory_space<hbm>> -> memref<1408xf32, #tpu.memory_space<hbm>>
      tpu.wait_dma2 semaphore(%arg37 : memref<!tpu.dma_semaphore, #tpu.memory_space<semaphore_mem>>) src(%dma_wait3A_92 : memref<1408xf32, #tpu.memory_space<hbm>>) dst(%arg22 : memref<1408xf32, #tpu.memory_space<vmem>>)
      %parallel_loop3A = arith.constant 0 : i32
      %parallel_loop3A_93 = arith.constant 1408 : i32
      %parallel_loop3A_94 = arith.constant 16 : i32
      scf.for %parallel_loop3A_98 = %parallel_loop3A to %parallel_loop3A_93 step %parallel_loop3A_94  : i32 {
        %parallel_loop3A_99 = arith.index_cast %parallel_loop3A_98 : i32 to index
        %parallel_loop3A_100 = tpu.vector_load %arg20[%parallel_loop3A_99] {strides = array<i32>} : memref<1408xi32, #tpu.memory_space<vmem>>, vector<16xi32>,
        %parallel_loop3A_101 = arith.index_cast %parallel_loop3A_98 : i32 to index
        %parallel_loop3A_102 = tpu.vector_load %arg21[%parallel_loop3A_101] {strides = array<i32>} : memref<1408xi32, #tpu.memory_space<vmem>>, vector<16xi32>,
        %parallel_loop3A_103 = arith.constant 16384 : i32
        %parallel_loop3A_104 = vector.broadcast %parallel_loop3A_103 : i32 to vector<16xi32>
        %parallel_loop3A_105 = arith.muli %parallel_loop3A_100, %parallel_loop3A_104 : vector<16xi32>
        %parallel_loop3A_106 = arith.addi %parallel_loop3A_105, %parallel_loop3A_102 : vector<16xi32>
        %parallel_loop3A_107 = arith.index_cast %parallel_loop3A_98 : i32 to index
        %parallel_loop3A_108 = tpu.vector_load %arg24[%parallel_loop3A_107] {strides = array<i32>} : memref<1408xi32, #tpu.memory_space<vmem>>, vector<16xi32>,
        tpu.vector_store %arg24[%parallel_loop3A_107], %parallel_loop3A_106 {strides = array<i32>} : memref<1408xi32, #tpu.memory_space<vmem>>, vector<16xi32>,
        %parallel_loop3A_109 = tpu.vector_load_idx %arg11[%parallel_loop3A_100] : memref<10240xf32, #tpu.memory_space<vmem>>[vector<16xi32>], vector<16xf32>,
        %parallel_loop3A_110 = tpu.vector_load_idx %arg12[%parallel_loop3A_102] : memref<10240xf32, #tpu.memory_space<vmem>>[vector<16xi32>], vector<16xf32>,
        %parallel_loop3A_111 = arith.addf %parallel_loop3A_109, %parallel_loop3A_110 : vector<16xf32>
        %parallel_loop3A_112 = arith.constant 0.000000e+00 : f32
        %parallel_loop3A_113 = vector.broadcast %parallel_loop3A_112 : f32 to vector<16xf32>
        %parallel_loop3A_114 = arith.cmpf ogt, %parallel_loop3A_111, %parallel_loop3A_113 : vector<16xf32>
        %parallel_loop3A_115 = arith.constant 2.000000e-01 : f32
        %parallel_loop3A_116 = vector.broadcast %parallel_loop3A_115 : f32 to vector<16xf32>
        %parallel_loop3A_117 = arith.mulf %parallel_loop3A_116, %parallel_loop3A_111 : vector<16xf32>
        %parallel_loop3A_118 = arith.select %parallel_loop3A_114, %parallel_loop3A_111, %parallel_loop3A_117 : vector<16xi1>, vector<16xf32>
        %parallel_loop3A_119 = arith.index_cast %parallel_loop3A_98 : i32 to index
        %parallel_loop3A_120 = tpu.vector_load %arg22[%parallel_loop3A_119] {strides = array<i32>} : memref<1408xf32, #tpu.memory_space<vmem>>, vector<16xf32>,
        %parallel_loop3A_121 = arith.mulf %parallel_loop3A_120, %parallel_loop3A_118 : vector<16xf32>
        %parallel_loop3A_122 = math.exp %parallel_loop3A_121 : vector<16xf32>
        %parallel_loop3A_123 = arith.index_cast %parallel_loop3A_98 : i32 to index
        %parallel_loop3A_124 = tpu.vector_load %arg23[%parallel_loop3A_123] {strides = array<i32>} : memref<1408xf32, #tpu.memory_space<vmem>>, vector<16xf32>,
        tpu.vector_store %arg23[%parallel_loop3A_123], %parallel_loop3A_122 {strides = array<i32>} : memref<1408xf32, #tpu.memory_space<vmem>>, vector<16xf32>,
        tpu.vector_store_idx %arg13[%parallel_loop3A_100], %parallel_loop3A_122 {add = true} : memref<10240xf32, #tpu.memory_space<vmem>>[vector<16xi32>], vector<16xf32>,
        %parallel_loop3A_125 = arith.constant 1.000000e+00 : f32
        %parallel_loop3A_126 = vector.broadcast %parallel_loop3A_125 : f32 to vector<16xf32>
        tpu.vector_store_idx %arg14[%parallel_loop3A_100], %parallel_loop3A_126 {add = true} : memref<10240xf32, #tpu.memory_space<vmem>>[vector<16xi32>], vector<16xf32>,
      } {sc.loop_unroll_factor = 1 : i64, sc.parallel_access}
      %dma_start3A = tpu.memref_slice %arg7[%mul3A_87] : memref<160512xf32, #tpu.memory_space<hbm>> -> memref<1408xf32, #tpu.memory_space<hbm>>
      %dma_start3A_95 = tpu.memref_slice %arg7[%mul3A_87] : memref<160512xf32, #tpu.memory_space<hbm>> -> memref<1408xf32, #tpu.memory_space<hbm>>
      tpu.enqueue_dma source(%arg23 : memref<1408xf32, #tpu.memory_space<vmem>>) target(%dma_start3A_95 : memref<1408xf32, #tpu.memory_space<hbm>>) target_semaphore(%arg40 : memref<!tpu.dma_semaphore, #tpu.memory_space<semaphore_mem>>)
      %dma_start3A_96 = tpu.memref_slice %arg8[%mul3A_87] : memref<160512xi32, #tpu.memory_space<hbm>> -> memref<1408xi32, #tpu.memory_space<hbm>>
      %dma_start3A_97 = tpu.memref_slice %arg8[%mul3A_87] : memref<160512xi32, #tpu.memory_space<hbm>> -> memref<1408xi32, #tpu.memory_space<hbm>>
      tpu.enqueue_dma source(%arg24 : memref<1408xi32, #tpu.memory_space<vmem>>) target(%dma_start3A_97 : memref<1408xi32, #tpu.memory_space<hbm>>) target_semaphore(%arg40 : memref<!tpu.dma_semaphore, #tpu.memory_space<semaphore_mem>>)
    } else {
    }
    %add3A_44 = arith.constant 64 : i32
    %add3A_45 = arith.addi %add3A, %add3A_44 : i32
    %lt3A_46 = arith.constant 114 : i32
    %lt3A_47 = arith.cmpi slt, %add3A_45, %lt3A_46 : i32
    %convert_element_type3A_48 = arith.extui %lt3A_47 : i1 to i32
    %cond3A_49 = arith.constant 0 : i32
    %cond3A_50 = arith.cmpi ne, %convert_element_type3A_48, %cond3A_49 : i32
    scf.if %cond3A_50 {
      %mul3A_86 = arith.constant 1408 : i32
      %mul3A_87 = arith.muli %add3A_45, %mul3A_86 : i32
      %dma_wait3A = tpu.memref_slice %arg2[%mul3A_87] : memref<160512xi32, #tpu.memory_space<hbm>> -> memref<1408xi32, #tpu.memory_space<hbm>>
      %dma_wait3A_88 = tpu.memref_slice %arg2[%mul3A_87] : memref<160512xi32, #tpu.memory_space<hbm>> -> memref<1408xi32, #tpu.memory_space<hbm>>
      tpu.wait_dma2 semaphore(%arg38 : memref<!tpu.dma_semaphore, #tpu.memory_space<semaphore_mem>>) src(%dma_wait3A_88 : memref<1408xi32, #tpu.memory_space<hbm>>) dst(%arg25 : memref<1408xi32, #tpu.memory_space<vmem>>)
      %dma_wait3A_89 = tpu.memref_slice %arg3[%mul3A_87] : memref<160512xi32, #tpu.memory_space<hbm>> -> memref<1408xi32, #tpu.memory_space<hbm>>
      %dma_wait3A_90 = tpu.memref_slice %arg3[%mul3A_87] : memref<160512xi32, #tpu.memory_space<hbm>> -> memref<1408xi32, #tpu.memory_space<hbm>>
      tpu.wait_dma2 semaphore(%arg38 : memref<!tpu.dma_semaphore, #tpu.memory_space<semaphore_mem>>) src(%dma_wait3A_90 : memref<1408xi32, #tpu.memory_space<hbm>>) dst(%arg26 : memref<1408xi32, #tpu.memory_space<vmem>>)
      %dma_wait3A_91 = tpu.memref_slice %arg4[%mul3A_87] : memref<160512xf32, #tpu.memory_space<hbm>> -> memref<1408xf32, #tpu.memory_space<hbm>>
      %dma_wait3A_92 = tpu.memref_slice %arg4[%mul3A_87] : memref<160512xf32, #tpu.memory_space<hbm>> -> memref<1408xf32, #tpu.memory_space<hbm>>
      tpu.wait_dma2 semaphore(%arg38 : memref<!tpu.dma_semaphore, #tpu.memory_space<semaphore_mem>>) src(%dma_wait3A_92 : memref<1408xf32, #tpu.memory_space<hbm>>) dst(%arg27 : memref<1408xf32, #tpu.memory_space<vmem>>)
      %parallel_loop3A = arith.constant 0 : i32
      %parallel_loop3A_93 = arith.constant 1408 : i32
      %parallel_loop3A_94 = arith.constant 16 : i32
      scf.for %parallel_loop3A_98 = %parallel_loop3A to %parallel_loop3A_93 step %parallel_loop3A_94  : i32 {
        %parallel_loop3A_99 = arith.index_cast %parallel_loop3A_98 : i32 to index
        %parallel_loop3A_100 = tpu.vector_load %arg25[%parallel_loop3A_99] {strides = array<i32>} : memref<1408xi32, #tpu.memory_space<vmem>>, vector<16xi32>,
        %parallel_loop3A_101 = arith.index_cast %parallel_loop3A_98 : i32 to index
        %parallel_loop3A_102 = tpu.vector_load %arg26[%parallel_loop3A_101] {strides = array<i32>} : memref<1408xi32, #tpu.memory_space<vmem>>, vector<16xi32>,
        %parallel_loop3A_103 = arith.constant 16384 : i32
        %parallel_loop3A_104 = vector.broadcast %parallel_loop3A_103 : i32 to vector<16xi32>
        %parallel_loop3A_105 = arith.muli %parallel_loop3A_100, %parallel_loop3A_104 : vector<16xi32>
        %parallel_loop3A_106 = arith.addi %parallel_loop3A_105, %parallel_loop3A_102 : vector<16xi32>
        %parallel_loop3A_107 = arith.index_cast %parallel_loop3A_98 : i32 to index
        %parallel_loop3A_108 = tpu.vector_load %arg29[%parallel_loop3A_107] {strides = array<i32>} : memref<1408xi32, #tpu.memory_space<vmem>>, vector<16xi32>,
        tpu.vector_store %arg29[%parallel_loop3A_107], %parallel_loop3A_106 {strides = array<i32>} : memref<1408xi32, #tpu.memory_space<vmem>>, vector<16xi32>,
        %parallel_loop3A_109 = tpu.vector_load_idx %arg11[%parallel_loop3A_100] : memref<10240xf32, #tpu.memory_space<vmem>>[vector<16xi32>], vector<16xf32>,
        %parallel_loop3A_110 = tpu.vector_load_idx %arg12[%parallel_loop3A_102] : memref<10240xf32, #tpu.memory_space<vmem>>[vector<16xi32>], vector<16xf32>,
        %parallel_loop3A_111 = arith.addf %parallel_loop3A_109, %parallel_loop3A_110 : vector<16xf32>
        %parallel_loop3A_112 = arith.constant 0.000000e+00 : f32
        %parallel_loop3A_113 = vector.broadcast %parallel_loop3A_112 : f32 to vector<16xf32>
        %parallel_loop3A_114 = arith.cmpf ogt, %parallel_loop3A_111, %parallel_loop3A_113 : vector<16xf32>
        %parallel_loop3A_115 = arith.constant 2.000000e-01 : f32
        %parallel_loop3A_116 = vector.broadcast %parallel_loop3A_115 : f32 to vector<16xf32>
        %parallel_loop3A_117 = arith.mulf %parallel_loop3A_116, %parallel_loop3A_111 : vector<16xf32>
        %parallel_loop3A_118 = arith.select %parallel_loop3A_114, %parallel_loop3A_111, %parallel_loop3A_117 : vector<16xi1>, vector<16xf32>
        %parallel_loop3A_119 = arith.index_cast %parallel_loop3A_98 : i32 to index
        %parallel_loop3A_120 = tpu.vector_load %arg27[%parallel_loop3A_119] {strides = array<i32>} : memref<1408xf32, #tpu.memory_space<vmem>>, vector<16xf32>,
        %parallel_loop3A_121 = arith.mulf %parallel_loop3A_120, %parallel_loop3A_118 : vector<16xf32>
        %parallel_loop3A_122 = math.exp %parallel_loop3A_121 : vector<16xf32>
        %parallel_loop3A_123 = arith.index_cast %parallel_loop3A_98 : i32 to index
        %parallel_loop3A_124 = tpu.vector_load %arg28[%parallel_loop3A_123] {strides = array<i32>} : memref<1408xf32, #tpu.memory_space<vmem>>, vector<16xf32>,
        tpu.vector_store %arg28[%parallel_loop3A_123], %parallel_loop3A_122 {strides = array<i32>} : memref<1408xf32, #tpu.memory_space<vmem>>, vector<16xf32>,
        tpu.vector_store_idx %arg13[%parallel_loop3A_100], %parallel_loop3A_122 {add = true} : memref<10240xf32, #tpu.memory_space<vmem>>[vector<16xi32>], vector<16xf32>,
        %parallel_loop3A_125 = arith.constant 1.000000e+00 : f32
        %parallel_loop3A_126 = vector.broadcast %parallel_loop3A_125 : f32 to vector<16xf32>
        tpu.vector_store_idx %arg14[%parallel_loop3A_100], %parallel_loop3A_126 {add = true} : memref<10240xf32, #tpu.memory_space<vmem>>[vector<16xi32>], vector<16xf32>,
      } {sc.loop_unroll_factor = 1 : i64, sc.parallel_access}
      %dma_start3A = tpu.memref_slice %arg7[%mul3A_87] : memref<160512xf32, #tpu.memory_space<hbm>> -> memref<1408xf32, #tpu.memory_space<hbm>>
      %dma_start3A_95 = tpu.memref_slice %arg7[%mul3A_87] : memref<160512xf32, #tpu.memory_space<hbm>> -> memref<1408xf32, #tpu.memory_space<hbm>>
      tpu.enqueue_dma source(%arg28 : memref<1408xf32, #tpu.memory_space<vmem>>) target(%dma_start3A_95 : memref<1408xf32, #tpu.memory_space<hbm>>) target_semaphore(%arg40 : memref<!tpu.dma_semaphore, #tpu.memory_space<semaphore_mem>>)
      %dma_start3A_96 = tpu.memref_slice %arg8[%mul3A_87] : memref<160512xi32, #tpu.memory_space<hbm>> -> memref<1408xi32, #tpu.memory_space<hbm>>
      %dma_start3A_97 = tpu.memref_slice %arg8[%mul3A_87] : memref<160512xi32, #tpu.memory_space<hbm>> -> memref<1408xi32, #tpu.memory_space<hbm>>
      tpu.enqueue_dma source(%arg29 : memref<1408xi32, #tpu.memory_space<vmem>>) target(%dma_start3A_97 : memref<1408xi32, #tpu.memory_space<hbm>>) target_semaphore(%arg40 : memref<!tpu.dma_semaphore, #tpu.memory_space<semaphore_mem>>)
    } else {
    }
    %add3A_51 = arith.constant 96 : i32
    %add3A_52 = arith.addi %add3A, %add3A_51 : i32
    %lt3A_53 = arith.constant 114 : i32
    %lt3A_54 = arith.cmpi slt, %add3A_52, %lt3A_53 : i32
    %convert_element_type3A_55 = arith.extui %lt3A_54 : i1 to i32
    %cond3A_56 = arith.constant 0 : i32
    %cond3A_57 = arith.cmpi ne, %convert_element_type3A_55, %cond3A_56 : i32
    scf.if %cond3A_57 {
      %mul3A_86 = arith.constant 1408 : i32
      %mul3A_87 = arith.muli %add3A_52, %mul3A_86 : i32
      %dma_wait3A = tpu.memref_slice %arg2[%mul3A_87] : memref<160512xi32, #tpu.memory_space<hbm>> -> memref<1408xi32, #tpu.memory_space<hbm>>
      %dma_wait3A_88 = tpu.memref_slice %arg2[%mul3A_87] : memref<160512xi32, #tpu.memory_space<hbm>> -> memref<1408xi32, #tpu.memory_space<hbm>>
      tpu.wait_dma2 semaphore(%arg39 : memref<!tpu.dma_semaphore, #tpu.memory_space<semaphore_mem>>) src(%dma_wait3A_88 : memref<1408xi32, #tpu.memory_space<hbm>>) dst(%arg30 : memref<1408xi32, #tpu.memory_space<vmem>>)
      %dma_wait3A_89 = tpu.memref_slice %arg3[%mul3A_87] : memref<160512xi32, #tpu.memory_space<hbm>> -> memref<1408xi32, #tpu.memory_space<hbm>>
      %dma_wait3A_90 = tpu.memref_slice %arg3[%mul3A_87] : memref<160512xi32, #tpu.memory_space<hbm>> -> memref<1408xi32, #tpu.memory_space<hbm>>
      tpu.wait_dma2 semaphore(%arg39 : memref<!tpu.dma_semaphore, #tpu.memory_space<semaphore_mem>>) src(%dma_wait3A_90 : memref<1408xi32, #tpu.memory_space<hbm>>) dst(%arg31 : memref<1408xi32, #tpu.memory_space<vmem>>)
      %dma_wait3A_91 = tpu.memref_slice %arg4[%mul3A_87] : memref<160512xf32, #tpu.memory_space<hbm>> -> memref<1408xf32, #tpu.memory_space<hbm>>
      %dma_wait3A_92 = tpu.memref_slice %arg4[%mul3A_87] : memref<160512xf32, #tpu.memory_space<hbm>> -> memref<1408xf32, #tpu.memory_space<hbm>>
      tpu.wait_dma2 semaphore(%arg39 : memref<!tpu.dma_semaphore, #tpu.memory_space<semaphore_mem>>) src(%dma_wait3A_92 : memref<1408xf32, #tpu.memory_space<hbm>>) dst(%arg32 : memref<1408xf32, #tpu.memory_space<vmem>>)
      %parallel_loop3A = arith.constant 0 : i32
      %parallel_loop3A_93 = arith.constant 1408 : i32
      %parallel_loop3A_94 = arith.constant 16 : i32
      scf.for %parallel_loop3A_98 = %parallel_loop3A to %parallel_loop3A_93 step %parallel_loop3A_94  : i32 {
        %parallel_loop3A_99 = arith.index_cast %parallel_loop3A_98 : i32 to index
        %parallel_loop3A_100 = tpu.vector_load %arg30[%parallel_loop3A_99] {strides = array<i32>} : memref<1408xi32, #tpu.memory_space<vmem>>, vector<16xi32>,
        %parallel_loop3A_101 = arith.index_cast %parallel_loop3A_98 : i32 to index
        %parallel_loop3A_102 = tpu.vector_load %arg31[%parallel_loop3A_101] {strides = array<i32>} : memref<1408xi32, #tpu.memory_space<vmem>>, vector<16xi32>,
        %parallel_loop3A_103 = arith.constant 16384 : i32
        %parallel_loop3A_104 = vector.broadcast %parallel_loop3A_103 : i32 to vector<16xi32>
        %parallel_loop3A_105 = arith.muli %parallel_loop3A_100, %parallel_loop3A_104 : vector<16xi32>
        %parallel_loop3A_106 = arith.addi %parallel_loop3A_105, %parallel_loop3A_102 : vector<16xi32>
        %parallel_loop3A_107 = arith.index_cast %parallel_loop3A_98 : i32 to index
        %parallel_loop3A_108 = tpu.vector_load %arg34[%parallel_loop3A_107] {strides = array<i32>} : memref<1408xi32, #tpu.memory_space<vmem>>, vector<16xi32>,
        tpu.vector_store %arg34[%parallel_loop3A_107], %parallel_loop3A_106 {strides = array<i32>} : memref<1408xi32, #tpu.memory_space<vmem>>, vector<16xi32>,
        %parallel_loop3A_109 = tpu.vector_load_idx %arg11[%parallel_loop3A_100] : memref<10240xf32, #tpu.memory_space<vmem>>[vector<16xi32>], vector<16xf32>,
        %parallel_loop3A_110 = tpu.vector_load_idx %arg12[%parallel_loop3A_102] : memref<10240xf32, #tpu.memory_space<vmem>>[vector<16xi32>], vector<16xf32>,
        %parallel_loop3A_111 = arith.addf %parallel_loop3A_109, %parallel_loop3A_110 : vector<16xf32>
        %parallel_loop3A_112 = arith.constant 0.000000e+00 : f32
        %parallel_loop3A_113 = vector.broadcast %parallel_loop3A_112 : f32 to vector<16xf32>
        %parallel_loop3A_114 = arith.cmpf ogt, %parallel_loop3A_111, %parallel_loop3A_113 : vector<16xf32>
        %parallel_loop3A_115 = arith.constant 2.000000e-01 : f32
        %parallel_loop3A_116 = vector.broadcast %parallel_loop3A_115 : f32 to vector<16xf32>
        %parallel_loop3A_117 = arith.mulf %parallel_loop3A_116, %parallel_loop3A_111 : vector<16xf32>
        %parallel_loop3A_118 = arith.select %parallel_loop3A_114, %parallel_loop3A_111, %parallel_loop3A_117 : vector<16xi1>, vector<16xf32>
        %parallel_loop3A_119 = arith.index_cast %parallel_loop3A_98 : i32 to index
        %parallel_loop3A_120 = tpu.vector_load %arg32[%parallel_loop3A_119] {strides = array<i32>} : memref<1408xf32, #tpu.memory_space<vmem>>, vector<16xf32>,
        %parallel_loop3A_121 = arith.mulf %parallel_loop3A_120, %parallel_loop3A_118 : vector<16xf32>
        %parallel_loop3A_122 = math.exp %parallel_loop3A_121 : vector<16xf32>
        %parallel_loop3A_123 = arith.index_cast %parallel_loop3A_98 : i32 to index
        %parallel_loop3A_124 = tpu.vector_load %arg33[%parallel_loop3A_123] {strides = array<i32>} : memref<1408xf32, #tpu.memory_space<vmem>>, vector<16xf32>,
        tpu.vector_store %arg33[%parallel_loop3A_123], %parallel_loop3A_122 {strides = array<i32>} : memref<1408xf32, #tpu.memory_space<vmem>>, vector<16xf32>,
        tpu.vector_store_idx %arg13[%parallel_loop3A_100], %parallel_loop3A_122 {add = true} : memref<10240xf32, #tpu.memory_space<vmem>>[vector<16xi32>], vector<16xf32>,
        %parallel_loop3A_125 = arith.constant 1.000000e+00 : f32
        %parallel_loop3A_126 = vector.broadcast %parallel_loop3A_125 : f32 to vector<16xf32>
        tpu.vector_store_idx %arg14[%parallel_loop3A_100], %parallel_loop3A_126 {add = true} : memref<10240xf32, #tpu.memory_space<vmem>>[vector<16xi32>], vector<16xf32>,
      } {sc.loop_unroll_factor = 1 : i64, sc.parallel_access}
      %dma_start3A = tpu.memref_slice %arg7[%mul3A_87] : memref<160512xf32, #tpu.memory_space<hbm>> -> memref<1408xf32, #tpu.memory_space<hbm>>
      %dma_start3A_95 = tpu.memref_slice %arg7[%mul3A_87] : memref<160512xf32, #tpu.memory_space<hbm>> -> memref<1408xf32, #tpu.memory_space<hbm>>
      tpu.enqueue_dma source(%arg33 : memref<1408xf32, #tpu.memory_space<vmem>>) target(%dma_start3A_95 : memref<1408xf32, #tpu.memory_space<hbm>>) target_semaphore(%arg40 : memref<!tpu.dma_semaphore, #tpu.memory_space<semaphore_mem>>)
      %dma_start3A_96 = tpu.memref_slice %arg8[%mul3A_87] : memref<160512xi32, #tpu.memory_space<hbm>> -> memref<1408xi32, #tpu.memory_space<hbm>>
      %dma_start3A_97 = tpu.memref_slice %arg8[%mul3A_87] : memref<160512xi32, #tpu.memory_space<hbm>> -> memref<1408xi32, #tpu.memory_space<hbm>>
      tpu.enqueue_dma source(%arg34 : memref<1408xi32, #tpu.memory_space<vmem>>) target(%dma_start3A_97 : memref<1408xi32, #tpu.memory_space<hbm>>) target_semaphore(%arg40 : memref<!tpu.dma_semaphore, #tpu.memory_space<semaphore_mem>>)
    } else {
    }
    "tpu.region"() ({
      %run_scoped3A = tpu.sem_alloc : memref<!tpu.dma_semaphore, #tpu.memory_space<semaphore_mem>>
      %dma_start3A = arith.constant 0 : i32
      %dma_start3A_86 = tpu.memref_slice %arg9[%add3A, %dma_start3A] : memref<32x10240xf32, #tpu.memory_space<hbm>> -> memref<1x10240xf32, #tpu.memory_space<hbm>>
      %dma_start3A_87 = tpu.memref_squeeze %dma_start3A_86 : memref<1x10240xf32, #tpu.memory_space<hbm>> -> memref<10240xf32, #tpu.memory_space<hbm>>
      %dma_start3A_88 = arith.constant 0 : i32
      %dma_start3A_89 = tpu.memref_slice %arg9[%add3A, %dma_start3A_88] : memref<32x10240xf32, #tpu.memory_space<hbm>> -> memref<1x10240xf32, #tpu.memory_space<hbm>>
      %dma_start3A_90 = tpu.memref_squeeze %dma_start3A_89 : memref<1x10240xf32, #tpu.memory_space<hbm>> -> memref<10240xf32, #tpu.memory_space<hbm>>
      tpu.enqueue_dma source(%arg13 : memref<10240xf32, #tpu.memory_space<vmem>>) target(%dma_start3A_90 : memref<10240xf32, #tpu.memory_space<hbm>>) target_semaphore(%run_scoped3A : memref<!tpu.dma_semaphore, #tpu.memory_space<semaphore_mem>>)
      %dma_wait3A = arith.constant 0 : i32
      %dma_wait3A_91 = tpu.memref_slice %arg9[%add3A, %dma_wait3A] : memref<32x10240xf32, #tpu.memory_space<hbm>> -> memref<1x10240xf32, #tpu.memory_space<hbm>>
      %dma_wait3A_92 = tpu.memref_squeeze %dma_wait3A_91 : memref<1x10240xf32, #tpu.memory_space<hbm>> -> memref<10240xf32, #tpu.memory_space<hbm>>
      %dma_wait3A_93 = arith.constant 0 : i32
      %dma_wait3A_94 = tpu.memref_slice %arg9[%add3A, %dma_wait3A_93] : memref<32x10240xf32, #tpu.memory_space<hbm>> -> memref<1x10240xf32, #tpu.memory_space<hbm>>
      %dma_wait3A_95 = tpu.memref_squeeze %dma_wait3A_94 : memref<1x10240xf32, #tpu.memory_space<hbm>> -> memref<10240xf32, #tpu.memory_space<hbm>>
      tpu.wait_dma2 semaphore(%run_scoped3A : memref<!tpu.dma_semaphore, #tpu.memory_space<semaphore_mem>>) src(%arg13 : memref<10240xf32, #tpu.memory_space<vmem>>) dst(%dma_wait3A_95 : memref<10240xf32, #tpu.memory_space<hbm>>)
      tpu.yield
    }) : () -> ()
    "tpu.region"() ({
      %run_scoped3A = tpu.sem_alloc : memref<!tpu.dma_semaphore, #tpu.memory_space<semaphore_mem>>
      %dma_start3A = arith.constant 0 : i32
      %dma_start3A_86 = tpu.memref_slice %arg10[%add3A, %dma_start3A] : memref<32x10240xf32, #tpu.memory_space<hbm>> -> memref<1x10240xf32, #tpu.memory_space<hbm>>
      %dma_start3A_87 = tpu.memref_squeeze %dma_start3A_86 : memref<1x10240xf32, #tpu.memory_space<hbm>> -> memref<10240xf32, #tpu.memory_space<hbm>>
      %dma_start3A_88 = arith.constant 0 : i32
      %dma_start3A_89 = tpu.memref_slice %arg10[%add3A, %dma_start3A_88] : memref<32x10240xf32, #tpu.memory_space<hbm>> -> memref<1x10240xf32, #tpu.memory_space<hbm>>
      %dma_start3A_90 = tpu.memref_squeeze %dma_start3A_89 : memref<1x10240xf32, #tpu.memory_space<hbm>> -> memref<10240xf32, #tpu.memory_space<hbm>>
      tpu.enqueue_dma source(%arg14 : memref<10240xf32, #tpu.memory_space<vmem>>) target(%dma_start3A_90 : memref<10240xf32, #tpu.memory_space<hbm>>) target_semaphore(%run_scoped3A : memref<!tpu.dma_semaphore, #tpu.memory_space<semaphore_mem>>)
      %dma_wait3A = arith.constant 0 : i32
      %dma_wait3A_91 = tpu.memref_slice %arg10[%add3A, %dma_wait3A] : memref<32x10240xf32, #tpu.memory_space<hbm>> -> memref<1x10240xf32, #tpu.memory_space<hbm>>
      %dma_wait3A_92 = tpu.memref_squeeze %dma_wait3A_91 : memref<1x10240xf32, #tpu.memory_space<hbm>> -> memref<10240xf32, #tpu.memory_space<hbm>>
      %dma_wait3A_93 = arith.constant 0 : i32
      %dma_wait3A_94 = tpu.memref_slice %arg10[%add3A, %dma_wait3A_93] : memref<32x10240xf32, #tpu.memory_space<hbm>> -> memref<1x10240xf32, #tpu.memory_space<hbm>>
      %dma_wait3A_95 = tpu.memref_squeeze %dma_wait3A_94 : memref<1x10240xf32, #tpu.memory_space<hbm>> -> memref<10240xf32, #tpu.memory_space<hbm>>
      tpu.wait_dma2 semaphore(%run_scoped3A : memref<!tpu.dma_semaphore, #tpu.memory_space<semaphore_mem>>) src(%arg14 : memref<10240xf32, #tpu.memory_space<vmem>>) dst(%dma_wait3A_95 : memref<10240xf32, #tpu.memory_space<hbm>>)
      tpu.yield
    }) : () -> ()
    %add3A_58 = arith.constant 0 : i32
    %add3A_59 = arith.addi %add3A, %add3A_58 : i32
    %lt3A_60 = arith.constant 114 : i32
    %lt3A_61 = arith.cmpi slt, %add3A_59, %lt3A_60 : i32
    %convert_element_type3A_62 = arith.extui %lt3A_61 : i1 to i32
    %cond3A_63 = arith.constant 0 : i32
    %cond3A_64 = arith.cmpi ne, %convert_element_type3A_62, %cond3A_63 : i32
    scf.if %cond3A_64 {
      %mul3A_86 = arith.constant 1408 : i32
      %mul3A_87 = arith.muli %add3A_59, %mul3A_86 : i32
      %dma_wait3A = tpu.memref_slice %arg7[%mul3A_87] : memref<160512xf32, #tpu.memory_space<hbm>> -> memref<1408xf32, #tpu.memory_space<hbm>>
      %dma_wait3A_88 = tpu.memref_slice %arg7[%mul3A_87] : memref<160512xf32, #tpu.memory_space<hbm>> -> memref<1408xf32, #tpu.memory_space<hbm>>
      tpu.wait_dma2 semaphore(%arg40 : memref<!tpu.dma_semaphore, #tpu.memory_space<semaphore_mem>>) src(%arg18 : memref<1408xf32, #tpu.memory_space<vmem>>) dst(%dma_wait3A_88 : memref<1408xf32, #tpu.memory_space<hbm>>)
      %dma_wait3A_89 = tpu.memref_slice %arg8[%mul3A_87] : memref<160512xi32, #tpu.memory_space<hbm>> -> memref<1408xi32, #tpu.memory_space<hbm>>
      %dma_wait3A_90 = tpu.memref_slice %arg8[%mul3A_87] : memref<160512xi32, #tpu.memory_space<hbm>> -> memref<1408xi32, #tpu.memory_space<hbm>>
      tpu.wait_dma2 semaphore(%arg40 : memref<!tpu.dma_semaphore, #tpu.memory_space<semaphore_mem>>) src(%arg19 : memref<1408xi32, #tpu.memory_space<vmem>>) dst(%dma_wait3A_90 : memref<1408xi32, #tpu.memory_space<hbm>>)
    } else {
    }
    %add3A_65 = arith.constant 32 : i32
    %add3A_66 = arith.addi %add3A, %add3A_65 : i32
    %lt3A_67 = arith.constant 114 : i32
    %lt3A_68 = arith.cmpi slt, %add3A_66, %lt3A_67 : i32
    %convert_element_type3A_69 = arith.extui %lt3A_68 : i1 to i32
    %cond3A_70 = arith.constant 0 : i32
    %cond3A_71 = arith.cmpi ne, %convert_element_type3A_69, %cond3A_70 : i32
    scf.if %cond3A_71 {
      %mul3A_86 = arith.constant 1408 : i32
      %mul3A_87 = arith.muli %add3A_66, %mul3A_86 : i32
      %dma_wait3A = tpu.memref_slice %arg7[%mul3A_87] : memref<160512xf32, #tpu.memory_space<hbm>> -> memref<1408xf32, #tpu.memory_space<hbm>>
      %dma_wait3A_88 = tpu.memref_slice %arg7[%mul3A_87] : memref<160512xf32, #tpu.memory_space<hbm>> -> memref<1408xf32, #tpu.memory_space<hbm>>
      tpu.wait_dma2 semaphore(%arg40 : memref<!tpu.dma_semaphore, #tpu.memory_space<semaphore_mem>>) src(%arg23 : memref<1408xf32, #tpu.memory_space<vmem>>) dst(%dma_wait3A_88 : memref<1408xf32, #tpu.memory_space<hbm>>)
      %dma_wait3A_89 = tpu.memref_slice %arg8[%mul3A_87] : memref<160512xi32, #tpu.memory_space<hbm>> -> memref<1408xi32, #tpu.memory_space<hbm>>
      %dma_wait3A_90 = tpu.memref_slice %arg8[%mul3A_87] : memref<160512xi32, #tpu.memory_space<hbm>> -> memref<1408xi32, #tpu.memory_space<hbm>>
      tpu.wait_dma2 semaphore(%arg40 : memref<!tpu.dma_semaphore, #tpu.memory_space<semaphore_mem>>) src(%arg24 : memref<1408xi32, #tpu.memory_space<vmem>>) dst(%dma_wait3A_90 : memref<1408xi32, #tpu.memory_space<hbm>>)
    } else {
    }
    %add3A_72 = arith.constant 64 : i32
    %add3A_73 = arith.addi %add3A, %add3A_72 : i32
    %lt3A_74 = arith.constant 114 : i32
    %lt3A_75 = arith.cmpi slt, %add3A_73, %lt3A_74 : i32
    %convert_element_type3A_76 = arith.extui %lt3A_75 : i1 to i32
    %cond3A_77 = arith.constant 0 : i32
    %cond3A_78 = arith.cmpi ne, %convert_element_type3A_76, %cond3A_77 : i32
    scf.if %cond3A_78 {
      %mul3A_86 = arith.constant 1408 : i32
      %mul3A_87 = arith.muli %add3A_73, %mul3A_86 : i32
      %dma_wait3A = tpu.memref_slice %arg7[%mul3A_87] : memref<160512xf32, #tpu.memory_space<hbm>> -> memref<1408xf32, #tpu.memory_space<hbm>>
      %dma_wait3A_88 = tpu.memref_slice %arg7[%mul3A_87] : memref<160512xf32, #tpu.memory_space<hbm>> -> memref<1408xf32, #tpu.memory_space<hbm>>
      tpu.wait_dma2 semaphore(%arg40 : memref<!tpu.dma_semaphore, #tpu.memory_space<semaphore_mem>>) src(%arg28 : memref<1408xf32, #tpu.memory_space<vmem>>) dst(%dma_wait3A_88 : memref<1408xf32, #tpu.memory_space<hbm>>)
      %dma_wait3A_89 = tpu.memref_slice %arg8[%mul3A_87] : memref<160512xi32, #tpu.memory_space<hbm>> -> memref<1408xi32, #tpu.memory_space<hbm>>
      %dma_wait3A_90 = tpu.memref_slice %arg8[%mul3A_87] : memref<160512xi32, #tpu.memory_space<hbm>> -> memref<1408xi32, #tpu.memory_space<hbm>>
      tpu.wait_dma2 semaphore(%arg40 : memref<!tpu.dma_semaphore, #tpu.memory_space<semaphore_mem>>) src(%arg29 : memref<1408xi32, #tpu.memory_space<vmem>>) dst(%dma_wait3A_90 : memref<1408xi32, #tpu.memory_space<hbm>>)
    } else {
    }
    %add3A_79 = arith.constant 96 : i32
    %add3A_80 = arith.addi %add3A, %add3A_79 : i32
    %lt3A_81 = arith.constant 114 : i32
    %lt3A_82 = arith.cmpi slt, %add3A_80, %lt3A_81 : i32
    %convert_element_type3A_83 = arith.extui %lt3A_82 : i1 to i32
    %cond3A_84 = arith.constant 0 : i32
    %cond3A_85 = arith.cmpi ne, %convert_element_type3A_83, %cond3A_84 : i32
    scf.if %cond3A_85 {
      %mul3A_86 = arith.constant 1408 : i32
      %mul3A_87 = arith.muli %add3A_80, %mul3A_86 : i32
      %dma_wait3A = tpu.memref_slice %arg7[%mul3A_87] : memref<160512xf32, #tpu.memory_space<hbm>> -> memref<1408xf32, #tpu.memory_space<hbm>>
      %dma_wait3A_88 = tpu.memref_slice %arg7[%mul3A_87] : memref<160512xf32, #tpu.memory_space<hbm>> -> memref<1408xf32, #tpu.memory_space<hbm>>
      tpu.wait_dma2 semaphore(%arg40 : memref<!tpu.dma_semaphore, #tpu.memory_space<semaphore_mem>>) src(%arg33 : memref<1408xf32, #tpu.memory_space<vmem>>) dst(%dma_wait3A_88 : memref<1408xf32, #tpu.memory_space<hbm>>)
      %dma_wait3A_89 = tpu.memref_slice %arg8[%mul3A_87] : memref<160512xi32, #tpu.memory_space<hbm>> -> memref<1408xi32, #tpu.memory_space<hbm>>
      %dma_wait3A_90 = tpu.memref_slice %arg8[%mul3A_87] : memref<160512xi32, #tpu.memory_space<hbm>> -> memref<1408xi32, #tpu.memory_space<hbm>>
      tpu.wait_dma2 semaphore(%arg40 : memref<!tpu.dma_semaphore, #tpu.memory_space<semaphore_mem>>) src(%arg34 : memref<1408xi32, #tpu.memory_space<vmem>>) dst(%dma_wait3A_90 : memref<1408xi32, #tpu.memory_space<hbm>>)
    } else {
    }
    return
  }
}

#map = affine_map<(d0, d1) -> (0)>
#map1 = affine_map<(d0, d1) -> (0, 0)>
module attributes {stable_mosaic.version = 14 : i64} {
  func.func @_sc_agg_body(%arg0: i32, %arg1: i32, %arg2: memref<160512xi32, #tpu.memory_space<hbm>>, %arg3: memref<160512xf32, #tpu.memory_space<hbm>>, %arg4: memref<128x10240xi32, #tpu.memory_space<hbm>>, %arg5: memref<256x10240xf32, #tpu.memory_space<hbm>>, %arg6: memref<4x10240xi32, #tpu.memory_space<vmem>>, %arg7: memref<81920xf32, #tpu.memory_space<vmem>>, %arg8: memref<1408xi32, #tpu.memory_space<vmem>>, %arg9: memref<1408xf32, #tpu.memory_space<vmem>>, %arg10: memref<1408xi32, #tpu.memory_space<vmem>>, %arg11: memref<1408xf32, #tpu.memory_space<vmem>>, %arg12: memref<!tpu.dma_semaphore, #tpu.memory_space<semaphore_mem>>, %arg13: memref<!tpu.dma_semaphore, #tpu.memory_space<semaphore_mem>>) attributes {dimension_semantics = [#tpu.dimension_semantics<core_parallel>, #tpu.dimension_semantics<subcore_parallel>], iteration_bounds = array<i64: 2, 16>, scalar_prefetch = 0 : i64, scratch_operands = 8 : i64, tpu.core_type = #tpu.core_type<sc_vector_subcore>, window_params = [{transform_indices = #map}, {transform_indices = #map}, {transform_indices = #map1}, {transform_indices = #map1}]} {
    %mul3A = arith.constant 2 : i32
    %mul3A_0 = arith.muli %arg1, %mul3A : i32
    %add3A = arith.addi %mul3A_0, %arg0 : i32
    %mul3A_1 = arith.constant 8 : i32
    %mul3A_2 = arith.muli %add3A, %mul3A_1 : i32
    %mul3A_3 = arith.constant 4 : i32
    %mul3A_4 = arith.muli %add3A, %mul3A_3 : i32
    "tpu.region"() ({
      %run_scoped3A = tpu.sem_alloc : memref<!tpu.dma_semaphore, #tpu.memory_space<semaphore_mem>>
      %dma_start3A_37 = arith.constant 0 : i32
      %dma_start3A_38 = tpu.memref_slice %arg4[%mul3A_4, %dma_start3A_37] : memref<128x10240xi32, #tpu.memory_space<hbm>> -> memref<4x10240xi32, #tpu.memory_space<hbm>>
      %dma_start3A_39 = arith.constant 0 : i32
      %dma_start3A_40 = tpu.memref_slice %arg4[%mul3A_4, %dma_start3A_39] : memref<128x10240xi32, #tpu.memory_space<hbm>> -> memref<4x10240xi32, #tpu.memory_space<hbm>>
      tpu.enqueue_dma source(%dma_start3A_40 : memref<4x10240xi32, #tpu.memory_space<hbm>>) target(%arg6 : memref<4x10240xi32, #tpu.memory_space<vmem>>) target_semaphore(%run_scoped3A : memref<!tpu.dma_semaphore, #tpu.memory_space<semaphore_mem>>)
      %dma_wait3A = arith.constant 0 : i32
      %dma_wait3A_41 = tpu.memref_slice %arg4[%mul3A_4, %dma_wait3A] : memref<128x10240xi32, #tpu.memory_space<hbm>> -> memref<4x10240xi32, #tpu.memory_space<hbm>>
      %dma_wait3A_42 = arith.constant 0 : i32
      %dma_wait3A_43 = tpu.memref_slice %arg4[%mul3A_4, %dma_wait3A_42] : memref<128x10240xi32, #tpu.memory_space<hbm>> -> memref<4x10240xi32, #tpu.memory_space<hbm>>
      tpu.wait_dma2 semaphore(%run_scoped3A : memref<!tpu.dma_semaphore, #tpu.memory_space<semaphore_mem>>) src(%dma_wait3A_43 : memref<4x10240xi32, #tpu.memory_space<hbm>>) dst(%arg6 : memref<4x10240xi32, #tpu.memory_space<vmem>>)
      tpu.yield
    }) : () -> ()
    %scan3A = arith.constant 0 : i32
    %scan3A_5 = arith.constant 5120 : i32
    %scan3A_6 = arith.addi %scan3A, %scan3A_5 : i32
    %scan3A_7 = arith.constant 1 : i32
    scf.for %scan3A_37 = %scan3A to %scan3A_6 step %scan3A_7  : i32 {
      %mul3A_38 = arith.constant 16 : i32
      %mul3A_39 = arith.muli %scan3A_37, %mul3A_38 : i32
      %add3A_40 = arith.constant 0 : i32
      %add3A_41 = arith.addi %add3A_40, %mul3A_39 : i32
      %broadcast_in_dim3A = arith.constant 0.000000e+00 : f32
      %broadcast_in_dim3A_42 = vector.broadcast %broadcast_in_dim3A : f32 to vector<16xf32>
      %swap3A = arith.index_cast %add3A_41 : i32 to index
      %swap3A_43 = tpu.vector_load %arg7[%swap3A] {strides = array<i32>} : memref<81920xf32, #tpu.memory_space<vmem>>, vector<16xf32>,
      tpu.vector_store %arg7[%swap3A], %broadcast_in_dim3A_42 {strides = array<i32>} : memref<81920xf32, #tpu.memory_space<vmem>>, vector<16xf32>,
    }
    %scan3A_8 = arith.constant 5120 : i32
    %dma_start3A = arith.constant 0 : i32
    %dma_start3A_9 = tpu.memref_slice %arg2[%dma_start3A] : memref<160512xi32, #tpu.memory_space<hbm>> -> memref<1408xi32, #tpu.memory_space<hbm>>
    %dma_start3A_10 = arith.constant 0 : i32
    %dma_start3A_11 = tpu.memref_slice %arg2[%dma_start3A_10] : memref<160512xi32, #tpu.memory_space<hbm>> -> memref<1408xi32, #tpu.memory_space<hbm>>
    tpu.enqueue_dma source(%dma_start3A_11 : memref<1408xi32, #tpu.memory_space<hbm>>) target(%arg8 : memref<1408xi32, #tpu.memory_space<vmem>>) target_semaphore(%arg12 : memref<!tpu.dma_semaphore, #tpu.memory_space<semaphore_mem>>)
    %dma_start3A_12 = arith.constant 0 : i32
    %dma_start3A_13 = tpu.memref_slice %arg3[%dma_start3A_12] : memref<160512xf32, #tpu.memory_space<hbm>> -> memref<1408xf32, #tpu.memory_space<hbm>>
    %dma_start3A_14 = arith.constant 0 : i32
    %dma_start3A_15 = tpu.memref_slice %arg3[%dma_start3A_14] : memref<160512xf32, #tpu.memory_space<hbm>> -> memref<1408xf32, #tpu.memory_space<hbm>>
    tpu.enqueue_dma source(%dma_start3A_15 : memref<1408xf32, #tpu.memory_space<hbm>>) target(%arg9 : memref<1408xf32, #tpu.memory_space<vmem>>) target_semaphore(%arg12 : memref<!tpu.dma_semaphore, #tpu.memory_space<semaphore_mem>>)
    %scan3A_16 = arith.constant 0 : i32
    %scan3A_17 = arith.constant 57 : i32
    %scan3A_18 = arith.addi %scan3A_16, %scan3A_17 : i32
    %scan3A_19 = arith.constant 1 : i32
    scf.for %scan3A_37 = %scan3A_16 to %scan3A_18 step %scan3A_19  : i32 {
      %mul3A_38 = arith.constant 2 : i32
      %mul3A_39 = arith.muli %scan3A_37, %mul3A_38 : i32
      %add3A_40 = arith.constant 0 : i32
      %add3A_41 = arith.addi %add3A_40, %mul3A_39 : i32
      %add3A_42 = arith.constant 1 : i32
      %add3A_43 = arith.addi %add3A_41, %add3A_42 : i32
      %mul3A_44 = arith.constant 1408 : i32
      %mul3A_45 = arith.muli %add3A_43, %mul3A_44 : i32
      %dma_start3A_46 = tpu.memref_slice %arg2[%mul3A_45] : memref<160512xi32, #tpu.memory_space<hbm>> -> memref<1408xi32, #tpu.memory_space<hbm>>
      %dma_start3A_47 = tpu.memref_slice %arg2[%mul3A_45] : memref<160512xi32, #tpu.memory_space<hbm>> -> memref<1408xi32, #tpu.memory_space<hbm>>
      tpu.enqueue_dma source(%dma_start3A_47 : memref<1408xi32, #tpu.memory_space<hbm>>) target(%arg10 : memref<1408xi32, #tpu.memory_space<vmem>>) target_semaphore(%arg13 : memref<!tpu.dma_semaphore, #tpu.memory_space<semaphore_mem>>)
      %dma_start3A_48 = tpu.memref_slice %arg3[%mul3A_45] : memref<160512xf32, #tpu.memory_space<hbm>> -> memref<1408xf32, #tpu.memory_space<hbm>>
      %dma_start3A_49 = tpu.memref_slice %arg3[%mul3A_45] : memref<160512xf32, #tpu.memory_space<hbm>> -> memref<1408xf32, #tpu.memory_space<hbm>>
      tpu.enqueue_dma source(%dma_start3A_49 : memref<1408xf32, #tpu.memory_space<hbm>>) target(%arg11 : memref<1408xf32, #tpu.memory_space<vmem>>) target_semaphore(%arg13 : memref<!tpu.dma_semaphore, #tpu.memory_space<semaphore_mem>>)
      %mul3A_50 = arith.constant 1408 : i32
      %mul3A_51 = arith.muli %add3A_41, %mul3A_50 : i32
      %dma_wait3A = tpu.memref_slice %arg2[%mul3A_51] : memref<160512xi32, #tpu.memory_space<hbm>> -> memref<1408xi32, #tpu.memory_space<hbm>>
      %dma_wait3A_52 = tpu.memref_slice %arg2[%mul3A_51] : memref<160512xi32, #tpu.memory_space<hbm>> -> memref<1408xi32, #tpu.memory_space<hbm>>
      tpu.wait_dma2 semaphore(%arg12 : memref<!tpu.dma_semaphore, #tpu.memory_space<semaphore_mem>>) src(%dma_wait3A_52 : memref<1408xi32, #tpu.memory_space<hbm>>) dst(%arg8 : memref<1408xi32, #tpu.memory_space<vmem>>)
      %dma_wait3A_53 = tpu.memref_slice %arg3[%mul3A_51] : memref<160512xf32, #tpu.memory_space<hbm>> -> memref<1408xf32, #tpu.memory_space<hbm>>
      %dma_wait3A_54 = tpu.memref_slice %arg3[%mul3A_51] : memref<160512xf32, #tpu.memory_space<hbm>> -> memref<1408xf32, #tpu.memory_space<hbm>>
      tpu.wait_dma2 semaphore(%arg12 : memref<!tpu.dma_semaphore, #tpu.memory_space<semaphore_mem>>) src(%dma_wait3A_54 : memref<1408xf32, #tpu.memory_space<hbm>>) dst(%arg9 : memref<1408xf32, #tpu.memory_space<vmem>>)
      %parallel_loop3A = arith.constant 0 : i32
      %parallel_loop3A_55 = arith.constant 1408 : i32
      %parallel_loop3A_56 = arith.constant 16 : i32
      scf.for %parallel_loop3A_72 = %parallel_loop3A to %parallel_loop3A_55 step %parallel_loop3A_56  : i32 {
        %parallel_loop3A_73 = arith.index_cast %parallel_loop3A_72 : i32 to index
        %parallel_loop3A_74 = tpu.vector_load %arg8[%parallel_loop3A_73] {strides = array<i32>} : memref<1408xi32, #tpu.memory_space<vmem>>, vector<16xi32>,
        %parallel_loop3A_75 = arith.constant 14 : i32
        %parallel_loop3A_76 = vector.broadcast %parallel_loop3A_75 : i32 to vector<16xi32>
        %parallel_loop3A_77 = arith.shrui %parallel_loop3A_74, %parallel_loop3A_76 : vector<16xi32>
        %parallel_loop3A_78 = arith.constant 16383 : i32
        %parallel_loop3A_79 = vector.broadcast %parallel_loop3A_78 : i32 to vector<16xi32>
        %parallel_loop3A_80 = arith.andi %parallel_loop3A_74, %parallel_loop3A_79 : vector<16xi32>
        %parallel_loop3A_81 = arith.index_cast %parallel_loop3A_72 : i32 to index
        %parallel_loop3A_82 = tpu.vector_load %arg9[%parallel_loop3A_81] {strides = array<i32>} : memref<1408xf32, #tpu.memory_space<vmem>>, vector<16xf32>,
        %parallel_loop3A_83 = arith.constant 0 : i32
        %parallel_loop3A_84 = vector.broadcast %parallel_loop3A_83 : i32 to vector<16xi32>
        %parallel_loop3A_85 = tpu.vector_load_idx %arg6[%parallel_loop3A_84, %parallel_loop3A_80] : memref<4x10240xi32, #tpu.memory_space<vmem>>[vector<16xi32>, vector<16xi32>], vector<16xi32>,
        %parallel_loop3A_86 = vector.bitcast %parallel_loop3A_85 : vector<16xi32> to vector<32xbf16>
        %parallel_loop3A_87 = tpu.unpack_subelements %parallel_loop3A_86, 0 {pack_format = #tpu.pack_format<interleaved>} : vector<32xbf16> -> vector<16xf32>
        %parallel_loop3A_88 = tpu.unpack_subelements %parallel_loop3A_86, 1 {pack_format = #tpu.pack_format<interleaved>} : vector<32xbf16> -> vector<16xf32>
        %parallel_loop3A_89 = arith.constant 0 : i32
        %parallel_loop3A_90 = vector.broadcast %parallel_loop3A_89 : i32 to vector<16xi32>
        %parallel_loop3A_91 = arith.addi %parallel_loop3A_77, %parallel_loop3A_90 : vector<16xi32>
        %parallel_loop3A_92 = arith.mulf %parallel_loop3A_87, %parallel_loop3A_82 : vector<16xf32>
        tpu.vector_store_idx %arg7[%parallel_loop3A_91], %parallel_loop3A_92 {add = true} : memref<81920xf32, #tpu.memory_space<vmem>>[vector<16xi32>], vector<16xf32>,
        %parallel_loop3A_93 = arith.constant 10240 : i32
        %parallel_loop3A_94 = vector.broadcast %parallel_loop3A_93 : i32 to vector<16xi32>
        %parallel_loop3A_95 = arith.addi %parallel_loop3A_77, %parallel_loop3A_94 : vector<16xi32>
        %parallel_loop3A_96 = arith.mulf %parallel_loop3A_88, %parallel_loop3A_82 : vector<16xf32>
        tpu.vector_store_idx %arg7[%parallel_loop3A_95], %parallel_loop3A_96 {add = true} : memref<81920xf32, #tpu.memory_space<vmem>>[vector<16xi32>], vector<16xf32>,
        %parallel_loop3A_97 = arith.constant 1 : i32
        %parallel_loop3A_98 = vector.broadcast %parallel_loop3A_97 : i32 to vector<16xi32>
        %parallel_loop3A_99 = tpu.vector_load_idx %arg6[%parallel_loop3A_98, %parallel_loop3A_80] : memref<4x10240xi32, #tpu.memory_space<vmem>>[vector<16xi32>, vector<16xi32>], vector<16xi32>,
        %parallel_loop3A_100 = vector.bitcast %parallel_loop3A_99 : vector<16xi32> to vector<32xbf16>
        %parallel_loop3A_101 = tpu.unpack_subelements %parallel_loop3A_100, 0 {pack_format = #tpu.pack_format<interleaved>} : vector<32xbf16> -> vector<16xf32>
        %parallel_loop3A_102 = tpu.unpack_subelements %parallel_loop3A_100, 1 {pack_format = #tpu.pack_format<interleaved>} : vector<32xbf16> -> vector<16xf32>
        %parallel_loop3A_103 = arith.constant 20480 : i32
        %parallel_loop3A_104 = vector.broadcast %parallel_loop3A_103 : i32 to vector<16xi32>
        %parallel_loop3A_105 = arith.addi %parallel_loop3A_77, %parallel_loop3A_104 : vector<16xi32>
        %parallel_loop3A_106 = arith.mulf %parallel_loop3A_101, %parallel_loop3A_82 : vector<16xf32>
        tpu.vector_store_idx %arg7[%parallel_loop3A_105], %parallel_loop3A_106 {add = true} : memref<81920xf32, #tpu.memory_space<vmem>>[vector<16xi32>], vector<16xf32>,
        %parallel_loop3A_107 = arith.constant 30720 : i32
        %parallel_loop3A_108 = vector.broadcast %parallel_loop3A_107 : i32 to vector<16xi32>
        %parallel_loop3A_109 = arith.addi %parallel_loop3A_77, %parallel_loop3A_108 : vector<16xi32>
        %parallel_loop3A_110 = arith.mulf %parallel_loop3A_102, %parallel_loop3A_82 : vector<16xf32>
        tpu.vector_store_idx %arg7[%parallel_loop3A_109], %parallel_loop3A_110 {add = true} : memref<81920xf32, #tpu.memory_space<vmem>>[vector<16xi32>], vector<16xf32>,
        %parallel_loop3A_111 = arith.constant 2 : i32
        %parallel_loop3A_112 = vector.broadcast %parallel_loop3A_111 : i32 to vector<16xi32>
        %parallel_loop3A_113 = tpu.vector_load_idx %arg6[%parallel_loop3A_112, %parallel_loop3A_80] : memref<4x10240xi32, #tpu.memory_space<vmem>>[vector<16xi32>, vector<16xi32>], vector<16xi32>,
        %parallel_loop3A_114 = vector.bitcast %parallel_loop3A_113 : vector<16xi32> to vector<32xbf16>
        %parallel_loop3A_115 = tpu.unpack_subelements %parallel_loop3A_114, 0 {pack_format = #tpu.pack_format<interleaved>} : vector<32xbf16> -> vector<16xf32>
        %parallel_loop3A_116 = tpu.unpack_subelements %parallel_loop3A_114, 1 {pack_format = #tpu.pack_format<interleaved>} : vector<32xbf16> -> vector<16xf32>
        %parallel_loop3A_117 = arith.constant 40960 : i32
        %parallel_loop3A_118 = vector.broadcast %parallel_loop3A_117 : i32 to vector<16xi32>
        %parallel_loop3A_119 = arith.addi %parallel_loop3A_77, %parallel_loop3A_118 : vector<16xi32>
        %parallel_loop3A_120 = arith.mulf %parallel_loop3A_115, %parallel_loop3A_82 : vector<16xf32>
        tpu.vector_store_idx %arg7[%parallel_loop3A_119], %parallel_loop3A_120 {add = true} : memref<81920xf32, #tpu.memory_space<vmem>>[vector<16xi32>], vector<16xf32>,
        %parallel_loop3A_121 = arith.constant 51200 : i32
        %parallel_loop3A_122 = vector.broadcast %parallel_loop3A_121 : i32 to vector<16xi32>
        %parallel_loop3A_123 = arith.addi %parallel_loop3A_77, %parallel_loop3A_122 : vector<16xi32>
        %parallel_loop3A_124 = arith.mulf %parallel_loop3A_116, %parallel_loop3A_82 : vector<16xf32>
        tpu.vector_store_idx %arg7[%parallel_loop3A_123], %parallel_loop3A_124 {add = true} : memref<81920xf32, #tpu.memory_space<vmem>>[vector<16xi32>], vector<16xf32>,
        %parallel_loop3A_125 = arith.constant 3 : i32
        %parallel_loop3A_126 = vector.broadcast %parallel_loop3A_125 : i32 to vector<16xi32>
        %parallel_loop3A_127 = tpu.vector_load_idx %arg6[%parallel_loop3A_126, %parallel_loop3A_80] : memref<4x10240xi32, #tpu.memory_space<vmem>>[vector<16xi32>, vector<16xi32>], vector<16xi32>,
        %parallel_loop3A_128 = vector.bitcast %parallel_loop3A_127 : vector<16xi32> to vector<32xbf16>
        %parallel_loop3A_129 = tpu.unpack_subelements %parallel_loop3A_128, 0 {pack_format = #tpu.pack_format<interleaved>} : vector<32xbf16> -> vector<16xf32>
        %parallel_loop3A_130 = tpu.unpack_subelements %parallel_loop3A_128, 1 {pack_format = #tpu.pack_format<interleaved>} : vector<32xbf16> -> vector<16xf32>
        %parallel_loop3A_131 = arith.constant 61440 : i32
        %parallel_loop3A_132 = vector.broadcast %parallel_loop3A_131 : i32 to vector<16xi32>
        %parallel_loop3A_133 = arith.addi %parallel_loop3A_77, %parallel_loop3A_132 : vector<16xi32>
        %parallel_loop3A_134 = arith.mulf %parallel_loop3A_129, %parallel_loop3A_82 : vector<16xf32>
        tpu.vector_store_idx %arg7[%parallel_loop3A_133], %parallel_loop3A_134 {add = true} : memref<81920xf32, #tpu.memory_space<vmem>>[vector<16xi32>], vector<16xf32>,
        %parallel_loop3A_135 = arith.constant 71680 : i32
        %parallel_loop3A_136 = vector.broadcast %parallel_loop3A_135 : i32 to vector<16xi32>
        %parallel_loop3A_137 = arith.addi %parallel_loop3A_77, %parallel_loop3A_136 : vector<16xi32>
        %parallel_loop3A_138 = arith.mulf %parallel_loop3A_130, %parallel_loop3A_82 : vector<16xf32>
        tpu.vector_store_idx %arg7[%parallel_loop3A_137], %parallel_loop3A_138 {add = true} : memref<81920xf32, #tpu.memory_space<vmem>>[vector<16xi32>], vector<16xf32>,
      } {sc.loop_unroll_factor = 2 : i64, sc.parallel_access}
      %add3A_57 = arith.constant 2 : i32
      %add3A_58 = arith.addi %add3A_41, %add3A_57 : i32
      %lt3A = arith.constant 114 : i32
      %lt3A_59 = arith.cmpi slt, %add3A_58, %lt3A : i32
      %convert_element_type3A = arith.extui %lt3A_59 : i1 to i32
      %cond3A = arith.constant 0 : i32
      %cond3A_60 = arith.cmpi ne, %convert_element_type3A, %cond3A : i32
      scf.if %cond3A_60 {
        %add3A_72 = arith.constant 2 : i32
        %add3A_73 = arith.addi %add3A_41, %add3A_72 : i32
        %mul3A_74 = arith.constant 1408 : i32
        %mul3A_75 = arith.muli %add3A_73, %mul3A_74 : i32
        %dma_start3A_76 = tpu.memref_slice %arg2[%mul3A_75] : memref<160512xi32, #tpu.memory_space<hbm>> -> memref<1408xi32, #tpu.memory_space<hbm>>
        %dma_start3A_77 = tpu.memref_slice %arg2[%mul3A_75] : memref<160512xi32, #tpu.memory_space<hbm>> -> memref<1408xi32, #tpu.memory_space<hbm>>
        tpu.enqueue_dma source(%dma_start3A_77 : memref<1408xi32, #tpu.memory_space<hbm>>) target(%arg8 : memref<1408xi32, #tpu.memory_space<vmem>>) target_semaphore(%arg12 : memref<!tpu.dma_semaphore, #tpu.memory_space<semaphore_mem>>)
        %dma_start3A_78 = tpu.memref_slice %arg3[%mul3A_75] : memref<160512xf32, #tpu.memory_space<hbm>> -> memref<1408xf32, #tpu.memory_space<hbm>>
        %dma_start3A_79 = tpu.memref_slice %arg3[%mul3A_75] : memref<160512xf32, #tpu.memory_space<hbm>> -> memref<1408xf32, #tpu.memory_space<hbm>>
        tpu.enqueue_dma source(%dma_start3A_79 : memref<1408xf32, #tpu.memory_space<hbm>>) target(%arg9 : memref<1408xf32, #tpu.memory_space<vmem>>) target_semaphore(%arg12 : memref<!tpu.dma_semaphore, #tpu.memory_space<semaphore_mem>>)
      } else {
      }
      %add3A_61 = arith.constant 1 : i32
      %add3A_62 = arith.addi %add3A_41, %add3A_61 : i32
      %mul3A_63 = arith.constant 1408 : i32
      %mul3A_64 = arith.muli %add3A_62, %mul3A_63 : i32
      %dma_wait3A_65 = tpu.memref_slice %arg2[%mul3A_64] : memref<160512xi32, #tpu.memory_space<hbm>> -> memref<1408xi32, #tpu.memory_space<hbm>>
      %dma_wait3A_66 = tpu.memref_slice %arg2[%mul3A_64] : memref<160512xi32, #tpu.memory_space<hbm>> -> memref<1408xi32, #tpu.memory_space<hbm>>
      tpu.wait_dma2 semaphore(%arg13 : memref<!tpu.dma_semaphore, #tpu.memory_space<semaphore_mem>>) src(%dma_wait3A_66 : memref<1408xi32, #tpu.memory_space<hbm>>) dst(%arg10 : memref<1408xi32, #tpu.memory_space<vmem>>)
      %dma_wait3A_67 = tpu.memref_slice %arg3[%mul3A_64] : memref<160512xf32, #tpu.memory_space<hbm>> -> memref<1408xf32, #tpu.memory_space<hbm>>
      %dma_wait3A_68 = tpu.memref_slice %arg3[%mul3A_64] : memref<160512xf32, #tpu.memory_space<hbm>> -> memref<1408xf32, #tpu.memory_space<hbm>>
      tpu.wait_dma2 semaphore(%arg13 : memref<!tpu.dma_semaphore, #tpu.memory_space<semaphore_mem>>) src(%dma_wait3A_68 : memref<1408xf32, #tpu.memory_space<hbm>>) dst(%arg11 : memref<1408xf32, #tpu.memory_space<vmem>>)
      %parallel_loop3A_69 = arith.constant 0 : i32
      %parallel_loop3A_70 = arith.constant 1408 : i32
      %parallel_loop3A_71 = arith.constant 16 : i32
      scf.for %parallel_loop3A_72 = %parallel_loop3A_69 to %parallel_loop3A_70 step %parallel_loop3A_71  : i32 {
        %parallel_loop3A_73 = arith.index_cast %parallel_loop3A_72 : i32 to index
        %parallel_loop3A_74 = tpu.vector_load %arg10[%parallel_loop3A_73] {strides = array<i32>} : memref<1408xi32, #tpu.memory_space<vmem>>, vector<16xi32>,
        %parallel_loop3A_75 = arith.constant 14 : i32
        %parallel_loop3A_76 = vector.broadcast %parallel_loop3A_75 : i32 to vector<16xi32>
        %parallel_loop3A_77 = arith.shrui %parallel_loop3A_74, %parallel_loop3A_76 : vector<16xi32>
        %parallel_loop3A_78 = arith.constant 16383 : i32
        %parallel_loop3A_79 = vector.broadcast %parallel_loop3A_78 : i32 to vector<16xi32>
        %parallel_loop3A_80 = arith.andi %parallel_loop3A_74, %parallel_loop3A_79 : vector<16xi32>
        %parallel_loop3A_81 = arith.index_cast %parallel_loop3A_72 : i32 to index
        %parallel_loop3A_82 = tpu.vector_load %arg11[%parallel_loop3A_81] {strides = array<i32>} : memref<1408xf32, #tpu.memory_space<vmem>>, vector<16xf32>,
        %parallel_loop3A_83 = arith.constant 0 : i32
        %parallel_loop3A_84 = vector.broadcast %parallel_loop3A_83 : i32 to vector<16xi32>
        %parallel_loop3A_85 = tpu.vector_load_idx %arg6[%parallel_loop3A_84, %parallel_loop3A_80] : memref<4x10240xi32, #tpu.memory_space<vmem>>[vector<16xi32>, vector<16xi32>], vector<16xi32>,
        %parallel_loop3A_86 = vector.bitcast %parallel_loop3A_85 : vector<16xi32> to vector<32xbf16>
        %parallel_loop3A_87 = tpu.unpack_subelements %parallel_loop3A_86, 0 {pack_format = #tpu.pack_format<interleaved>} : vector<32xbf16> -> vector<16xf32>
        %parallel_loop3A_88 = tpu.unpack_subelements %parallel_loop3A_86, 1 {pack_format = #tpu.pack_format<interleaved>} : vector<32xbf16> -> vector<16xf32>
        %parallel_loop3A_89 = arith.constant 0 : i32
        %parallel_loop3A_90 = vector.broadcast %parallel_loop3A_89 : i32 to vector<16xi32>
        %parallel_loop3A_91 = arith.addi %parallel_loop3A_77, %parallel_loop3A_90 : vector<16xi32>
        %parallel_loop3A_92 = arith.mulf %parallel_loop3A_87, %parallel_loop3A_82 : vector<16xf32>
        tpu.vector_store_idx %arg7[%parallel_loop3A_91], %parallel_loop3A_92 {add = true} : memref<81920xf32, #tpu.memory_space<vmem>>[vector<16xi32>], vector<16xf32>,
        %parallel_loop3A_93 = arith.constant 10240 : i32
        %parallel_loop3A_94 = vector.broadcast %parallel_loop3A_93 : i32 to vector<16xi32>
        %parallel_loop3A_95 = arith.addi %parallel_loop3A_77, %parallel_loop3A_94 : vector<16xi32>
        %parallel_loop3A_96 = arith.mulf %parallel_loop3A_88, %parallel_loop3A_82 : vector<16xf32>
        tpu.vector_store_idx %arg7[%parallel_loop3A_95], %parallel_loop3A_96 {add = true} : memref<81920xf32, #tpu.memory_space<vmem>>[vector<16xi32>], vector<16xf32>,
        %parallel_loop3A_97 = arith.constant 1 : i32
        %parallel_loop3A_98 = vector.broadcast %parallel_loop3A_97 : i32 to vector<16xi32>
        %parallel_loop3A_99 = tpu.vector_load_idx %arg6[%parallel_loop3A_98, %parallel_loop3A_80] : memref<4x10240xi32, #tpu.memory_space<vmem>>[vector<16xi32>, vector<16xi32>], vector<16xi32>,
        %parallel_loop3A_100 = vector.bitcast %parallel_loop3A_99 : vector<16xi32> to vector<32xbf16>
        %parallel_loop3A_101 = tpu.unpack_subelements %parallel_loop3A_100, 0 {pack_format = #tpu.pack_format<interleaved>} : vector<32xbf16> -> vector<16xf32>
        %parallel_loop3A_102 = tpu.unpack_subelements %parallel_loop3A_100, 1 {pack_format = #tpu.pack_format<interleaved>} : vector<32xbf16> -> vector<16xf32>
        %parallel_loop3A_103 = arith.constant 20480 : i32
        %parallel_loop3A_104 = vector.broadcast %parallel_loop3A_103 : i32 to vector<16xi32>
        %parallel_loop3A_105 = arith.addi %parallel_loop3A_77, %parallel_loop3A_104 : vector<16xi32>
        %parallel_loop3A_106 = arith.mulf %parallel_loop3A_101, %parallel_loop3A_82 : vector<16xf32>
        tpu.vector_store_idx %arg7[%parallel_loop3A_105], %parallel_loop3A_106 {add = true} : memref<81920xf32, #tpu.memory_space<vmem>>[vector<16xi32>], vector<16xf32>,
        %parallel_loop3A_107 = arith.constant 30720 : i32
        %parallel_loop3A_108 = vector.broadcast %parallel_loop3A_107 : i32 to vector<16xi32>
        %parallel_loop3A_109 = arith.addi %parallel_loop3A_77, %parallel_loop3A_108 : vector<16xi32>
        %parallel_loop3A_110 = arith.mulf %parallel_loop3A_102, %parallel_loop3A_82 : vector<16xf32>
        tpu.vector_store_idx %arg7[%parallel_loop3A_109], %parallel_loop3A_110 {add = true} : memref<81920xf32, #tpu.memory_space<vmem>>[vector<16xi32>], vector<16xf32>,
        %parallel_loop3A_111 = arith.constant 2 : i32
        %parallel_loop3A_112 = vector.broadcast %parallel_loop3A_111 : i32 to vector<16xi32>
        %parallel_loop3A_113 = tpu.vector_load_idx %arg6[%parallel_loop3A_112, %parallel_loop3A_80] : memref<4x10240xi32, #tpu.memory_space<vmem>>[vector<16xi32>, vector<16xi32>], vector<16xi32>,
        %parallel_loop3A_114 = vector.bitcast %parallel_loop3A_113 : vector<16xi32> to vector<32xbf16>
        %parallel_loop3A_115 = tpu.unpack_subelements %parallel_loop3A_114, 0 {pack_format = #tpu.pack_format<interleaved>} : vector<32xbf16> -> vector<16xf32>
        %parallel_loop3A_116 = tpu.unpack_subelements %parallel_loop3A_114, 1 {pack_format = #tpu.pack_format<interleaved>} : vector<32xbf16> -> vector<16xf32>
        %parallel_loop3A_117 = arith.constant 40960 : i32
        %parallel_loop3A_118 = vector.broadcast %parallel_loop3A_117 : i32 to vector<16xi32>
        %parallel_loop3A_119 = arith.addi %parallel_loop3A_77, %parallel_loop3A_118 : vector<16xi32>
        %parallel_loop3A_120 = arith.mulf %parallel_loop3A_115, %parallel_loop3A_82 : vector<16xf32>
        tpu.vector_store_idx %arg7[%parallel_loop3A_119], %parallel_loop3A_120 {add = true} : memref<81920xf32, #tpu.memory_space<vmem>>[vector<16xi32>], vector<16xf32>,
        %parallel_loop3A_121 = arith.constant 51200 : i32
        %parallel_loop3A_122 = vector.broadcast %parallel_loop3A_121 : i32 to vector<16xi32>
        %parallel_loop3A_123 = arith.addi %parallel_loop3A_77, %parallel_loop3A_122 : vector<16xi32>
        %parallel_loop3A_124 = arith.mulf %parallel_loop3A_116, %parallel_loop3A_82 : vector<16xf32>
        tpu.vector_store_idx %arg7[%parallel_loop3A_123], %parallel_loop3A_124 {add = true} : memref<81920xf32, #tpu.memory_space<vmem>>[vector<16xi32>], vector<16xf32>,
        %parallel_loop3A_125 = arith.constant 3 : i32
        %parallel_loop3A_126 = vector.broadcast %parallel_loop3A_125 : i32 to vector<16xi32>
        %parallel_loop3A_127 = tpu.vector_load_idx %arg6[%parallel_loop3A_126, %parallel_loop3A_80] : memref<4x10240xi32, #tpu.memory_space<vmem>>[vector<16xi32>, vector<16xi32>], vector<16xi32>,
        %parallel_loop3A_128 = vector.bitcast %parallel_loop3A_127 : vector<16xi32> to vector<32xbf16>
        %parallel_loop3A_129 = tpu.unpack_subelements %parallel_loop3A_128, 0 {pack_format = #tpu.pack_format<interleaved>} : vector<32xbf16> -> vector<16xf32>
        %parallel_loop3A_130 = tpu.unpack_subelements %parallel_loop3A_128, 1 {pack_format = #tpu.pack_format<interleaved>} : vector<32xbf16> -> vector<16xf32>
        %parallel_loop3A_131 = arith.constant 61440 : i32
        %parallel_loop3A_132 = vector.broadcast %parallel_loop3A_131 : i32 to vector<16xi32>
        %parallel_loop3A_133 = arith.addi %parallel_loop3A_77, %parallel_loop3A_132 : vector<16xi32>
        %parallel_loop3A_134 = arith.mulf %parallel_loop3A_129, %parallel_loop3A_82 : vector<16xf32>
        tpu.vector_store_idx %arg7[%parallel_loop3A_133], %parallel_loop3A_134 {add = true} : memref<81920xf32, #tpu.memory_space<vmem>>[vector<16xi32>], vector<16xf32>,
        %parallel_loop3A_135 = arith.constant 71680 : i32
        %parallel_loop3A_136 = vector.broadcast %parallel_loop3A_135 : i32 to vector<16xi32>
        %parallel_loop3A_137 = arith.addi %parallel_loop3A_77, %parallel_loop3A_136 : vector<16xi32>
        %parallel_loop3A_138 = arith.mulf %parallel_loop3A_130, %parallel_loop3A_82 : vector<16xf32>
        tpu.vector_store_idx %arg7[%parallel_loop3A_137], %parallel_loop3A_138 {add = true} : memref<81920xf32, #tpu.memory_space<vmem>>[vector<16xi32>], vector<16xf32>,
      } {sc.loop_unroll_factor = 2 : i64, sc.parallel_access}
    }
    %scan3A_20 = arith.constant 57 : i32
    %add3A_21 = arith.constant 0 : i32
    %add3A_22 = arith.addi %mul3A_2, %add3A_21 : i32
    "tpu.region"() ({
      %run_scoped3A = tpu.sem_alloc : memref<!tpu.dma_semaphore, #tpu.memory_space<semaphore_mem>>
      %dma_start3A_37 = arith.constant 0 : i32
      %dma_start3A_38 = tpu.memref_slice %arg7[%dma_start3A_37] : memref<81920xf32, #tpu.memory_space<vmem>> -> memref<10240xf32, #tpu.memory_space<vmem>>
      %dma_start3A_39 = arith.constant 0 : i32
      %dma_start3A_40 = tpu.memref_slice %arg5[%add3A_22, %dma_start3A_39] : memref<256x10240xf32, #tpu.memory_space<hbm>> -> memref<1x10240xf32, #tpu.memory_space<hbm>>
      %dma_start3A_41 = tpu.memref_squeeze %dma_start3A_40 : memref<1x10240xf32, #tpu.memory_space<hbm>> -> memref<10240xf32, #tpu.memory_space<hbm>>
      %dma_start3A_42 = arith.constant 0 : i32
      %dma_start3A_43 = tpu.memref_slice %arg5[%add3A_22, %dma_start3A_42] : memref<256x10240xf32, #tpu.memory_space<hbm>> -> memref<1x10240xf32, #tpu.memory_space<hbm>>
      %dma_start3A_44 = tpu.memref_squeeze %dma_start3A_43 : memref<1x10240xf32, #tpu.memory_space<hbm>> -> memref<10240xf32, #tpu.memory_space<hbm>>
      %dma_start3A_45 = arith.constant 0 : i32
      %dma_start3A_46 = tpu.memref_slice %arg7[%dma_start3A_45] : memref<81920xf32, #tpu.memory_space<vmem>> -> memref<10240xf32, #tpu.memory_space<vmem>>
      tpu.enqueue_dma source(%dma_start3A_46 : memref<10240xf32, #tpu.memory_space<vmem>>) target(%dma_start3A_44 : memref<10240xf32, #tpu.memory_space<hbm>>) target_semaphore(%run_scoped3A : memref<!tpu.dma_semaphore, #tpu.memory_space<semaphore_mem>>)
      %dma_wait3A = arith.constant 0 : i32
      %dma_wait3A_47 = tpu.memref_slice %arg7[%dma_wait3A] : memref<81920xf32, #tpu.memory_space<vmem>> -> memref<10240xf32, #tpu.memory_space<vmem>>
      %dma_wait3A_48 = arith.constant 0 : i32
      %dma_wait3A_49 = tpu.memref_slice %arg5[%add3A_22, %dma_wait3A_48] : memref<256x10240xf32, #tpu.memory_space<hbm>> -> memref<1x10240xf32, #tpu.memory_space<hbm>>
      %dma_wait3A_50 = tpu.memref_squeeze %dma_wait3A_49 : memref<1x10240xf32, #tpu.memory_space<hbm>> -> memref<10240xf32, #tpu.memory_space<hbm>>
      %dma_wait3A_51 = arith.constant 0 : i32
      %dma_wait3A_52 = tpu.memref_slice %arg5[%add3A_22, %dma_wait3A_51] : memref<256x10240xf32, #tpu.memory_space<hbm>> -> memref<1x10240xf32, #tpu.memory_space<hbm>>
      %dma_wait3A_53 = tpu.memref_squeeze %dma_wait3A_52 : memref<1x10240xf32, #tpu.memory_space<hbm>> -> memref<10240xf32, #tpu.memory_space<hbm>>
      %dma_wait3A_54 = arith.constant 0 : i32
      %dma_wait3A_55 = tpu.memref_slice %arg7[%dma_wait3A_54] : memref<81920xf32, #tpu.memory_space<vmem>> -> memref<10240xf32, #tpu.memory_space<vmem>>
      tpu.wait_dma2 semaphore(%run_scoped3A : memref<!tpu.dma_semaphore, #tpu.memory_space<semaphore_mem>>) src(%dma_wait3A_55 : memref<10240xf32, #tpu.memory_space<vmem>>) dst(%dma_wait3A_53 : memref<10240xf32, #tpu.memory_space<hbm>>)
      tpu.yield
    }) : () -> ()
    %add3A_23 = arith.constant 1 : i32
    %add3A_24 = arith.addi %mul3A_2, %add3A_23 : i32
    "tpu.region"() ({
      %run_scoped3A = tpu.sem_alloc : memref<!tpu.dma_semaphore, #tpu.memory_space<semaphore_mem>>
      %dma_start3A_37 = arith.constant 10240 : i32
      %dma_start3A_38 = tpu.memref_slice %arg7[%dma_start3A_37] : memref<81920xf32, #tpu.memory_space<vmem>> -> memref<10240xf32, #tpu.memory_space<vmem>>
      %dma_start3A_39 = arith.constant 0 : i32
      %dma_start3A_40 = tpu.memref_slice %arg5[%add3A_24, %dma_start3A_39] : memref<256x10240xf32, #tpu.memory_space<hbm>> -> memref<1x10240xf32, #tpu.memory_space<hbm>>
      %dma_start3A_41 = tpu.memref_squeeze %dma_start3A_40 : memref<1x10240xf32, #tpu.memory_space<hbm>> -> memref<10240xf32, #tpu.memory_space<hbm>>
      %dma_start3A_42 = arith.constant 0 : i32
      %dma_start3A_43 = tpu.memref_slice %arg5[%add3A_24, %dma_start3A_42] : memref<256x10240xf32, #tpu.memory_space<hbm>> -> memref<1x10240xf32, #tpu.memory_space<hbm>>
      %dma_start3A_44 = tpu.memref_squeeze %dma_start3A_43 : memref<1x10240xf32, #tpu.memory_space<hbm>> -> memref<10240xf32, #tpu.memory_space<hbm>>
      %dma_start3A_45 = arith.constant 10240 : i32
      %dma_start3A_46 = tpu.memref_slice %arg7[%dma_start3A_45] : memref<81920xf32, #tpu.memory_space<vmem>> -> memref<10240xf32, #tpu.memory_space<vmem>>
      tpu.enqueue_dma source(%dma_start3A_46 : memref<10240xf32, #tpu.memory_space<vmem>>) target(%dma_start3A_44 : memref<10240xf32, #tpu.memory_space<hbm>>) target_semaphore(%run_scoped3A : memref<!tpu.dma_semaphore, #tpu.memory_space<semaphore_mem>>)
      %dma_wait3A = arith.constant 10240 : i32
      %dma_wait3A_47 = tpu.memref_slice %arg7[%dma_wait3A] : memref<81920xf32, #tpu.memory_space<vmem>> -> memref<10240xf32, #tpu.memory_space<vmem>>
      %dma_wait3A_48 = arith.constant 0 : i32
      %dma_wait3A_49 = tpu.memref_slice %arg5[%add3A_24, %dma_wait3A_48] : memref<256x10240xf32, #tpu.memory_space<hbm>> -> memref<1x10240xf32, #tpu.memory_space<hbm>>
      %dma_wait3A_50 = tpu.memref_squeeze %dma_wait3A_49 : memref<1x10240xf32, #tpu.memory_space<hbm>> -> memref<10240xf32, #tpu.memory_space<hbm>>
      %dma_wait3A_51 = arith.constant 0 : i32
      %dma_wait3A_52 = tpu.memref_slice %arg5[%add3A_24, %dma_wait3A_51] : memref<256x10240xf32, #tpu.memory_space<hbm>> -> memref<1x10240xf32, #tpu.memory_space<hbm>>
      %dma_wait3A_53 = tpu.memref_squeeze %dma_wait3A_52 : memref<1x10240xf32, #tpu.memory_space<hbm>> -> memref<10240xf32, #tpu.memory_space<hbm>>
      %dma_wait3A_54 = arith.constant 10240 : i32
      %dma_wait3A_55 = tpu.memref_slice %arg7[%dma_wait3A_54] : memref<81920xf32, #tpu.memory_space<vmem>> -> memref<10240xf32, #tpu.memory_space<vmem>>
      tpu.wait_dma2 semaphore(%run_scoped3A : memref<!tpu.dma_semaphore, #tpu.memory_space<semaphore_mem>>) src(%dma_wait3A_55 : memref<10240xf32, #tpu.memory_space<vmem>>) dst(%dma_wait3A_53 : memref<10240xf32, #tpu.memory_space<hbm>>)
      tpu.yield
    }) : () -> ()
    %add3A_25 = arith.constant 2 : i32
    %add3A_26 = arith.addi %mul3A_2, %add3A_25 : i32
    "tpu.region"() ({
      %run_scoped3A = tpu.sem_alloc : memref<!tpu.dma_semaphore, #tpu.memory_space<semaphore_mem>>
      %dma_start3A_37 = arith.constant 20480 : i32
      %dma_start3A_38 = tpu.memref_slice %arg7[%dma_start3A_37] : memref<81920xf32, #tpu.memory_space<vmem>> -> memref<10240xf32, #tpu.memory_space<vmem>>
      %dma_start3A_39 = arith.constant 0 : i32
      %dma_start3A_40 = tpu.memref_slice %arg5[%add3A_26, %dma_start3A_39] : memref<256x10240xf32, #tpu.memory_space<hbm>> -> memref<1x10240xf32, #tpu.memory_space<hbm>>
      %dma_start3A_41 = tpu.memref_squeeze %dma_start3A_40 : memref<1x10240xf32, #tpu.memory_space<hbm>> -> memref<10240xf32, #tpu.memory_space<hbm>>
      %dma_start3A_42 = arith.constant 0 : i32
      %dma_start3A_43 = tpu.memref_slice %arg5[%add3A_26, %dma_start3A_42] : memref<256x10240xf32, #tpu.memory_space<hbm>> -> memref<1x10240xf32, #tpu.memory_space<hbm>>
      %dma_start3A_44 = tpu.memref_squeeze %dma_start3A_43 : memref<1x10240xf32, #tpu.memory_space<hbm>> -> memref<10240xf32, #tpu.memory_space<hbm>>
      %dma_start3A_45 = arith.constant 20480 : i32
      %dma_start3A_46 = tpu.memref_slice %arg7[%dma_start3A_45] : memref<81920xf32, #tpu.memory_space<vmem>> -> memref<10240xf32, #tpu.memory_space<vmem>>
      tpu.enqueue_dma source(%dma_start3A_46 : memref<10240xf32, #tpu.memory_space<vmem>>) target(%dma_start3A_44 : memref<10240xf32, #tpu.memory_space<hbm>>) target_semaphore(%run_scoped3A : memref<!tpu.dma_semaphore, #tpu.memory_space<semaphore_mem>>)
      %dma_wait3A = arith.constant 20480 : i32
      %dma_wait3A_47 = tpu.memref_slice %arg7[%dma_wait3A] : memref<81920xf32, #tpu.memory_space<vmem>> -> memref<10240xf32, #tpu.memory_space<vmem>>
      %dma_wait3A_48 = arith.constant 0 : i32
      %dma_wait3A_49 = tpu.memref_slice %arg5[%add3A_26, %dma_wait3A_48] : memref<256x10240xf32, #tpu.memory_space<hbm>> -> memref<1x10240xf32, #tpu.memory_space<hbm>>
      %dma_wait3A_50 = tpu.memref_squeeze %dma_wait3A_49 : memref<1x10240xf32, #tpu.memory_space<hbm>> -> memref<10240xf32, #tpu.memory_space<hbm>>
      %dma_wait3A_51 = arith.constant 0 : i32
      %dma_wait3A_52 = tpu.memref_slice %arg5[%add3A_26, %dma_wait3A_51] : memref<256x10240xf32, #tpu.memory_space<hbm>> -> memref<1x10240xf32, #tpu.memory_space<hbm>>
      %dma_wait3A_53 = tpu.memref_squeeze %dma_wait3A_52 : memref<1x10240xf32, #tpu.memory_space<hbm>> -> memref<10240xf32, #tpu.memory_space<hbm>>
      %dma_wait3A_54 = arith.constant 20480 : i32
      %dma_wait3A_55 = tpu.memref_slice %arg7[%dma_wait3A_54] : memref<81920xf32, #tpu.memory_space<vmem>> -> memref<10240xf32, #tpu.memory_space<vmem>>
      tpu.wait_dma2 semaphore(%run_scoped3A : memref<!tpu.dma_semaphore, #tpu.memory_space<semaphore_mem>>) src(%dma_wait3A_55 : memref<10240xf32, #tpu.memory_space<vmem>>) dst(%dma_wait3A_53 : memref<10240xf32, #tpu.memory_space<hbm>>)
      tpu.yield
    }) : () -> ()
    %add3A_27 = arith.constant 3 : i32
    %add3A_28 = arith.addi %mul3A_2, %add3A_27 : i32
    "tpu.region"() ({
      %run_scoped3A = tpu.sem_alloc : memref<!tpu.dma_semaphore, #tpu.memory_space<semaphore_mem>>
      %dma_start3A_37 = arith.constant 30720 : i32
      %dma_start3A_38 = tpu.memref_slice %arg7[%dma_start3A_37] : memref<81920xf32, #tpu.memory_space<vmem>> -> memref<10240xf32, #tpu.memory_space<vmem>>
      %dma_start3A_39 = arith.constant 0 : i32
      %dma_start3A_40 = tpu.memref_slice %arg5[%add3A_28, %dma_start3A_39] : memref<256x10240xf32, #tpu.memory_space<hbm>> -> memref<1x10240xf32, #tpu.memory_space<hbm>>
      %dma_start3A_41 = tpu.memref_squeeze %dma_start3A_40 : memref<1x10240xf32, #tpu.memory_space<hbm>> -> memref<10240xf32, #tpu.memory_space<hbm>>
      %dma_start3A_42 = arith.constant 0 : i32
      %dma_start3A_43 = tpu.memref_slice %arg5[%add3A_28, %dma_start3A_42] : memref<256x10240xf32, #tpu.memory_space<hbm>> -> memref<1x10240xf32, #tpu.memory_space<hbm>>
      %dma_start3A_44 = tpu.memref_squeeze %dma_start3A_43 : memref<1x10240xf32, #tpu.memory_space<hbm>> -> memref<10240xf32, #tpu.memory_space<hbm>>
      %dma_start3A_45 = arith.constant 30720 : i32
      %dma_start3A_46 = tpu.memref_slice %arg7[%dma_start3A_45] : memref<81920xf32, #tpu.memory_space<vmem>> -> memref<10240xf32, #tpu.memory_space<vmem>>
      tpu.enqueue_dma source(%dma_start3A_46 : memref<10240xf32, #tpu.memory_space<vmem>>) target(%dma_start3A_44 : memref<10240xf32, #tpu.memory_space<hbm>>) target_semaphore(%run_scoped3A : memref<!tpu.dma_semaphore, #tpu.memory_space<semaphore_mem>>)
      %dma_wait3A = arith.constant 30720 : i32
      %dma_wait3A_47 = tpu.memref_slice %arg7[%dma_wait3A] : memref<81920xf32, #tpu.memory_space<vmem>> -> memref<10240xf32, #tpu.memory_space<vmem>>
      %dma_wait3A_48 = arith.constant 0 : i32
      %dma_wait3A_49 = tpu.memref_slice %arg5[%add3A_28, %dma_wait3A_48] : memref<256x10240xf32, #tpu.memory_space<hbm>> -> memref<1x10240xf32, #tpu.memory_space<hbm>>
      %dma_wait3A_50 = tpu.memref_squeeze %dma_wait3A_49 : memref<1x10240xf32, #tpu.memory_space<hbm>> -> memref<10240xf32, #tpu.memory_space<hbm>>
      %dma_wait3A_51 = arith.constant 0 : i32
      %dma_wait3A_52 = tpu.memref_slice %arg5[%add3A_28, %dma_wait3A_51] : memref<256x10240xf32, #tpu.memory_space<hbm>> -> memref<1x10240xf32, #tpu.memory_space<hbm>>
      %dma_wait3A_53 = tpu.memref_squeeze %dma_wait3A_52 : memref<1x10240xf32, #tpu.memory_space<hbm>> -> memref<10240xf32, #tpu.memory_space<hbm>>
      %dma_wait3A_54 = arith.constant 30720 : i32
      %dma_wait3A_55 = tpu.memref_slice %arg7[%dma_wait3A_54] : memref<81920xf32, #tpu.memory_space<vmem>> -> memref<10240xf32, #tpu.memory_space<vmem>>
      tpu.wait_dma2 semaphore(%run_scoped3A : memref<!tpu.dma_semaphore, #tpu.memory_space<semaphore_mem>>) src(%dma_wait3A_55 : memref<10240xf32, #tpu.memory_space<vmem>>) dst(%dma_wait3A_53 : memref<10240xf32, #tpu.memory_space<hbm>>)
      tpu.yield
    }) : () -> ()
    %add3A_29 = arith.constant 4 : i32
    %add3A_30 = arith.addi %mul3A_2, %add3A_29 : i32
    "tpu.region"() ({
      %run_scoped3A = tpu.sem_alloc : memref<!tpu.dma_semaphore, #tpu.memory_space<semaphore_mem>>
      %dma_start3A_37 = arith.constant 40960 : i32
      %dma_start3A_38 = tpu.memref_slice %arg7[%dma_start3A_37] : memref<81920xf32, #tpu.memory_space<vmem>> -> memref<10240xf32, #tpu.memory_space<vmem>>
      %dma_start3A_39 = arith.constant 0 : i32
      %dma_start3A_40 = tpu.memref_slice %arg5[%add3A_30, %dma_start3A_39] : memref<256x10240xf32, #tpu.memory_space<hbm>> -> memref<1x10240xf32, #tpu.memory_space<hbm>>
      %dma_start3A_41 = tpu.memref_squeeze %dma_start3A_40 : memref<1x10240xf32, #tpu.memory_space<hbm>> -> memref<10240xf32, #tpu.memory_space<hbm>>
      %dma_start3A_42 = arith.constant 0 : i32
      %dma_start3A_43 = tpu.memref_slice %arg5[%add3A_30, %dma_start3A_42] : memref<256x10240xf32, #tpu.memory_space<hbm>> -> memref<1x10240xf32, #tpu.memory_space<hbm>>
      %dma_start3A_44 = tpu.memref_squeeze %dma_start3A_43 : memref<1x10240xf32, #tpu.memory_space<hbm>> -> memref<10240xf32, #tpu.memory_space<hbm>>
      %dma_start3A_45 = arith.constant 40960 : i32
      %dma_start3A_46 = tpu.memref_slice %arg7[%dma_start3A_45] : memref<81920xf32, #tpu.memory_space<vmem>> -> memref<10240xf32, #tpu.memory_space<vmem>>
      tpu.enqueue_dma source(%dma_start3A_46 : memref<10240xf32, #tpu.memory_space<vmem>>) target(%dma_start3A_44 : memref<10240xf32, #tpu.memory_space<hbm>>) target_semaphore(%run_scoped3A : memref<!tpu.dma_semaphore, #tpu.memory_space<semaphore_mem>>)
      %dma_wait3A = arith.constant 40960 : i32
      %dma_wait3A_47 = tpu.memref_slice %arg7[%dma_wait3A] : memref<81920xf32, #tpu.memory_space<vmem>> -> memref<10240xf32, #tpu.memory_space<vmem>>
      %dma_wait3A_48 = arith.constant 0 : i32
      %dma_wait3A_49 = tpu.memref_slice %arg5[%add3A_30, %dma_wait3A_48] : memref<256x10240xf32, #tpu.memory_space<hbm>> -> memref<1x10240xf32, #tpu.memory_space<hbm>>
      %dma_wait3A_50 = tpu.memref_squeeze %dma_wait3A_49 : memref<1x10240xf32, #tpu.memory_space<hbm>> -> memref<10240xf32, #tpu.memory_space<hbm>>
      %dma_wait3A_51 = arith.constant 0 : i32
      %dma_wait3A_52 = tpu.memref_slice %arg5[%add3A_30, %dma_wait3A_51] : memref<256x10240xf32, #tpu.memory_space<hbm>> -> memref<1x10240xf32, #tpu.memory_space<hbm>>
      %dma_wait3A_53 = tpu.memref_squeeze %dma_wait3A_52 : memref<1x10240xf32, #tpu.memory_space<hbm>> -> memref<10240xf32, #tpu.memory_space<hbm>>
      %dma_wait3A_54 = arith.constant 40960 : i32
      %dma_wait3A_55 = tpu.memref_slice %arg7[%dma_wait3A_54] : memref<81920xf32, #tpu.memory_space<vmem>> -> memref<10240xf32, #tpu.memory_space<vmem>>
      tpu.wait_dma2 semaphore(%run_scoped3A : memref<!tpu.dma_semaphore, #tpu.memory_space<semaphore_mem>>) src(%dma_wait3A_55 : memref<10240xf32, #tpu.memory_space<vmem>>) dst(%dma_wait3A_53 : memref<10240xf32, #tpu.memory_space<hbm>>)
      tpu.yield
    }) : () -> ()
    %add3A_31 = arith.constant 5 : i32
    %add3A_32 = arith.addi %mul3A_2, %add3A_31 : i32
    "tpu.region"() ({
      %run_scoped3A = tpu.sem_alloc : memref<!tpu.dma_semaphore, #tpu.memory_space<semaphore_mem>>
      %dma_start3A_37 = arith.constant 51200 : i32
      %dma_start3A_38 = tpu.memref_slice %arg7[%dma_start3A_37] : memref<81920xf32, #tpu.memory_space<vmem>> -> memref<10240xf32, #tpu.memory_space<vmem>>
      %dma_start3A_39 = arith.constant 0 : i32
      %dma_start3A_40 = tpu.memref_slice %arg5[%add3A_32, %dma_start3A_39] : memref<256x10240xf32, #tpu.memory_space<hbm>> -> memref<1x10240xf32, #tpu.memory_space<hbm>>
      %dma_start3A_41 = tpu.memref_squeeze %dma_start3A_40 : memref<1x10240xf32, #tpu.memory_space<hbm>> -> memref<10240xf32, #tpu.memory_space<hbm>>
      %dma_start3A_42 = arith.constant 0 : i32
      %dma_start3A_43 = tpu.memref_slice %arg5[%add3A_32, %dma_start3A_42] : memref<256x10240xf32, #tpu.memory_space<hbm>> -> memref<1x10240xf32, #tpu.memory_space<hbm>>
      %dma_start3A_44 = tpu.memref_squeeze %dma_start3A_43 : memref<1x10240xf32, #tpu.memory_space<hbm>> -> memref<10240xf32, #tpu.memory_space<hbm>>
      %dma_start3A_45 = arith.constant 51200 : i32
      %dma_start3A_46 = tpu.memref_slice %arg7[%dma_start3A_45] : memref<81920xf32, #tpu.memory_space<vmem>> -> memref<10240xf32, #tpu.memory_space<vmem>>
      tpu.enqueue_dma source(%dma_start3A_46 : memref<10240xf32, #tpu.memory_space<vmem>>) target(%dma_start3A_44 : memref<10240xf32, #tpu.memory_space<hbm>>) target_semaphore(%run_scoped3A : memref<!tpu.dma_semaphore, #tpu.memory_space<semaphore_mem>>)
      %dma_wait3A = arith.constant 51200 : i32
      %dma_wait3A_47 = tpu.memref_slice %arg7[%dma_wait3A] : memref<81920xf32, #tpu.memory_space<vmem>> -> memref<10240xf32, #tpu.memory_space<vmem>>
      %dma_wait3A_48 = arith.constant 0 : i32
      %dma_wait3A_49 = tpu.memref_slice %arg5[%add3A_32, %dma_wait3A_48] : memref<256x10240xf32, #tpu.memory_space<hbm>> -> memref<1x10240xf32, #tpu.memory_space<hbm>>
      %dma_wait3A_50 = tpu.memref_squeeze %dma_wait3A_49 : memref<1x10240xf32, #tpu.memory_space<hbm>> -> memref<10240xf32, #tpu.memory_space<hbm>>
      %dma_wait3A_51 = arith.constant 0 : i32
      %dma_wait3A_52 = tpu.memref_slice %arg5[%add3A_32, %dma_wait3A_51] : memref<256x10240xf32, #tpu.memory_space<hbm>> -> memref<1x10240xf32, #tpu.memory_space<hbm>>
      %dma_wait3A_53 = tpu.memref_squeeze %dma_wait3A_52 : memref<1x10240xf32, #tpu.memory_space<hbm>> -> memref<10240xf32, #tpu.memory_space<hbm>>
      %dma_wait3A_54 = arith.constant 51200 : i32
      %dma_wait3A_55 = tpu.memref_slice %arg7[%dma_wait3A_54] : memref<81920xf32, #tpu.memory_space<vmem>> -> memref<10240xf32, #tpu.memory_space<vmem>>
      tpu.wait_dma2 semaphore(%run_scoped3A : memref<!tpu.dma_semaphore, #tpu.memory_space<semaphore_mem>>) src(%dma_wait3A_55 : memref<10240xf32, #tpu.memory_space<vmem>>) dst(%dma_wait3A_53 : memref<10240xf32, #tpu.memory_space<hbm>>)
      tpu.yield
    }) : () -> ()
    %add3A_33 = arith.constant 6 : i32
    %add3A_34 = arith.addi %mul3A_2, %add3A_33 : i32
    "tpu.region"() ({
      %run_scoped3A = tpu.sem_alloc : memref<!tpu.dma_semaphore, #tpu.memory_space<semaphore_mem>>
      %dma_start3A_37 = arith.constant 61440 : i32
      %dma_start3A_38 = tpu.memref_slice %arg7[%dma_start3A_37] : memref<81920xf32, #tpu.memory_space<vmem>> -> memref<10240xf32, #tpu.memory_space<vmem>>
      %dma_start3A_39 = arith.constant 0 : i32
      %dma_start3A_40 = tpu.memref_slice %arg5[%add3A_34, %dma_start3A_39] : memref<256x10240xf32, #tpu.memory_space<hbm>> -> memref<1x10240xf32, #tpu.memory_space<hbm>>
      %dma_start3A_41 = tpu.memref_squeeze %dma_start3A_40 : memref<1x10240xf32, #tpu.memory_space<hbm>> -> memref<10240xf32, #tpu.memory_space<hbm>>
      %dma_start3A_42 = arith.constant 0 : i32
      %dma_start3A_43 = tpu.memref_slice %arg5[%add3A_34, %dma_start3A_42] : memref<256x10240xf32, #tpu.memory_space<hbm>> -> memref<1x10240xf32, #tpu.memory_space<hbm>>
      %dma_start3A_44 = tpu.memref_squeeze %dma_start3A_43 : memref<1x10240xf32, #tpu.memory_space<hbm>> -> memref<10240xf32, #tpu.memory_space<hbm>>
      %dma_start3A_45 = arith.constant 61440 : i32
      %dma_start3A_46 = tpu.memref_slice %arg7[%dma_start3A_45] : memref<81920xf32, #tpu.memory_space<vmem>> -> memref<10240xf32, #tpu.memory_space<vmem>>
      tpu.enqueue_dma source(%dma_start3A_46 : memref<10240xf32, #tpu.memory_space<vmem>>) target(%dma_start3A_44 : memref<10240xf32, #tpu.memory_space<hbm>>) target_semaphore(%run_scoped3A : memref<!tpu.dma_semaphore, #tpu.memory_space<semaphore_mem>>)
      %dma_wait3A = arith.constant 61440 : i32
      %dma_wait3A_47 = tpu.memref_slice %arg7[%dma_wait3A] : memref<81920xf32, #tpu.memory_space<vmem>> -> memref<10240xf32, #tpu.memory_space<vmem>>
      %dma_wait3A_48 = arith.constant 0 : i32
      %dma_wait3A_49 = tpu.memref_slice %arg5[%add3A_34, %dma_wait3A_48] : memref<256x10240xf32, #tpu.memory_space<hbm>> -> memref<1x10240xf32, #tpu.memory_space<hbm>>
      %dma_wait3A_50 = tpu.memref_squeeze %dma_wait3A_49 : memref<1x10240xf32, #tpu.memory_space<hbm>> -> memref<10240xf32, #tpu.memory_space<hbm>>
      %dma_wait3A_51 = arith.constant 0 : i32
      %dma_wait3A_52 = tpu.memref_slice %arg5[%add3A_34, %dma_wait3A_51] : memref<256x10240xf32, #tpu.memory_space<hbm>> -> memref<1x10240xf32, #tpu.memory_space<hbm>>
      %dma_wait3A_53 = tpu.memref_squeeze %dma_wait3A_52 : memref<1x10240xf32, #tpu.memory_space<hbm>> -> memref<10240xf32, #tpu.memory_space<hbm>>
      %dma_wait3A_54 = arith.constant 61440 : i32
      %dma_wait3A_55 = tpu.memref_slice %arg7[%dma_wait3A_54] : memref<81920xf32, #tpu.memory_space<vmem>> -> memref<10240xf32, #tpu.memory_space<vmem>>
      tpu.wait_dma2 semaphore(%run_scoped3A : memref<!tpu.dma_semaphore, #tpu.memory_space<semaphore_mem>>) src(%dma_wait3A_55 : memref<10240xf32, #tpu.memory_space<vmem>>) dst(%dma_wait3A_53 : memref<10240xf32, #tpu.memory_space<hbm>>)
      tpu.yield
    }) : () -> ()
    %add3A_35 = arith.constant 7 : i32
    %add3A_36 = arith.addi %mul3A_2, %add3A_35 : i32
    "tpu.region"() ({
      %run_scoped3A = tpu.sem_alloc : memref<!tpu.dma_semaphore, #tpu.memory_space<semaphore_mem>>
      %dma_start3A_37 = arith.constant 71680 : i32
      %dma_start3A_38 = tpu.memref_slice %arg7[%dma_start3A_37] : memref<81920xf32, #tpu.memory_space<vmem>> -> memref<10240xf32, #tpu.memory_space<vmem>>
      %dma_start3A_39 = arith.constant 0 : i32
      %dma_start3A_40 = tpu.memref_slice %arg5[%add3A_36, %dma_start3A_39] : memref<256x10240xf32, #tpu.memory_space<hbm>> -> memref<1x10240xf32, #tpu.memory_space<hbm>>
      %dma_start3A_41 = tpu.memref_squeeze %dma_start3A_40 : memref<1x10240xf32, #tpu.memory_space<hbm>> -> memref<10240xf32, #tpu.memory_space<hbm>>
      %dma_start3A_42 = arith.constant 0 : i32
      %dma_start3A_43 = tpu.memref_slice %arg5[%add3A_36, %dma_start3A_42] : memref<256x10240xf32, #tpu.memory_space<hbm>> -> memref<1x10240xf32, #tpu.memory_space<hbm>>
      %dma_start3A_44 = tpu.memref_squeeze %dma_start3A_43 : memref<1x10240xf32, #tpu.memory_space<hbm>> -> memref<10240xf32, #tpu.memory_space<hbm>>
      %dma_start3A_45 = arith.constant 71680 : i32
      %dma_start3A_46 = tpu.memref_slice %arg7[%dma_start3A_45] : memref<81920xf32, #tpu.memory_space<vmem>> -> memref<10240xf32, #tpu.memory_space<vmem>>
      tpu.enqueue_dma source(%dma_start3A_46 : memref<10240xf32, #tpu.memory_space<vmem>>) target(%dma_start3A_44 : memref<10240xf32, #tpu.memory_space<hbm>>) target_semaphore(%run_scoped3A : memref<!tpu.dma_semaphore, #tpu.memory_space<semaphore_mem>>)
      %dma_wait3A = arith.constant 71680 : i32
      %dma_wait3A_47 = tpu.memref_slice %arg7[%dma_wait3A] : memref<81920xf32, #tpu.memory_space<vmem>> -> memref<10240xf32, #tpu.memory_space<vmem>>
      %dma_wait3A_48 = arith.constant 0 : i32
      %dma_wait3A_49 = tpu.memref_slice %arg5[%add3A_36, %dma_wait3A_48] : memref<256x10240xf32, #tpu.memory_space<hbm>> -> memref<1x10240xf32, #tpu.memory_space<hbm>>
      %dma_wait3A_50 = tpu.memref_squeeze %dma_wait3A_49 : memref<1x10240xf32, #tpu.memory_space<hbm>> -> memref<10240xf32, #tpu.memory_space<hbm>>
      %dma_wait3A_51 = arith.constant 0 : i32
      %dma_wait3A_52 = tpu.memref_slice %arg5[%add3A_36, %dma_wait3A_51] : memref<256x10240xf32, #tpu.memory_space<hbm>> -> memref<1x10240xf32, #tpu.memory_space<hbm>>
      %dma_wait3A_53 = tpu.memref_squeeze %dma_wait3A_52 : memref<1x10240xf32, #tpu.memory_space<hbm>> -> memref<10240xf32, #tpu.memory_space<hbm>>
      %dma_wait3A_54 = arith.constant 71680 : i32
      %dma_wait3A_55 = tpu.memref_slice %arg7[%dma_wait3A_54] : memref<81920xf32, #tpu.memory_space<vmem>> -> memref<10240xf32, #tpu.memory_space<vmem>>
      tpu.wait_dma2 semaphore(%run_scoped3A : memref<!tpu.dma_semaphore, #tpu.memory_space<semaphore_mem>>) src(%dma_wait3A_55 : memref<10240xf32, #tpu.memory_space<vmem>>) dst(%dma_wait3A_53 : memref<10240xf32, #tpu.memory_space<hbm>>)
      tpu.yield
    }) : () -> ()
    return
  }
}

module attributes {stable_mosaic.version = 14 : i64} {
  func.func @_tc_head_body(%arg0: i32, %arg1: memref<1024x256xf32, #tpu.memory_space<vmem>>, %arg2: memref<256x256xf32, #tpu.memory_space<vmem>>, %arg3: memref<1024x256xf32, #tpu.memory_space<vmem>>, %arg4: memref<256x1024xf32, #tpu.memory_space<vmem>>) attributes {dimension_semantics = [#tpu.dimension_semantics<arbitrary>], iteration_bounds = array<i64: 10>, scalar_prefetch = 0 : i64, scratch_operands = 0 : i64, tpu.core_type = #tpu.core_type<tc>, window_params = [{transform_indices = @transform_0, window_bounds = array<i64: 1024, 256>}, {pipeline_mode = #tpu.pipeline_mode<synchronous>, transform_indices = @transform_1, window_bounds = array<i64: 256, 256>}, {transform_indices = @transform_2, window_bounds = array<i64: 1024, 256>}, {transform_indices = @transform_3, window_bounds = array<i64: 256, 1024>}]} {
    %get3A = arith.constant 0 : index
    %get3A_0 = arith.constant 0 : index
    %get3A_1 = vector.load %arg1[%get3A, %get3A_0] : memref<1024x256xf32, #tpu.memory_space<vmem>>, vector<1024x256xf32>
    %get3A_2 = arith.constant 0 : index
    %get3A_3 = arith.constant 0 : index
    %get3A_4 = vector.load %arg2[%get3A_2, %get3A_3] : memref<256x256xf32, #tpu.memory_space<vmem>>, vector<256x256xf32>
    %dot_general3A = arith.constant dense<0.000000e+00> : vector<1024x256xf32>
    %dot_general3A_5 = tpu.matmul %get3A_1, %get3A_4, %dot_general3A {dimension_numbers = #tpu.dot_dimension_numbers<[1], [0], [0], [1], [0, 0, 1, 1], [], []>, precision = #tpu.contract_precision<fp32>, transpose_lhs_hint = false} : vector<1024x256xf32>, vector<256x256xf32>, vector<1024x256xf32> -> vector<1024x256xf32>
    %swap3A = arith.constant 0 : index
    %swap3A_6 = arith.constant 0 : index
    %swap3A_7 = vector.load %arg3[%swap3A, %swap3A_6] : memref<1024x256xf32, #tpu.memory_space<vmem>>, vector<1024x256xf32>
    tpu.vector_store %arg3[%swap3A, %swap3A_6], %dot_general3A_5 {strides = array<i32>} : memref<1024x256xf32, #tpu.memory_space<vmem>>, vector<1024x256xf32>,
    %transpose3A = tpu.transpose %dot_general3A_5, [1, 0] : vector<1024x256xf32> -> vector<256x1024xf32>
    %swap3A_8 = arith.constant 0 : index
    %swap3A_9 = arith.constant 0 : index
    %swap3A_10 = vector.load %arg4[%swap3A_8, %swap3A_9] : memref<256x1024xf32, #tpu.memory_space<vmem>>, vector<256x1024xf32>
    tpu.vector_store %arg4[%swap3A_8, %swap3A_9], %transpose3A {strides = array<i32>} : memref<256x1024xf32, #tpu.memory_space<vmem>>, vector<256x1024xf32>,
    return
  }
  func.func @transform_0(%arg0: i32) -> (i32, i32) {
    %c0_i32 = arith.constant 0 : i32
    %c0_i32_0 = arith.constant 0 : i32
    return %arg0, %c0_i32 : i32, i32
  }
  func.func @transform_1(%arg0: i32) -> (i32, i32) {
    %c0_i32 = arith.constant 0 : i32
    %c0_i32_0 = arith.constant 0 : i32
    %c0_i32_1 = arith.constant 0 : i32
    return %c0_i32, %c0_i32_0 : i32, i32
  }
  func.func @transform_2(%arg0: i32) -> (i32, i32) {
    %c0_i32 = arith.constant 0 : i32
    %c0_i32_0 = arith.constant 0 : i32
    return %arg0, %c0_i32 : i32, i32
  }
  func.func @transform_3(%arg0: i32) -> (i32, i32) {
    %c0_i32 = arith.constant 0 : i32
    %c0_i32_0 = arith.constant 0 : i32
    return %c0_i32, %arg0 : i32, i32
  }
}

module attributes {stable_mosaic.version = 14 : i64} {
  func.func @_tc_proj_body(%arg0: i32, %arg1: memref<1024x256xf32, #tpu.memory_space<vmem>>, %arg2: memref<256x256xf32, #tpu.memory_space<vmem>>, %arg3: memref<256x1xf32, #tpu.memory_space<vmem>>, %arg4: memref<256x1xf32, #tpu.memory_space<vmem>>, %arg5: memref<1024x1xf32, #tpu.memory_space<vmem>>, %arg6: memref<1024x1xf32, #tpu.memory_space<vmem>>) attributes {dimension_semantics = [#tpu.dimension_semantics<arbitrary>], iteration_bounds = array<i64: 10>, scalar_prefetch = 0 : i64, scratch_operands = 0 : i64, tpu.core_type = #tpu.core_type<tc>, window_params = [{transform_indices = @transform_0, window_bounds = array<i64: 1024, 256>}, {pipeline_mode = #tpu.pipeline_mode<synchronous>, transform_indices = @transform_1, window_bounds = array<i64: 256, 256>}, {pipeline_mode = #tpu.pipeline_mode<synchronous>, transform_indices = @transform_2, window_bounds = array<i64: 256, 1>}, {pipeline_mode = #tpu.pipeline_mode<synchronous>, transform_indices = @transform_3, window_bounds = array<i64: 256, 1>}, {transform_indices = @transform_4, window_bounds = array<i64: 1024, 1>}, {transform_indices = @transform_5, window_bounds = array<i64: 1024, 1>}]} {
    %get3A = arith.constant 0 : index
    %get3A_0 = arith.constant 0 : index
    %get3A_1 = vector.load %arg2[%get3A, %get3A_0] : memref<256x256xf32, #tpu.memory_space<vmem>>, vector<256x256xf32>
    %get3A_2 = arith.constant 0 : index
    %get3A_3 = arith.constant 0 : index
    %get3A_4 = vector.load %arg3[%get3A_2, %get3A_3] : memref<256x1xf32, #tpu.memory_space<vmem>>, vector<256x1xf32>
    %dot_general3A = arith.constant dense<0.000000e+00> : vector<256x1xf32>
    %dot_general3A_5 = tpu.matmul %get3A_1, %get3A_4, %dot_general3A {dimension_numbers = #tpu.dot_dimension_numbers<[1], [0], [0], [1], [0, 0, 1, 1], [], []>, precision = #tpu.contract_precision<fp32>, transpose_lhs_hint = false} : vector<256x256xf32>, vector<256x1xf32>, vector<256x1xf32> -> vector<256x1xf32>
    %get3A_6 = arith.constant 0 : index
    %get3A_7 = arith.constant 0 : index
    %get3A_8 = vector.load %arg2[%get3A_6, %get3A_7] : memref<256x256xf32, #tpu.memory_space<vmem>>, vector<256x256xf32>
    %get3A_9 = arith.constant 0 : index
    %get3A_10 = arith.constant 0 : index
    %get3A_11 = vector.load %arg4[%get3A_9, %get3A_10] : memref<256x1xf32, #tpu.memory_space<vmem>>, vector<256x1xf32>
    %dot_general3A_12 = arith.constant dense<0.000000e+00> : vector<256x1xf32>
    %dot_general3A_13 = tpu.matmul %get3A_8, %get3A_11, %dot_general3A_12 {dimension_numbers = #tpu.dot_dimension_numbers<[1], [0], [0], [1], [0, 0, 1, 1], [], []>, precision = #tpu.contract_precision<fp32>, transpose_lhs_hint = false} : vector<256x256xf32>, vector<256x1xf32>, vector<256x1xf32> -> vector<256x1xf32>
    %get3A_14 = arith.constant 0 : index
    %get3A_15 = arith.constant 0 : index
    %get3A_16 = vector.load %arg1[%get3A_14, %get3A_15] : memref<1024x256xf32, #tpu.memory_space<vmem>>, vector<1024x256xf32>
    %dot_general3A_17 = arith.constant dense<0.000000e+00> : vector<1024x1xf32>
    %dot_general3A_18 = tpu.matmul %get3A_16, %dot_general3A_5, %dot_general3A_17 {dimension_numbers = #tpu.dot_dimension_numbers<[1], [0], [0], [1], [0, 0, 1, 1], [], []>, precision = #tpu.contract_precision<fp32>, transpose_lhs_hint = false} : vector<1024x256xf32>, vector<256x1xf32>, vector<1024x1xf32> -> vector<1024x1xf32>
    %swap3A = arith.constant 0 : index
    %swap3A_19 = arith.constant 0 : index
    %swap3A_20 = vector.load %arg5[%swap3A, %swap3A_19] : memref<1024x1xf32, #tpu.memory_space<vmem>>, vector<1024x1xf32>
    tpu.vector_store %arg5[%swap3A, %swap3A_19], %dot_general3A_18 {strides = array<i32>} : memref<1024x1xf32, #tpu.memory_space<vmem>>, vector<1024x1xf32>,
    %dot_general3A_21 = arith.constant dense<0.000000e+00> : vector<1024x1xf32>
    %dot_general3A_22 = tpu.matmul %get3A_16, %dot_general3A_13, %dot_general3A_21 {dimension_numbers = #tpu.dot_dimension_numbers<[1], [0], [0], [1], [0, 0, 1, 1], [], []>, precision = #tpu.contract_precision<fp32>, transpose_lhs_hint = false} : vector<1024x256xf32>, vector<256x1xf32>, vector<1024x1xf32> -> vector<1024x1xf32>
    %swap3A_23 = arith.constant 0 : index
    %swap3A_24 = arith.constant 0 : index
    %swap3A_25 = vector.load %arg6[%swap3A_23, %swap3A_24] : memref<1024x1xf32, #tpu.memory_space<vmem>>, vector<1024x1xf32>
    tpu.vector_store %arg6[%swap3A_23, %swap3A_24], %dot_general3A_22 {strides = array<i32>} : memref<1024x1xf32, #tpu.memory_space<vmem>>, vector<1024x1xf32>,
    return
  }
  func.func @transform_0(%arg0: i32) -> (i32, i32) {
    %c0_i32 = arith.constant 0 : i32
    %c0_i32_0 = arith.constant 0 : i32
    return %arg0, %c0_i32 : i32, i32
  }
  func.func @transform_1(%arg0: i32) -> (i32, i32) {
    %c0_i32 = arith.constant 0 : i32
    %c0_i32_0 = arith.constant 0 : i32
    %c0_i32_1 = arith.constant 0 : i32
    return %c0_i32, %c0_i32_0 : i32, i32
  }
  func.func @transform_2(%arg0: i32) -> (i32, i32) {
    %c0_i32 = arith.constant 0 : i32
    %c0_i32_0 = arith.constant 0 : i32
    %c0_i32_1 = arith.constant 0 : i32
    return %c0_i32, %c0_i32_0 : i32, i32
  }
  func.func @transform_3(%arg0: i32) -> (i32, i32) {
    %c0_i32 = arith.constant 0 : i32
    %c0_i32_0 = arith.constant 0 : i32
    %c0_i32_1 = arith.constant 0 : i32
    return %c0_i32, %c0_i32_0 : i32, i32
  }
  func.func @transform_4(%arg0: i32) -> (i32, i32) {
    %c0_i32 = arith.constant 0 : i32
    %c0_i32_0 = arith.constant 0 : i32
    return %arg0, %c0_i32 : i32, i32
  }
  func.func @transform_5(%arg0: i32) -> (i32, i32) {
    %c0_i32 = arith.constant 0 : i32
    %c0_i32_0 = arith.constant 0 : i32
    return %arg0, %c0_i32 : i32, i32
  }
}

module attributes {stable_mosaic.version = 14 : i64} {
  func.func @_tc_tail_body(%arg0: i32, %arg1: memref<256x1024xf32, #tpu.memory_space<vmem>>, %arg2: memref<1024x256xf32, #tpu.memory_space<vmem>>, %arg3: memref<1024x256xf32, #tpu.memory_space<vmem>>, %arg4: memref<32x1024xf32, #tpu.memory_space<vmem>>, %arg5: memref<32x1024xf32, #tpu.memory_space<vmem>>, %arg6: memref<1x256xf32, #tpu.memory_space<vmem>>, %arg7: memref<1x256xf32, #tpu.memory_space<vmem>>, %arg8: memref<1024x256xf32, #tpu.memory_space<vmem>>) attributes {dimension_semantics = [#tpu.dimension_semantics<arbitrary>], iteration_bounds = array<i64: 10>, scalar_prefetch = 0 : i64, scratch_operands = 0 : i64, tpu.core_type = #tpu.core_type<tc>, window_params = [{transform_indices = @transform_0, window_bounds = array<i64: 256, 1024>}, {transform_indices = @transform_1, window_bounds = array<i64: 1024, 256>}, {transform_indices = @transform_2, window_bounds = array<i64: 1024, 256>}, {transform_indices = @transform_3, window_bounds = array<i64: 32, 1024>}, {transform_indices = @transform_4, window_bounds = array<i64: 32, 1024>}, {pipeline_mode = #tpu.pipeline_mode<synchronous>, transform_indices = @transform_5, window_bounds = array<i64: 1, 256>}, {pipeline_mode = #tpu.pipeline_mode<synchronous>, transform_indices = @transform_6, window_bounds = array<i64: 1, 256>}, {transform_indices = @transform_7, window_bounds = array<i64: 1024, 256>}]} {
    %get3A = arith.constant 0 : index
    %get3A_0 = arith.constant 0 : index
    %get3A_1 = vector.load %arg5[%get3A, %get3A_0] : memref<32x1024xf32, #tpu.memory_space<vmem>>, vector<32x1024xf32>
    %transpose3A = tpu.transpose %get3A_1, [1, 0] : vector<32x1024xf32> -> vector<1024x32xf32>
    %reduce_sum3A = arith.constant dense<0.000000e+00> : vector<1024xf32>
    %reduce_sum3A_2 = vector.multi_reduction <add>, %transpose3A, %reduce_sum3A [1] : vector<1024x32xf32> to vector<1024xf32>
    %broadcast_in_dim3A = vector.shape_cast %reduce_sum3A_2 : vector<1024xf32> to vector<1024x1xf32>
    %get3A_3 = arith.constant 0 : index
    %get3A_4 = arith.constant 0 : index
    %get3A_5 = vector.load %arg1[%get3A_3, %get3A_4] : memref<256x1024xf32, #tpu.memory_space<vmem>>, vector<256x1024xf32>
    %transpose3A_6 = tpu.transpose %get3A_5, [1, 0] : vector<256x1024xf32> -> vector<1024x256xf32>
    %add3A = arith.constant 1.000000e-16 : f32
    %add3A_7 = vector.broadcast %add3A : f32 to vector<1024x1xf32>
    %add3A_8 = arith.addf %broadcast_in_dim3A, %add3A_7 : vector<1024x1xf32>
    %div3A = vector.broadcast %add3A_8 : vector<1024x1xf32> to vector<1024x256xf32>
    %div3A_9 = arith.divf %transpose3A_6, %div3A : vector<1024x256xf32>
    %get3A_10 = arith.constant 0 : index
    %get3A_11 = arith.constant 0 : index
    %get3A_12 = vector.load %arg4[%get3A_10, %get3A_11] : memref<32x1024xf32, #tpu.memory_space<vmem>>, vector<32x1024xf32>
    %transpose3A_13 = tpu.transpose %get3A_12, [1, 0] : vector<32x1024xf32> -> vector<1024x32xf32>
    %reduce_sum3A_14 = arith.constant dense<0.000000e+00> : vector<1024xf32>
    %reduce_sum3A_15 = vector.multi_reduction <add>, %transpose3A_13, %reduce_sum3A_14 [1] : vector<1024x32xf32> to vector<1024xf32>
    %broadcast_in_dim3A_16 = vector.shape_cast %reduce_sum3A_15 : vector<1024xf32> to vector<1024x1xf32>
    %gt3A = arith.constant 0.000000e+00 : f32
    %gt3A_17 = vector.broadcast %gt3A : f32 to vector<1024x1xf32>
    %gt3A_18 = arith.cmpf ogt, %broadcast_in_dim3A_16, %gt3A_17 : vector<1024x1xf32>
    %get3A_19 = arith.constant 0 : index
    %get3A_20 = arith.constant 0 : index
    %get3A_21 = vector.load %arg3[%get3A_19, %get3A_20] : memref<1024x256xf32, #tpu.memory_space<vmem>>, vector<1024x256xf32>
    %broadcast_in_dim3A_22 = vector.shape_cast %gt3A_18 : vector<1024x1xi1> to vector<1024x1xi1>
    %broadcast_in_dim3A_23 = vector.broadcast %broadcast_in_dim3A_22 : vector<1024x1xi1> to vector<1024x256xi1>
    %select_n3A = arith.select %broadcast_in_dim3A_23, %div3A_9, %get3A_21 : vector<1024x256xi1>, vector<1024x256xf32>
    %get3A_24 = arith.constant 0 : index
    %get3A_25 = arith.constant 0 : index
    %get3A_26 = vector.load %arg2[%get3A_24, %get3A_25] : memref<1024x256xf32, #tpu.memory_space<vmem>>, vector<1024x256xf32>
    %add3A_27 = arith.addf %select_n3A, %get3A_26 : vector<1024x256xf32>
    %reduce_sum3A_28 = arith.constant dense<0.000000e+00> : vector<1024xf32>
    %reduce_sum3A_29 = vector.multi_reduction <add>, %add3A_27, %reduce_sum3A_28 [1] : vector<1024x256xf32> to vector<1024xf32>
    %broadcast_in_dim3A_30 = vector.shape_cast %reduce_sum3A_29 : vector<1024xf32> to vector<1024x1xf32>
    %div3A_31 = arith.constant 2.560000e+02 : f32
    %div3A_32 = vector.broadcast %div3A_31 : f32 to vector<1024x1xf32>
    %div3A_33 = arith.divf %broadcast_in_dim3A_30, %div3A_32 : vector<1024x1xf32>
    %sub3A = vector.broadcast %div3A_33 : vector<1024x1xf32> to vector<1024x256xf32>
    %sub3A_34 = arith.subf %add3A_27, %sub3A : vector<1024x256xf32>
    %mul3A = arith.mulf %sub3A_34, %sub3A_34 : vector<1024x256xf32>
    %reduce_sum3A_35 = arith.constant dense<0.000000e+00> : vector<1024xf32>
    %reduce_sum3A_36 = vector.multi_reduction <add>, %mul3A, %reduce_sum3A_35 [1] : vector<1024x256xf32> to vector<1024xf32>
    %broadcast_in_dim3A_37 = vector.shape_cast %reduce_sum3A_36 : vector<1024xf32> to vector<1024x1xf32>
    %div3A_38 = arith.constant 2.560000e+02 : f32
    %div3A_39 = vector.broadcast %div3A_38 : f32 to vector<1024x1xf32>
    %div3A_40 = arith.divf %broadcast_in_dim3A_37, %div3A_39 : vector<1024x1xf32>
    %add3A_41 = arith.constant 9.99999974E-6 : f32
    %add3A_42 = vector.broadcast %add3A_41 : f32 to vector<1024x1xf32>
    %add3A_43 = arith.addf %div3A_40, %add3A_42 : vector<1024x1xf32>
    %rsqrt3A = math.rsqrt %add3A_43 : vector<1024x1xf32>
    %mul3A_44 = vector.broadcast %rsqrt3A : vector<1024x1xf32> to vector<1024x256xf32>
    %mul3A_45 = arith.mulf %sub3A_34, %mul3A_44 : vector<1024x256xf32>
    %get3A_46 = arith.constant 0 : index
    %get3A_47 = arith.constant 0 : index
    %get3A_48 = vector.load %arg6[%get3A_46, %get3A_47] : memref<1x256xf32, #tpu.memory_space<vmem>>, vector<1x256xf32>
    %mul3A_49 = vector.broadcast %get3A_48 : vector<1x256xf32> to vector<1024x256xf32>
    %mul3A_50 = arith.mulf %mul3A_45, %mul3A_49 : vector<1024x256xf32>
    %get3A_51 = arith.constant 0 : index
    %get3A_52 = arith.constant 0 : index
    %get3A_53 = vector.load %arg7[%get3A_51, %get3A_52] : memref<1x256xf32, #tpu.memory_space<vmem>>, vector<1x256xf32>
    %add3A_54 = vector.broadcast %get3A_53 : vector<1x256xf32> to vector<1024x256xf32>
    %add3A_55 = arith.addf %mul3A_50, %add3A_54 : vector<1024x256xf32>
    %gt3A_56 = arith.constant 0.000000e+00 : f32
    %gt3A_57 = vector.broadcast %gt3A_56 : f32 to vector<1024x256xf32>
    %gt3A_58 = arith.cmpf ogt, %add3A_55, %gt3A_57 : vector<1024x256xf32>
    %exp3A = math.exp %add3A_55 : vector<1024x256xf32>
    %sub3A_59 = arith.constant 1.000000e+00 : f32
    %sub3A_60 = vector.broadcast %sub3A_59 : f32 to vector<1024x256xf32>
    %sub3A_61 = arith.subf %exp3A, %sub3A_60 : vector<1024x256xf32>
    %select_n3A_62 = arith.select %gt3A_58, %add3A_55, %sub3A_61 : vector<1024x256xi1>, vector<1024x256xf32>
    %swap3A = arith.constant 0 : index
    %swap3A_63 = arith.constant 0 : index
    %swap3A_64 = vector.load %arg8[%swap3A, %swap3A_63] : memref<1024x256xf32, #tpu.memory_space<vmem>>, vector<1024x256xf32>
    tpu.vector_store %arg8[%swap3A, %swap3A_63], %select_n3A_62 {strides = array<i32>} : memref<1024x256xf32, #tpu.memory_space<vmem>>, vector<1024x256xf32>,
    return
  }
  func.func @transform_0(%arg0: i32) -> (i32, i32) {
    %c0_i32 = arith.constant 0 : i32
    %c0_i32_0 = arith.constant 0 : i32
    return %c0_i32, %arg0 : i32, i32
  }
  func.func @transform_1(%arg0: i32) -> (i32, i32) {
    %c0_i32 = arith.constant 0 : i32
    %c0_i32_0 = arith.constant 0 : i32
    return %arg0, %c0_i32 : i32, i32
  }
  func.func @transform_2(%arg0: i32) -> (i32, i32) {
    %c0_i32 = arith.constant 0 : i32
    %c0_i32_0 = arith.constant 0 : i32
    return %arg0, %c0_i32 : i32, i32
  }
  func.func @transform_3(%arg0: i32) -> (i32, i32) {
    %c0_i32 = arith.constant 0 : i32
    %c0_i32_0 = arith.constant 0 : i32
    return %c0_i32, %arg0 : i32, i32
  }
  func.func @transform_4(%arg0: i32) -> (i32, i32) {
    %c0_i32 = arith.constant 0 : i32
    %c0_i32_0 = arith.constant 0 : i32
    return %c0_i32, %arg0 : i32, i32
  }
  func.func @transform_5(%arg0: i32) -> (i32, i32) {
    %c0_i32 = arith.constant 0 : i32
    %c0_i32_0 = arith.constant 0 : i32
    %c0_i32_1 = arith.constant 0 : i32
    return %c0_i32, %c0_i32_0 : i32, i32
  }
  func.func @transform_6(%arg0: i32) -> (i32, i32) {
    %c0_i32 = arith.constant 0 : i32
    %c0_i32_0 = arith.constant 0 : i32
    %c0_i32_1 = arith.constant 0 : i32
    return %c0_i32, %c0_i32_0 : i32, i32
  }
  func.func @transform_7(%arg0: i32) -> (i32, i32) {
    %c0_i32 = arith.constant 0 : i32
    %c0_i32_0 = arith.constant 0 : i32
    return %arg0, %c0_i32 : i32, i32
  }
}

</mosaic_0001>

<sc_bundles>
// kernel: kernel.11.cloned.1.call-start
scs
__scs_entry_jumppad:
0x0: {  	(pc) =	sbr.rel $0x88, $3  }
0x1: {  	(tag) =	ssettag $0x0;
	lr =	simm.s32 $0x1  }
0x2: {  	[smem:$0x3F99] =	sst lr;
	_ =	strace $0xD0000000  }
0x3: {  	_ = 	snop  }
0x4: {  	_ = 	snop  }
0x5: {  	_ = 	snop  }
0x6: {  	_ = 	snop  }
0x7: {  	_ = 	snop  }
__scs_overlays_trampoline_lowered:
0x8: {  	[smem:$0x3FA8] =	sst s0  }
0x9: {  	[smem:$0x3FA9] =	sst s1  }
0xa: {  	[smem:$0x3FAA] =	sst s2  }
0xb: {  	[smem:$0x3FAB] =	sst s3  }
0xc: {  	[smem:$0x3FAC] =	sst s4  }
0xd: {  	[smem:$0x3FAD] =	sst s5  }
0xe: {  	[smem:$0x3FAE] =	sst s6  }
0xf: {  	[smem:$0x3FAF] =	sst s7  }
0x10: {  	[smem:$0x3FB0] =	sst s8  }
0x11: {  	[smem:$0x3FB1] =	sst s9;
	s0 =	simm.s32 @!p0 $0x0  }
0x12: {  	s1 =	sld [smem:$0x3F97];
	s0 =	simm.s32 @p0 $0x1  }
0x13: {  	[smem:$0x3FB2] =	sst s0;
	s0 =	simm.s32 @!p1 $0x0  }
0x14: {  	s2 =	sld [smem:$0x3F96];
	s0 =	simm.s32 @p1 $0x1  }
0x15: {  	[smem:$0x3FB3] =	sst s0;
	s0 =	simm.s32 @!p2 $0x0  }
0x16: {  	s3 =	sld [smem:$0x3FDB];
	s0 =	simm.s32 @p2 $0x1  }
0x17: {  	s4 =	simm.s32 $0x1BF5;
	[smem:$0x3FB5] =	sst s0  }
0x18: {  	s0 =	sld [smem:$0x3F98];
	_ =	swait.ge [sflag:s4], $0x0  }
0x19: {  	s7 =	sld [smem:$0x3F99]  }
0x1a: {  	s8 =	sadd.s32 $0xFFFFE003, lr  }
0x1b: {  	s9 =	sadd.s32 $0xFFFFFEF7, lr;
	s5 =	simm.s32 $0xFFFFFFFF;
	p2 =	slt.u32 s8, $0xFFFFF086  }
0x1c: {  	p1 =	slt.u32 s9, $0xF7A;
	s5 =	simm.s32 @!p2 $0x0  }
0x1d: {  	s5 =	simm.s32 @p1 $0x1;
	p0 =	seq.s32 s7, s2  }
0x1e: {  	s7 =	smul.u32 @!p0 $0xF7A, s2;
	p2 =	seq.s32 @!p0 s5, $0x0  }
0x1f: {  	s9 =	smul.u32 $0xF7A, s1;
	s8 =	simm.s32 @!p0 $0x1BF5;
	p2 =	por !p2, p0  }
0x20: {  	[sflag:s8] =	ssyncset.s32 @!p0 $0xFFFFF086;
	s6 =	sadd.s32 @!p0 s3, s7;
	s7 =	simm.s32 @!p0 $0x108  }
0x21: {  	s3 =	sadd.s32 s3, s9;
	s6 =	sadd.s32 @!p0 $0x88, s6;
	s7 =	simm.s32 @p2 $0x1082  }
0x22: {  	[simem:s7], [sflag:s8] =	dma.local @!p0 [hbm:s6], $0xF7A  }
0x23: {  	s9 =	sor.u32 $0xD0000000, s2;
	s6 =	simm.s32 $0x108;
	_ =	swait.ge @!p0 [sflag:s8], $0x0  }
0x24: {  	s3 =	sadd.s32 $0x88, s3;
	s6 =	simm.s32 @!p1 $0x1082;
	[sflag:s4] =	ssyncset.s32 $0xFFFFF086  }
0x25: {  	[simem:s6], [sflag:s4] =	dma.local [hbm:s3], $0xF7A  }
0x26: {  	[smem:$0x3F99] =	sst s1;
	(tag) =	ssettag s2;
	_ =	strace s9  }
0x27: {  	s1 =	sld [smem:$0x3FA9]  }
0x28: {  	s2 =	sld [smem:$0x3FAA]  }
0x29: {  	s4 =	sld [smem:$0x3FAC]  }
0x2a: {  	p0 =	seq.s32 s5, $0x0;
	s5 =	sld [smem:$0x3FAD]  }
0x2b: {  	s6 =	sld [smem:$0x3FAE]  }
0x2c: {  	s7 =	sld [smem:$0x3FAF]  }
0x2d: {  	s3 =	simm.s32 $0x108;
	s8 =	sld [smem:$0x3FB0]  }
0x2e: {  	s3 =	simm.s32 @!p0 $0x1082;
	s9 =	sld [smem:$0x3FB1]  }
0x2f: {  	lr =	sadd.s32 s0, s3;
	s0 =	sld [smem:$0x3FA8]  }
0x30: {  	s3 =	sld [smem:$0x3FAB]  }
0x31: {  	[smem:$0x3FB4] =	sst s10  }
0x32: {  	s10 =	sld [smem:$0x3FB2];
	_ =	sdelay $0x3  }
0x33: {  	p0 =	seq.s32 s10, $0x1;
	s10 =	sld [smem:$0x3FB4];
	_ =	sdelay $0x3  }
0x34: {  	[smem:$0x3FB4] =	sst s10  }
0x35: {  	s10 =	sld [smem:$0x3FB3];
	_ =	sdelay $0x3  }
0x36: {  	p1 =	seq.s32 s10, $0x1;
	s10 =	sld [smem:$0x3FB4];
	_ =	sdelay $0x3  }
0x37: {  	[smem:$0x3FB4] =	sst s10  }
0x38: {  	s10 =	sld [smem:$0x3FB5]  }
0x39: {  	_ = 	snop;
	(pc) =	sbr.ind lr, $3  }
0x3a: {  	_ = 	snop  }
0x3b: {  	_ = 	snop  }
0x3c: {  	p2 =	seq.s32 s10, $0x1;
	s10 =	sld [smem:$0x3FB4]  }
0x3d: {  	_ =	shalt  }
0x3e: {  	_ =	shalt  }
0x3f: {  	_ =	shalt  }
0x40: {  	_ =	shalt  }
0x41: {  	_ =	shalt  }
0x42: {  	_ =	shalt  }
0x43: {  	_ =	shalt  }
0x44: {  	_ =	shalt  }
0x45: {  	_ =	shalt  }
0x46: {  	_ =	shalt  }
0x47: {  	_ =	shalt  }
0x48: {  	_ =	shalt  }
0x49: {  	_ =	shalt  }
0x4a: {  	_ =	shalt  }
0x4b: {  	_ =	shalt  }
0x4c: {  	_ =	shalt  }
0x4d: {  	_ =	shalt  }
0x4e: {  	_ =	shalt  }
0x4f: {  	_ =	shalt  }
0x50: {  	_ =	shalt  }
0x51: {  	_ =	shalt  }
0x52: {  	_ =	shalt  }
0x53: {  	_ =	shalt  }
0x54: {  	_ =	shalt  }
0x55: {  	_ =	shalt  }
0x56: {  	_ =	shalt  }
0x57: {  	_ =	shalt  }
0x58: {  	_ =	shalt  }
0x59: {  	_ =	shalt  }
0x5a: {  	_ =	shalt  }
0x5b: {  	_ =	shalt  }
0x5c: {  	_ =	shalt  }
0x5d: {  	_ =	shalt  }
0x5e: {  	_ =	shalt  }
0x5f: {  	_ =	shalt  }
0x60: {  	_ =	shalt  }
0x61: {  	_ =	shalt  }
0x62: {  	_ =	shalt  }
0x63: {  	_ =	shalt  }
0x64: {  	_ =	shalt  }
0x65: {  	_ =	shalt  }
0x66: {  	_ =	shalt  }
0x67: {  	_ =	shalt  }
0x68: {  	_ =	shalt  }
0x69: {  	_ =	shalt  }
0x6a: {  	_ =	shalt  }
0x6b: {  	_ =	shalt  }
0x6c: {  	_ =	shalt  }
0x6d: {  	_ =	shalt  }
0x6e: {  	_ =	shalt  }
0x6f: {  	_ =	shalt  }
0x70: {  	_ =	shalt  }
0x71: {  	_ =	shalt  }
0x72: {  	_ =	shalt  }
0x73: {  	_ =	shalt  }
0x74: {  	_ =	shalt  }
0x75: {  	_ =	shalt  }
0x76: {  	_ =	shalt  }
0x77: {  	_ =	shalt  }
0x78: {  	_ =	shalt  }
0x79: {  	_ =	shalt  }
0x7a: {  	_ =	shalt  }
0x7b: {  	_ =	shalt  }
0x7c: {  	_ =	shalt  }
0x7d: {  	_ =	shalt  }
0x7e: {  	_ =	shalt  }
0x7f: {  	_ =	shalt  }
0x80: {  	_ =	shalt  }
0x81: {  	_ =	shalt  }
0x82: {  	_ =	shalt  }
0x83: {  	_ =	shalt  }
0x84: {  	_ =	shalt  }
0x85: {  	_ =	shalt  }
0x86: {  	_ =	shalt  }
0x87: {  	_ =	shalt  }
.Lfunc_end0:
.L_simem_size_0:
called_computation.1_lowered:
.L_overlay_start_0:
0x88: {  	s2 =	sld [smem:$0x3FD9]  }
0x89: {  	s3 =	sld [smem:$0x3FFE];
	_ =	sdelay $0x1  }
0x8a: {  	s1 =	srdreg.scid  }
0x8b: {  	s0 =	sand.u32 $0x1, s1  }
0x8c: {  	s16 =	sshll.u32 s0, $0xA;
	s2 =	sadd.s32 s3, s2  }
0x8d: {  	s2 =	sadd.s32 s2, s16  }
0x8e: {  	[smem:$0x3FC0] =	sst s2  }
0x8f: {  	_ = 	snop  }
0x90: {  	(tm) =	ssettm $0x1  }
0x91: {  	s17 =	sld [smem:$0x3FFB];
	_ =	sdelay $0x3  }
0x92: {  	_ =	strace s17  }
0x93: {  	s2 =	sld [smem:$0x3FFC];
	_ =	sdelay $0x3  }
0x94: {  	_ =	strace s2  }
0x95: {  	s2 =	sld [smem:$0x3FFD];
	_ =	sdelay $0x3  }
0x96: {  	_ =	strace s2  }
0x97: {  	_ =	strace $0x8FFFFFFF  }
0x98: {  	s18 =	sld [smem:$0x3FDB];
	_ =	sdelay $0x1  }
0x99: {  	s19 =	simm.s32 $_scs_section_size  }
0x9a: {  	s4 =	simm.s32 $_size__tile_overlayer_lowered;
	s5 =	simm.s32 $_tile_overlayer_lowered  }
0x9b: {  	s22 =	simm.s32 $0x1BFF;
	s21 =	sshll.u32 s5, $0x1;
	s2 =	sadd.s32 s19, s18  }
0x9c: {  	s6 =	simm.s32 $0x0;
	s20 =	sshll.u32 s4, $0x1;
	s4 =	sadd.s32 s21, s2  }
0x9d: {  	[timem:s6], [sflag:s22] =	dma.local [hbm:s4], s20  }
0x9e: {  	_ =	swait.ge [sflag:s22], s20  }
0x9f: {  	s3 =	ssub.s32 $0x0, s20;
	[sflag:s22] =	ssyncset.done $0x0  }
0xa0: {  	[sflag:s22] =	ssyncadd.s32 s3;
	_ =	sdelay $0x1  }
0xa1: {  	s23 =	simm.s32 $0x1B8B  }
0xa2: {  	_ =	swait.ge [sflag:s23], $0x1  }
0xa3: {  	[sflag:s23] =	ssyncset.done $0x0  }
0xa4: {  	s25 =	simm.s32 $0x1B8E;
	s24 =	sld [smem:$0x3FFE];
	[sflag:s23] =	ssyncadd.s32 $0xFFFFFFFF  }
0xa5: {  	s26 =	simm.s32 $execute0_lowered;
	[smem:$0x3FD2] =	sst s25  }
0xa6: {  	s4 =	sshll.u32 s26, $0x1;
	_ =	strace $0x80000046;
	[dreg:$0x1] =	wrdreg $0xFFFFFFFF  }
0xa7: {  	s28 =	simm.s32 $_size_execute0_lowered;
	s2 =	sadd.s32 s2, s4;
	[dreg:$0x0] =	wrdreg $0x0  }
0xa8: {  	s4 =	sshll.u32 s28, $0x1;
	[dreg:$0x2] =	wrdreg s2  }
0xa9: {  	[dreg:$0x3] =	wrdreg s4  }
0xaa: {  	[dreg:$0x4] =	wrdreg $0xC0  }
0xab: {  	_ =	task [dreg:s6], $0x5FFFF  }
0xac: {  	[dreg:$0x1] =	wrdreg $0xFFFFFFFF  }
0xad: {  	[dreg:$0x0] =	wrdreg $0x60  }
0xae: {  	[dreg:$0x2] =	wrdreg s24  }
0xaf: {  	[dreg:$0x3] =	wrdreg $0xA  }
0xb0: {  	_ =	task.clear_ibuf [dreg:s6], $0x4FFFF;
	_ =	strace $0x90000046  }
0xb1: {  	s29 =	simm.s32 $0xA;
	_ =	strace $0x80000048  }
0xb2: {  	_ =	swait.ge [sflag:s29], $0x1  }
0xb3: {  	[sflag:s29] =	ssyncadd.s32 $0xFFFFFFFF  }
0xb4: {  	_ =	strace $0x90000048  }
0xb5: {  	_ =	sfence  }
0xb6: {  	s30 =	sld [smem:$0x0];
	_ =	sdelay $0x2  }
0xb7: {  	s31 =	sshll.u32 s1, $0xD;
	s1 =	sshrl.u32 s1, $0x2  }
0xb8: {  	s3 =	sand.u32 $0x4000, s31;
	s1 =	sadd.s32 s1, s30  }
0xb9: {  	s0 =	sor.u32 s3, s0;
	s1 =	sshll.u32 s1, $0x11  }
0xba: {  	s0 =	sor.u32 s1, s0  }
0xbb: {  	s0 =	sadd.s32 $0x8F2B, s0  }
0xbc: {  	[sflag:s0] =	ssyncadd.remote.s32 $0x1  }
0xbd: {  	_ =	sfence.sel $0xFFFF  }
0xbe: {  	[dreg:$0x0] =	wrdreg $0xFFFFFFFF;
	(pc) =	sbr.abs _section_cstart, $3  }
0xbf: {  	[dreg:$0x1] =	wrdreg $0xFFFFFFFF  }
0xc0: {  	_ =	task.clear_ibuf [dreg:s6], $0x2FFFF;
	_ =	strace $0x9FFFFFFF  }
0xc1: {  	(tm) =	ssettm $0x7FFFFFFF  }
tec
execute0_lowered:
.L_overlay_start_1:
0x0: {  	(tag) =	ssettag $0x1  }
0x1: {  	s3 =	rddreg [dreg:$0x0]  }
0x2: {  	s0 =	rddreg [dreg:$0x1]  }
0x3: {  	s2 =	simm.s32 $0x0;
	s4 =	srdreg.scid;
	s1 =	stileid.u32  }
0x4: {  	s16 =	simm.s32 $0x80;
	s17 =	simm.s32 $0x400;
	s18 =	simm.s32 $0x1  }
0x5: {  	s19 =	simm.s32 $0x5000;
	s20 =	simm.s32 $0x0;
	s4 =	sand.u32 $0x1, s4  }
0x6: {  	s5 =	sshll.u32 s1, $0x1;
	s6 =	smul.u32 $0x14000, s1;
	[smem:$0x7FF] =	sst s2  }
0x7: {  	s5 =	sor.u32 s4, s5;
	s7 =	sshll.u32 s4, $0x9;
	s4 =	ssub.s32 $0x2, s4  }
0x8: {  	s5 =	smul.u32 $0x2800, s5;
	s6 =	sor.u32 s7, s6;
	s31 =	sshrl.u32 s4, $0x1  }
0x9: {  	_ =	strace $0x80000047;
	s6 =	sshrl.u32 s6, $0x3;
	s15 =	ssub.s32 s4, s31  }
0xa: {  	s13 =	sadd.s32 s5, s3;
	s14 =	sadd.s32 s6, s3;
	s15 =	smax.u32 s15, $0x1  }
0xb: {  	s3 =	sadd.s32 $0x2200, s13;
	s4 =	sadd.s32 $0x2210, s13;
	s5 =	sadd.s32 $0xA0400, s14  }
0xc: {  	s6 =	sadd.s32 $0x2220, s13;
	s7 =	sadd.s32 $0x2230, s13;
	s8 =	sadd.s32 $0xA0410, s14  }
0xd: {  	s9 =	sadd.s32 $0x2240, s13;
	s10 =	sadd.s32 $0x2250, s13;
	s11 =	sadd.s32 $0xA0420, s14  }
0xe: {  	s12 =	sadd.s32 $0x2260, s13;
	s13 =	sadd.s32 $0x2270, s13;
	s14 =	sadd.s32 $0xA0430, s14  }
.LBB2_1:
0xf: {  	[tilespmem:s2], [sflag:$0x1] =	stream.strided.gather [hbm4b:s3+s16], $0x2800, s17, s16, $0x38;
	[tilespmem:$0x7800] =	vst v63  }
0x10: {  	_ =	swait.ge [sflag:s18], $0x2800  }
0x11: {  	[sflag:s18] =	ssyncset.done $0x0  }
0x12: {  	s21 =	simm.s32 $0x2800;
	[sflag:s18] =	ssyncadd.s32 $0xFFFFD800  }
0x13: {  	[tilespmem:s21], [sflag:$0x1] =	stream.strided.gather [hbm4b:s4+s16], $0x2800, s17, s16, $0x38;
	[tilespmem:$0x7800] =	vst v63  }
0x14: {  	_ =	swait.ge [sflag:s18], $0x2800  }
0x15: {  	[sflag:s18] =	ssyncset.done $0x0  }
0x16: {  	[sflag:s18] =	ssyncadd.s32 $0xFFFFD800  }
0x17: {  	v1 =	vld [tilespmem:s2+$0x0]  }
0x18: {  	v2 =	vld [tilespmem:s21+$0x0]  }
0x19: {  	s21 =	simm.s32 $0x10  }
0x1a: {  	v0 =	vld [tilespmem:s21+$0x0];
	_ =	sdelay $0x2  }
0x1b: {  	s22 =	simm.s32 $0x10;
	s24 =	simm.s32 $0x2810;
	s23 =	simm.s32 $0x5000;
	v1 =	vpack.i.f32.bf16 v2, v1  }
.LBB2_2:
0x1c: {  	s22 =	sadd.s32 $0x10, s22  }
0x1d: {  	v2 =	vld [tilespmem:s24+$0x0];
	s21 =	sadd.s32 $0x10, s21;
	[tilespmem:s23+$0x0] =	vst v1;
	s23 =	sadd.s32 $0x10, s23;
	v1 =	vmov v0;
	p0 =	slt.u32 s22, $0x27F0  }
.Ltmp0:
0x1e: {  	v0 =	vld [tilespmem:s21+$0x0];
	(pc) =	sbr.rel @p0 .LBB2_2-.Ltmp0, $2  }
0x1f: {  	_ =	sdelay $0x2  }
0x20: {  	s24 =	sadd.s32 $0x10, s24;
	v1 =	vpack.i.f32.bf16 v2, v1  }
0x21: {  	v2 =	vld [tilespmem:s24+$0x0];
	_ =	sdelay $0x4  }
0x22: {  	[tilespmem:s23+$0x0] =	vst v1;
	s21 =	sadd.s32 $0x10, s23;
	v0 =	vpack.i.f32.bf16 v2, v0  }
0x23: {  	[tilespmem:s21+$0x0] =	vst v0;
	s21 =	simm.s32 $0x5000  }
0x24: {  	[hbm4b:s5+s16] =	stream.strided.scatter [tilespmem:s21], [sflag:$0x1], $0x2800, s17, s16, $0x38;
	[tilespmem:$0x7800] =	vst v63  }
0x25: {  	_ =	swait.ge [sflag:s18], $0x2800  }
0x26: {  	[sflag:s18] =	ssyncset.done $0x0  }
0x27: {  	s22 =	simm.s32 $0x0;
	[sflag:s18] =	ssyncadd.s32 $0xFFFFD800  }
0x28: {  	[tilespmem:s22], [sflag:$0x1] =	stream.strided.gather [hbm4b:s6+s16], $0x2800, s17, s16, $0x38;
	[tilespmem:$0x7800] =	vst v63  }
0x29: {  	_ =	swait.ge [sflag:s18], $0x2800  }
0x2a: {  	[sflag:s18] =	ssyncset.done $0x0  }
0x2b: {  	s31 =	simm.s32 $0x2800;
	[sflag:s18] =	ssyncadd.s32 $0xFFFFD800  }
0x2c: {  	[tilespmem:s31], [sflag:$0x1] =	stream.strided.gather [hbm4b:s7+s16], $0x2800, s17, s16, $0x38;
	[tilespmem:$0x7800] =	vst v63  }
0x2d: {  	_ =	swait.ge [sflag:s18], $0x2800  }
0x2e: {  	[sflag:s18] =	ssyncset.done $0x0  }
0x2f: {  	[sflag:s18] =	ssyncadd.s32 $0xFFFFD800  }
0x30: {  	v1 =	vld [tilespmem:s22+$0x0]  }
0x31: {  	v2 =	vld [tilespmem:s31+$0x0]  }
0x32: {  	s22 =	simm.s32 $0x10  }
0x33: {  	v0 =	vld [tilespmem:s22+$0x0];
	_ =	sdelay $0x2  }
0x34: {  	s23 =	simm.s32 $0x10;
	s24 =	simm.s32 $0x2810;
	v1 =	vpack.i.f32.bf16 v2, v1  }
.LBB2_4:
0x35: {  	s23 =	sadd.s32 $0x10, s23  }
0x36: {  	v2 =	vld [tilespmem:s24+$0x0];
	s22 =	sadd.s32 $0x10, s22;
	[tilespmem:s21+$0x0] =	vst v1;
	s21 =	sadd.s32 $0x10, s21;
	v1 =	vmov v0;
	p0 =	slt.u32 s23, $0x27F0  }
.Ltmp1:
0x37: {  	v0 =	vld [tilespmem:s22+$0x0];
	(pc) =	sbr.rel @p0 .LBB2_4-.Ltmp1, $2  }
0x38: {  	_ =	sdelay $0x2  }
0x39: {  	s24 =	sadd.s32 $0x10, s24;
	v1 =	vpack.i.f32.bf16 v2, v1  }
0x3a: {  	v2 =	vld [tilespmem:s24+$0x0];
	_ =	sdelay $0x4  }
0x3b: {  	[tilespmem:s21+$0x0] =	vst v1;
	s31 =	sadd.s32 $0x10, s21;
	v0 =	vpack.i.f32.bf16 v2, v0  }
0x3c: {  	s21 =	simm.s32 $0x5000;
	[tilespmem:s31+$0x0] =	vst v0  }
0x3d: {  	[hbm4b:s8+s16] =	stream.strided.scatter [tilespmem:s21], [sflag:$0x1], $0x2800, s17, s16, $0x38;
	[tilespmem:$0x7800] =	vst v63  }
0x3e: {  	_ =	swait.ge [sflag:s18], $0x2800  }
0x3f: {  	[sflag:s18] =	ssyncset.done $0x0  }
0x40: {  	s22 =	simm.s32 $0x0;
	[sflag:s18] =	ssyncadd.s32 $0xFFFFD800  }
0x41: {  	[tilespmem:s22], [sflag:$0x1] =	stream.strided.gather [hbm4b:s9+s16], $0x2800, s17, s16, $0x38;
	[tilespmem:$0x7800] =	vst v63  }
0x42: {  	_ =	swait.ge [sflag:s18], $0x2800  }
0x43: {  	[sflag:s18] =	ssyncset.done $0x0  }
0x44: {  	s23 =	simm.s32 $0x2800;
	[sflag:s18] =	ssyncadd.s32 $0xFFFFD800  }
0x45: {  	[tilespmem:s23], [sflag:$0x1] =	stream.strided.gather [hbm4b:s10+s16], $0x2800, s17, s16, $0x38;
	[tilespmem:$0x7800] =	vst v63  }
0x46: {  	_ =	swait.ge [sflag:s18], $0x2800  }
0x47: {  	[sflag:s18] =	ssyncset.done $0x0  }
0x48: {  	[sflag:s18] =	ssyncadd.s32 $0xFFFFD800  }
0x49: {  	v1 =	vld [tilespmem:s22+$0x0]  }
0x4a: {  	v2 =	vld [tilespmem:s23+$0x0]  }
0x4b: {  	s22 =	simm.s32 $0x10  }
0x4c: {  	v0 =	vld [tilespmem:s22+$0x0];
	_ =	sdelay $0x2  }
0x4d: {  	s24 =	simm.s32 $0x2810;
	s23 =	simm.s32 $0x10;
	v1 =	vpack.i.f32.bf16 v2, v1  }
.LBB2_6:
0x4e: {  	s23 =	sadd.s32 $0x10, s23  }
0x4f: {  	v2 =	vld [tilespmem:s24+$0x0];
	s22 =	sadd.s32 $0x10, s22;
	[tilespmem:s21+$0x0] =	vst v1;
	s21 =	sadd.s32 $0x10, s21;
	v1 =	vmov v0;
	p0 =	slt.u32 s23, $0x27F0  }
.Ltmp2:
0x50: {  	v0 =	vld [tilespmem:s22+$0x0];
	(pc) =	sbr.rel @p0 .LBB2_6-.Ltmp2, $2  }
0x51: {  	_ =	sdelay $0x2  }
0x52: {  	s24 =	sadd.s32 $0x10, s24;
	v1 =	vpack.i.f32.bf16 v2, v1  }
0x53: {  	v2 =	vld [tilespmem:s24+$0x0];
	_ =	sdelay $0x4  }
0x54: {  	[tilespmem:s21+$0x0] =	vst v1;
	s31 =	sadd.s32 $0x10, s21;
	v0 =	vpack.i.f32.bf16 v2, v0  }
0x55: {  	s21 =	simm.s32 $0x5000;
	[tilespmem:s31+$0x0] =	vst v0  }
0x56: {  	[hbm4b:s11+s16] =	stream.strided.scatter [tilespmem:s21], [sflag:$0x1], $0x2800, s17, s16, $0x38;
	[tilespmem:$0x7800] =	vst v63  }
0x57: {  	_ =	swait.ge [sflag:s18], $0x2800  }
0x58: {  	[sflag:s18] =	ssyncset.done $0x0  }
0x59: {  	s22 =	simm.s32 $0x0;
	[sflag:s18] =	ssyncadd.s32 $0xFFFFD800  }
0x5a: {  	[tilespmem:s22], [sflag:$0x1] =	stream.strided.gather [hbm4b:s12+s16], $0x2800, s17, s16, $0x38;
	[tilespmem:$0x7800] =	vst v63  }
0x5b: {  	_ =	swait.ge [sflag:s18], $0x2800  }
0x5c: {  	[sflag:s18] =	ssyncset.done $0x0  }
0x5d: {  	s23 =	simm.s32 $0x2800;
	[sflag:s18] =	ssyncadd.s32 $0xFFFFD800  }
0x5e: {  	[tilespmem:s23], [sflag:$0x1] =	stream.strided.gather [hbm4b:s13+s16], $0x2800, s17, s16, $0x38;
	[tilespmem:$0x7800] =	vst v63  }
0x5f: {  	_ =	swait.ge [sflag:s18], $0x2800  }
0x60: {  	[sflag:s18] =	ssyncset.done $0x0  }
0x61: {  	[sflag:s18] =	ssyncadd.s32 $0xFFFFD800  }
0x62: {  	v1 =	vld [tilespmem:s22+$0x0]  }
0x63: {  	v2 =	vld [tilespmem:s23+$0x0]  }
0x64: {  	s22 =	simm.s32 $0x10  }
0x65: {  	v0 =	vld [tilespmem:s22+$0x0];
	_ =	sdelay $0x2  }
0x66: {  	s24 =	simm.s32 $0x2810;
	s23 =	simm.s32 $0x10;
	v1 =	vpack.i.f32.bf16 v2, v1  }
.LBB2_8:
0x67: {  	s23 =	sadd.s32 $0x10, s23  }
0x68: {  	v2 =	vld [tilespmem:s24+$0x0];
	s22 =	sadd.s32 $0x10, s22;
	[tilespmem:s21+$0x0] =	vst v1;
	s21 =	sadd.s32 $0x10, s21;
	v1 =	vmov v0;
	p0 =	slt.u32 s23, $0x27F0  }
.Ltmp3:
0x69: {  	v0 =	vld [tilespmem:s22+$0x0];
	(pc) =	sbr.rel @p0 .LBB2_8-.Ltmp3, $2  }
0x6a: {  	_ =	sdelay $0x2  }
0x6b: {  	s24 =	sadd.s32 $0x10, s24;
	v1 =	vpack.i.f32.bf16 v2, v1  }
0x6c: {  	v2 =	vld [tilespmem:s24+$0x0];
	_ =	sdelay $0x3  }
0x6d: {  	s20 =	sadd.s32 $0x1, s20  }
0x6e: {  	[tilespmem:s21+$0x0] =	vst v1;
	s31 =	sadd.s32 $0x10, s21;
	p0 =	sne.s32 s20, s15;
	v0 =	vpack.i.f32.bf16 v2, v0  }
.Ltmp4:
0x6f: {  	[tilespmem:s31+$0x0] =	vst v0;
	(pc) =	sbr.rel @p0 .LBB2_1-.Ltmp4, $4  }
0x70: {  	[hbm4b:s14+s16] =	stream.strided.scatter [tilespmem:s19], [sflag:$0x1], $0x2800, s17, s16, $0x38;
	[tilespmem:$0x7800] =	vst v63  }
0x71: {  	_ =	swait.ge [sflag:s18], $0x2800  }
0x72: {  	[sflag:s18] =	ssyncset.done $0x0  }
0x73: {  	[sflag:s18] =	ssyncadd.s32 $0xFFFFD800  }
0x74: {  	_ =	sfence.sel $0x180000  }
0x75: {  	[bflag:$0x0] =	sbarrier.arrive $0xFFFF  }
0x76: {  	p0 =	sne.s32 s1, $0x0;
	_ =	strace $0x90000047  }
0x77: {  	s0 =	sadd.s32 @!p0 $0x100000, s0;
	[bflag:$0x2] =	sbarrier.arrive $0xFFFF  }
0x78: {  	[sflag:s0] =	ssyncadd.tile.s32 @!p0 $0x1;
	_ =	shalt  }
.Lfunc_end2:
_tile_overlayer_lowered:
.L_overlay_start_2:
0x79: {  	(tag) =	ssettag $0x2  }
0x7a: {  	s0 =	rddreg [dreg:$0x0];
	s2 =	stileid.u32  }
0x7b: {  	s1 =	rddreg [dreg:$0x1];
	p0 =	sne.s32 s2, $0x0  }
0x7c: {  	s3 =	rddreg [dreg:$0x2];
	[bflag:$0x3] =	sbarrier.arrive $0xFFFF;
	s2 =	simm.s32 @!p0 $0x1C01  }
0x7d: {  	[timem:s3], [sflag:s2] =	dma.local @!p0 [hbm:s0], s1  }
0x7e: {  	s0 =	simm.s32 @!p0 $0x1  }
0x7f: {  	_ =	swait.ge @!p0 [sflag:s0], s1  }
0x80: {  	s1 =	ssub.s32 @!p0 $0x0, s1;
	[sflag:s0] =	ssyncset.done @!p0 $0x0  }
0x81: {  	[sflag:s0] =	ssyncadd.s32 @!p0 s1  }
0x82: {  	[bflag:$0x3] =	sbarrier.arrive $0xFFFF  }
0x83: {  	_ =	shalt  }

// kernel: kernel.14.cloned.1.call-start
scs
__scs_entry_jumppad:
0x0: {  	(pc) =	sbr.rel $0x88, $3  }
0x1: {  	(tag) =	ssettag $0x0;
	lr =	simm.s32 $0x1  }
0x2: {  	[smem:$0x3F99] =	sst lr;
	_ =	strace $0xD0000000  }
0x3: {  	_ = 	snop  }
0x4: {  	_ = 	snop  }
0x5: {  	_ = 	snop  }
0x6: {  	_ = 	snop  }
0x7: {  	_ = 	snop  }
__scs_overlays_trampoline_lowered:
0x8: {  	[smem:$0x3FA8] =	sst s0  }
0x9: {  	[smem:$0x3FA9] =	sst s1  }
0xa: {  	[smem:$0x3FAA] =	sst s2  }
0xb: {  	[smem:$0x3FAB] =	sst s3  }
0xc: {  	[smem:$0x3FAC] =	sst s4  }
0xd: {  	[smem:$0x3FAD] =	sst s5  }
0xe: {  	[smem:$0x3FAE] =	sst s6  }
0xf: {  	[smem:$0x3FAF] =	sst s7  }
0x10: {  	[smem:$0x3FB0] =	sst s8  }
0x11: {  	[smem:$0x3FB1] =	sst s9;
	s0 =	simm.s32 @!p0 $0x0  }
0x12: {  	s1 =	sld [smem:$0x3F97];
	s0 =	simm.s32 @p0 $0x1  }
0x13: {  	[smem:$0x3FB2] =	sst s0;
	s0 =	simm.s32 @!p1 $0x0  }
0x14: {  	s2 =	sld [smem:$0x3F96];
	s0 =	simm.s32 @p1 $0x1  }
0x15: {  	[smem:$0x3FB3] =	sst s0;
	s0 =	simm.s32 @!p2 $0x0  }
0x16: {  	s3 =	sld [smem:$0x3FDB];
	s0 =	simm.s32 @p2 $0x1  }
0x17: {  	s4 =	simm.s32 $0x1BF5;
	[smem:$0x3FB5] =	sst s0  }
0x18: {  	s0 =	sld [smem:$0x3F98];
	_ =	swait.ge [sflag:s4], $0x0  }
0x19: {  	s7 =	sld [smem:$0x3F99]  }
0x1a: {  	s8 =	sadd.s32 $0xFFFFE003, lr  }
0x1b: {  	s9 =	sadd.s32 $0xFFFFFEF7, lr;
	s5 =	simm.s32 $0xFFFFFFFF;
	p2 =	slt.u32 s8, $0xFFFFF086  }
0x1c: {  	p1 =	slt.u32 s9, $0xF7A;
	s5 =	simm.s32 @!p2 $0x0  }
0x1d: {  	s5 =	simm.s32 @p1 $0x1;
	p0 =	seq.s32 s7, s2  }
0x1e: {  	s7 =	smul.u32 @!p0 $0xF7A, s2;
	p2 =	seq.s32 @!p0 s5, $0x0  }
0x1f: {  	s9 =	smul.u32 $0xF7A, s1;
	s8 =	simm.s32 @!p0 $0x1BF5;
	p2 =	por !p2, p0  }
0x20: {  	[sflag:s8] =	ssyncset.s32 @!p0 $0xFFFFF086;
	s6 =	sadd.s32 @!p0 s3, s7;
	s7 =	simm.s32 @!p0 $0x108  }
0x21: {  	s3 =	sadd.s32 s3, s9;
	s6 =	sadd.s32 @!p0 $0x88, s6;
	s7 =	simm.s32 @p2 $0x1082  }
0x22: {  	[simem:s7], [sflag:s8] =	dma.local @!p0 [hbm:s6], $0xF7A  }
0x23: {  	s9 =	sor.u32 $0xD0000000, s2;
	s6 =	simm.s32 $0x108;
	_ =	swait.ge @!p0 [sflag:s8], $0x0  }
0x24: {  	s3 =	sadd.s32 $0x88, s3;
	s6 =	simm.s32 @!p1 $0x1082;
	[sflag:s4] =	ssyncset.s32 $0xFFFFF086  }
0x25: {  	[simem:s6], [sflag:s4] =	dma.local [hbm:s3], $0xF7A  }
0x26: {  	[smem:$0x3F99] =	sst s1;
	(tag) =	ssettag s2;
	_ =	strace s9  }
0x27: {  	s1 =	sld [smem:$0x3FA9]  }
0x28: {  	s2 =	sld [smem:$0x3FAA]  }
0x29: {  	s4 =	sld [smem:$0x3FAC]  }
0x2a: {  	p0 =	seq.s32 s5, $0x0;
	s5 =	sld [smem:$0x3FAD]  }
0x2b: {  	s6 =	sld [smem:$0x3FAE]  }
0x2c: {  	s7 =	sld [smem:$0x3FAF]  }
0x2d: {  	s3 =	simm.s32 $0x108;
	s8 =	sld [smem:$0x3FB0]  }
0x2e: {  	s3 =	simm.s32 @!p0 $0x1082;
	s9 =	sld [smem:$0x3FB1]  }
0x2f: {  	lr =	sadd.s32 s0, s3;
	s0 =	sld [smem:$0x3FA8]  }
0x30: {  	s3 =	sld [smem:$0x3FAB]  }
0x31: {  	[smem:$0x3FB4] =	sst s10  }
0x32: {  	s10 =	sld [smem:$0x3FB2];
	_ =	sdelay $0x3  }
0x33: {  	p0 =	seq.s32 s10, $0x1;
	s10 =	sld [smem:$0x3FB4];
	_ =	sdelay $0x3  }
0x34: {  	[smem:$0x3FB4] =	sst s10  }
0x35: {  	s10 =	sld [smem:$0x3FB3];
	_ =	sdelay $0x3  }
0x36: {  	p1 =	seq.s32 s10, $0x1;
	s10 =	sld [smem:$0x3FB4];
	_ =	sdelay $0x3  }
0x37: {  	[smem:$0x3FB4] =	sst s10  }
0x38: {  	s10 =	sld [smem:$0x3FB5]  }
0x39: {  	_ = 	snop;
	(pc) =	sbr.ind lr, $3  }
0x3a: {  	_ = 	snop  }
0x3b: {  	_ = 	snop  }
0x3c: {  	p2 =	seq.s32 s10, $0x1;
	s10 =	sld [smem:$0x3FB4]  }
0x3d: {  	_ =	shalt  }
0x3e: {  	_ =	shalt  }
0x3f: {  	_ =	shalt  }
0x40: {  	_ =	shalt  }
0x41: {  	_ =	shalt  }
0x42: {  	_ =	shalt  }
0x43: {  	_ =	shalt  }
0x44: {  	_ =	shalt  }
0x45: {  	_ =	shalt  }
0x46: {  	_ =	shalt  }
0x47: {  	_ =	shalt  }
0x48: {  	_ =	shalt  }
0x49: {  	_ =	shalt  }
0x4a: {  	_ =	shalt  }
0x4b: {  	_ =	shalt  }
0x4c: {  	_ =	shalt  }
0x4d: {  	_ =	shalt  }
0x4e: {  	_ =	shalt  }
0x4f: {  	_ =	shalt  }
0x50: {  	_ =	shalt  }
0x51: {  	_ =	shalt  }
0x52: {  	_ =	shalt  }
0x53: {  	_ =	shalt  }
0x54: {  	_ =	shalt  }
0x55: {  	_ =	shalt  }
0x56: {  	_ =	shalt  }
0x57: {  	_ =	shalt  }
0x58: {  	_ =	shalt  }
0x59: {  	_ =	shalt  }
0x5a: {  	_ =	shalt  }
0x5b: {  	_ =	shalt  }
0x5c: {  	_ =	shalt  }
0x5d: {  	_ =	shalt  }
0x5e: {  	_ =	shalt  }
0x5f: {  	_ =	shalt  }
0x60: {  	_ =	shalt  }
0x61: {  	_ =	shalt  }
0x62: {  	_ =	shalt  }
0x63: {  	_ =	shalt  }
0x64: {  	_ =	shalt  }
0x65: {  	_ =	shalt  }
0x66: {  	_ =	shalt  }
0x67: {  	_ =	shalt  }
0x68: {  	_ =	shalt  }
0x69: {  	_ =	shalt  }
0x6a: {  	_ =	shalt  }
0x6b: {  	_ =	shalt  }
0x6c: {  	_ =	shalt  }
0x6d: {  	_ =	shalt  }
0x6e: {  	_ =	shalt  }
0x6f: {  	_ =	shalt  }
0x70: {  	_ =	shalt  }
0x71: {  	_ =	shalt  }
0x72: {  	_ =	shalt  }
0x73: {  	_ =	shalt  }
0x74: {  	_ =	shalt  }
0x75: {  	_ =	shalt  }
0x76: {  	_ =	shalt  }
0x77: {  	_ =	shalt  }
0x78: {  	_ =	shalt  }
0x79: {  	_ =	shalt  }
0x7a: {  	_ =	shalt  }
0x7b: {  	_ =	shalt  }
0x7c: {  	_ =	shalt  }
0x7d: {  	_ =	shalt  }
0x7e: {  	_ =	shalt  }
0x7f: {  	_ =	shalt  }
0x80: {  	_ =	shalt  }
0x81: {  	_ =	shalt  }
0x82: {  	_ =	shalt  }
0x83: {  	_ =	shalt  }
0x84: {  	_ =	shalt  }
0x85: {  	_ =	shalt  }
0x86: {  	_ =	shalt  }
0x87: {  	_ =	shalt  }
.Lfunc_end0:
.L_simem_size_0:
called_computation.2_lowered:
.L_overlay_start_0:
0x88: {  	s2 =	sld [smem:$0x3FD9]  }
0x89: {  	s3 =	sld [smem:$0x3FFE];
	_ =	sdelay $0x1  }
0x8a: {  	s1 =	srdreg.scid  }
0x8b: {  	s0 =	sand.u32 $0x1, s1  }
0x8c: {  	s17 =	sshll.u32 s0, $0xA;
	s2 =	sadd.s32 s3, s2  }
0x8d: {  	s2 =	sadd.s32 s2, s17  }
0x8e: {  	[smem:$0x3FC0] =	sst s2  }
0x8f: {  	_ = 	snop  }
0x90: {  	s2 =	sld [smem:$0x3FD0];
	(tm) =	ssettm $0x1  }
0x91: {  	s18 =	sld [smem:$0x3FFB];
	_ =	sdelay $0x3  }
0x92: {  	_ =	strace s18  }
0x93: {  	s3 =	sld [smem:$0x3FFC];
	_ =	sdelay $0x3  }
0x94: {  	_ =	strace s3  }
0x95: {  	s3 =	sld [smem:$0x3FFD];
	_ =	sdelay $0x3  }
0x96: {  	_ =	strace s3  }
0x97: {  	_ =	strace $0x8FFFFFFF  }
0x98: {  	s19 =	sld [smem:$0x3FDB];
	_ =	sdelay $0x1  }
0x99: {  	s4 =	simm.s32 $_scs_section_size  }
0x9a: {  	s5 =	simm.s32 $_size__tile_overlayer_lowered;
	s6 =	simm.s32 $_tile_overlayer_lowered  }
0x9b: {  	s22 =	simm.s32 $0x1BFF;
	s21 =	sshll.u32 s6, $0x1;
	s3 =	sadd.s32 s4, s19  }
0x9c: {  	s7 =	simm.s32 $0x0;
	s20 =	sshll.u32 s5, $0x1;
	s5 =	sadd.s32 s21, s3  }
0x9d: {  	[timem:s7], [sflag:s22] =	dma.local [hbm:s5], s20  }
0x9e: {  	_ =	swait.ge [sflag:s22], s20  }
0x9f: {  	s4 =	ssub.s32 $0x0, s20;
	[sflag:s22] =	ssyncset.done $0x0  }
0xa0: {  	[sflag:s22] =	ssyncadd.s32 s4;
	_ =	sdelay $0x1  }
0xa1: {  	s23 =	simm.s32 $0x1B8B  }
0xa2: {  	_ =	swait.ge [sflag:s23], $0x1  }
0xa3: {  	[sflag:s23] =	ssyncset.done $0x0  }
0xa4: {  	s25 =	simm.s32 $0x1B8E;
	s24 =	sld [smem:$0x3FFE];
	[sflag:s23] =	ssyncadd.s32 $0xFFFFFFFF  }
0xa5: {  	s26 =	simm.s32 $execute0_lowered;
	[smem:$0x3FD2] =	sst s25  }
0xa6: {  	s5 =	sshll.u32 s26, $0x1;
	_ =	strace $0x8000004C;
	[dreg:$0x1] =	wrdreg $0xFFFFFFFF  }
0xa7: {  	s28 =	simm.s32 $_size_execute0_lowered;
	s3 =	sadd.s32 s3, s5;
	[dreg:$0x0] =	wrdreg $0x0  }
0xa8: {  	s5 =	sshll.u32 s28, $0x1;
	[dreg:$0x2] =	wrdreg s3  }
0xa9: {  	[dreg:$0x3] =	wrdreg s5  }
0xaa: {  	[dreg:$0x4] =	wrdreg $0xC0  }
0xab: {  	_ =	task [dreg:s7], $0x5FFFF  }
0xac: {  	[dreg:$0x1] =	wrdreg $0xFFFFFFFF  }
0xad: {  	[dreg:$0x0] =	wrdreg $0x60  }
0xae: {  	[dreg:$0x2] =	wrdreg s24  }
0xaf: {  	[dreg:$0x3] =	wrdreg s2  }
0xb0: {  	[dreg:$0x4] =	wrdreg $0x9  }
0xb1: {  	_ =	task.clear_ibuf [dreg:s7], $0x5FFFF;
	_ =	strace $0x9000004C  }
0xb2: {  	s29 =	simm.s32 $0x9;
	_ =	strace $0x8000004E  }
0xb3: {  	_ =	swait.ge [sflag:s29], $0x1  }
0xb4: {  	[sflag:s29] =	ssyncadd.s32 $0xFFFFFFFF  }
0xb5: {  	_ =	strace $0x9000004E  }
0xb6: {  	_ =	sfence  }
0xb7: {  	s30 =	sld [smem:$0x0];
	_ =	sdelay $0x2  }
0xb8: {  	s31 =	sshll.u32 s1, $0xD;
	s1 =	sshrl.u32 s1, $0x2  }
0xb9: {  	s3 =	sand.u32 $0x4000, s31;
	s1 =	sadd.s32 s1, s30  }
0xba: {  	s0 =	sor.u32 s3, s0;
	s1 =	sshll.u32 s1, $0x11  }
0xbb: {  	s0 =	sor.u32 s1, s0  }
0xbc: {  	s0 =	sadd.s32 $0x8F2B, s0  }
0xbd: {  	[sflag:s0] =	ssyncadd.remote.s32 $0x1  }
0xbe: {  	_ =	sfence.sel $0xFFFF  }
0xbf: {  	[dreg:$0x0] =	wrdreg $0xFFFFFFFF;
	(pc) =	sbr.abs _section_cstart, $3  }
0xc0: {  	[dreg:$0x1] =	wrdreg $0xFFFFFFFF  }
0xc1: {  	_ =	task.clear_ibuf [dreg:s7], $0x2FFFF;
	_ =	strace $0x9FFFFFFF  }
0xc2: {  	(tm) =	ssettm $0x7FFFFFFF  }
0xc3: {  	_ =	shalt  }
tec
execute0_lowered:
.L_overlay_start_1:
0x0: {  	(tag) =	ssettag $0x1  }
0x1: {  	s0 =	rddreg [dreg:$0x0]  }
0x2: {  	s1 =	rddreg [dreg:$0x1]  }
0x3: {  	s3 =	srdreg.scid;
	s5 =	stileid.u32;
	s2 =	simm.s32 $0x0  }
0x4: {  	s15 =	simm.s32 $0x3;
	s18 =	simm.s32 $0x1EB00;
	s19 =	simm.s32 $0x1F080  }
0x5: {  	s20 =	simm.s32 $0x1;
	s21 =	simm.s32 $0xA000;
	s22 =	simm.s32 $0x2  }
0x6: {  	s24 =	simm.s32 $0xF000;
	s28 =	simm.s32 $0x16800;
	s29 =	simm.s32 $0x19000  }
0x7: {  	s30 =	simm.s32 $0x1B800;
	s4 =	sand.u32 $0x1, s3;
	s25 =	sshll.u32 s5, $0x1  }
0x8: {  	s31 =	simm.s32 $0x0;
	[smem:$0x7FF] =	sst s2;
	s5 =	sor.u32 s4, s25  }
0x9: {  	s3 =	sadd.s32 $0xDD000, s0;
	_ =	strace $0x8000004D;
	s6 =	smul.u32 $0x1400, s5  }
0xa: {  	s7 =	ssub.s32 $0x2, s4;
	s4 =	sadd.s32 $0xD8000, s0;
	s8 =	smul.u32 $0x14000, s5  }
0xb: {  	s0 =	sadd.s32 $0x2200, s0;
	s9 =	sshrl.u32 s7, $0x1;
	s10 =	smul.u32 $0x2800, s5  }
0xc: {  	s25 =	simm.s32 $0x11800;
	s14 =	ssub.s32 s7, s9;
	s26 =	sshrl.u32 s8, $0x3  }
0xd: {  	s5 =	sadd.s32 s1, s6;
	s6 =	sadd.s32 s0, s10;
	s14 =	smax.u32 s14, $0x1  }
0xe: {  	s0 =	sadd.s32 s0, s26;
	s7 =	sadd.s32 $0x500, s6;
	s26 =	simm.s32 $0x14000  }
0xf: {  	s8 =	sadd.s32 $0xA00, s0;
	s9 =	sadd.s32 $0xF00, s0;
	s10 =	sadd.s32 $0x1400, s0  }
0x10: {  	v0 =	vimm.f32 $0.0e+00;
	s11 =	sadd.s32 $0x1900, s0;
	s12 =	sadd.s32 $0x1E00, s0;
	s13 =	sadd.s32 $0x2300, s0  }
.LBB2_1:
0x11: {  	[tilespmem:s2], [sflag:$0x3] =	stream.linear.gather [hbm4b:s5+s2], $0xA000, $0x38;
	[tilespmem:$0x1F600] =	vst v63  }
0x12: {  	_ =	swait.ge [sflag:s15], $0xA000  }
0x13: {  	[sflag:s15] =	ssyncset.done $0x0  }
0x14: {  	s0 =	simm.s32 $0x40;
	s1 =	simm.s32 $0x0;
	[sflag:s15] =	ssyncadd.s32 $0xFFFF6000  }
.LBB2_2:
0x15: {  	p0 =	sne.s32 s0, $0x4FFC0;
	[tilespmem:s1+$0xA000] =	vst v0;
	s1 =	smov.u32 s0;
	s0 =	sadd.s32 $0x40, s0  }
.Ltmp0:
0x16: {  	(pc) =	sbr.rel @p0 .LBB2_2-.Ltmp0, $2  }
0x17: {  	_ =	sdelay $0x2  }
0x18: {  	s1 =	sshra.s32 s1, $0x2  }
0x19: {  	[tilespmem:s1+$0xA000] =	vst v0;
	s0 =	simm.s32 $0x0;
	s17 =	simm.s32 $0x1E000  }
0x1a: {  	[tilespmem:s17], [sflag:$0x1] =	stream.linear.gather [hbm4b:s3+s0], $0x580, $0x38;
	[tilespmem:$0x1F600] =	vst v63  }
0x1b: {  	s23 =	simm.s32 $0x1E580  }
0x1c: {  	[tilespmem:s23], [sflag:$0x1] =	stream.linear.gather [hbm4b:s4+s0], $0x580, $0x38;
	[tilespmem:$0x1F600] =	vst v63  }
.LBB2_4:
0x1d: {  	s1 =	smul.u32 $0xB00, s0;
	_ =	sdelay $0x1  }
0x1e: {  	s16 =	sshrl.u32 s1, $0x3  }
0x1f: {  	s16 =	sadd.s32 $0xB0, s16  }
0x20: {  	s17 =	sadd.s32 s3, s16  }
0x21: {  	[tilespmem:s18], [sflag:$0x2] =	stream.linear.gather [hbm4b:s17+s2], $0x580, $0x38;
	[tilespmem:$0x1F600] =	vst v63  }
0x22: {  	s16 =	sadd.s32 s4, s16  }
0x23: {  	[tilespmem:s19], [sflag:$0x2] =	stream.linear.gather [hbm4b:s16+s2], $0x580, $0x38;
	[tilespmem:$0x1F600] =	vst v63  }
0x24: {  	_ =	swait.ge [sflag:s20], $0x580  }
0x25: {  	[sflag:s20] =	ssyncset.done $0x0  }
0x26: {  	[sflag:s20] =	ssyncadd.s32 $0xFFFFFA80  }
0x27: {  	_ =	swait.ge [sflag:s20], $0x580  }
0x28: {  	[sflag:s20] =	ssyncset.done $0x0  }
0x29: {  	s23 =	simm.s32 $0x1E010;
	[sflag:s20] =	ssyncadd.s32 $0xFFFFFA80  }
0x2a: {  	v1 =	vld [tilespmem:s23+$0x0];
	_ =	sdelay $0x4  }
0x2b: {  	v3 =	vand.u32 $0x3FFF, v1  }
0x2c: {  	v2 =	vld [tilespmem:s23+$0xFFFFFFF0];
	_ =	sdelay $0x3  }
0x2d: {  	s17 =	simm.s32 $0x1E590;
	v4 =	vld.idx.msk [tilespmem:v3+s2+$0x0], $0xffff  }
0x2e: {  	v5 =	vld [tilespmem:s17+$0x0];
	v6 =	vand.u32 $0x3FFF, v2;
	v7 =	vshrl.u32 v1, $0xE  }
0x2f: {  	v1 =	vadd.s32 $0x2800, v7  }
0x30: {  	v8 =	vand.u32 $0x7, v7;
	v1 =	vand.u32 $0x7FFF8, v1  }
0x31: {  	s23 =	simm.s32 $0x1E030;
	v9 =	vor.u32 v8, v1  }
0x32: {  	v19 =	vld [tilespmem:s23+$0x0];
	v10 =	vadd.s32 $0x2800, v3;
	v1 =	vunpack.i.l.bf16.f32 v4  }
0x33: {  	v11 =	vld.idx.msk [tilespmem:v6+s2+$0x0], $0xffff;
	v4 =	vunpack.i.u.bf16.f32 v4;
	v12 =	vmul.f32 v1, v5  }
0x34: {  	v2 =	vshrl.u32 v2, $0xE;
	v1 =	vld [tilespmem:s17+$0xFFFFFFF0];
	v4 =	vmul.f32 v4, v5  }
0x35: {  	v13 =	vadd.s32 $0x2800, v2;
	[tilespmem:v7+s21+$0x0] =	vst.idx.add.f32.msk $0xffff, v12  }
0x36: {  	v14 =	vadd.s32 $0x5000, v7;
	v13 =	vand.u32 $0x7FFF8, v13;
	v12 =	vand.u32 $0x7, v2;
	[tilespmem:v9+s21+$0x0] =	vst.idx.add.f32.msk $0xffff, v4  }
0x37: {  	v15 =	vadd.s32 $0x7800, v7;
	v16 =	vadd.s32 $0x5000, v2;
	v9 =	vor.u32 v12, v13;
	v10 =	vld.idx.msk [tilespmem:v10+s2+$0x0], $0xffff  }
0x38: {  	v4 =	vadd.s32 $0x2800, v6;
	v13 =	vunpack.i.u.bf16.f32 v11;
	v11 =	vunpack.i.l.bf16.f32 v11  }
0x39: {  	v17 =	vadd.s32 $0xA000, v2;
	v14 =	vand.u32 $0x7FFF8, v14;
	v11 =	vmul.f32 v11, v1  }
0x3a: {  	v15 =	vand.u32 $0x7FFF8, v15;
	v14 =	vor.u32 v8, v14;
	v13 =	vmul.f32 v13, v1  }
0x3b: {  	v18 =	vadd.s32 $0xC800, v2;
	v21 =	vand.u32 $0x3FFF, v19;
	[tilespmem:v2+s21+$0x0] =	vst.idx.add.f32.msk $0xffff, v11;
	v11 =	vor.u32 v8, v15  }
0x3c: {  	v23 =	vadd.s32 $0xC800, v7;
	v15 =	vadd.s32 $0x7800, v2;
	[tilespmem:v9+s21+$0x0] =	vst.idx.add.f32.msk $0xffff, v13;
	v9 =	vunpack.i.l.bf16.f32 v10  }
0x3d: {  	v13 =	vadd.s32 $0x5000, v3;
	v4 =	vld.idx.msk [tilespmem:v4+s2+$0x0], $0xffff;
	v10 =	vunpack.i.u.bf16.f32 v10;
	v9 =	vmul.f32 v9, v5  }
0x3e: {  	v16 =	vand.u32 $0x7FFF8, v16;
	v15 =	vand.u32 $0x7FFF8, v15;
	v10 =	vmul.f32 v10, v5  }
0x3f: {  	v16 =	vor.u32 v12, v16;
	v15 =	vor.u32 v12, v15;
	[tilespmem:v14+s21+$0x0] =	vst.idx.add.f32.msk $0xffff, v9;
	v14 =	vand.u32 $0x7FFF8, v17  }
0x40: {  	v9 =	vadd.s32 $0x5000, v6;
	v17 =	vand.u32 $0x7FFF8, v18;
	[tilespmem:v11+s21+$0x0] =	vst.idx.add.f32.msk $0xffff, v10;
	v10 =	vor.u32 v12, v14  }
0x41: {  	v14 =	vor.u32 v12, v17;
	v11 =	vadd.s32 $0xF000, v2;
	v17 =	vadd.s32 $0x7800, v6  }
0x42: {  	v2 =	vadd.s32 $0x11800, v2;
	v13 =	vld.idx.msk [tilespmem:v13+s2+$0x0], $0xffff;
	v6 =	vand.u32 $0x7FFF8, v11;
	v18 =	vunpack.i.u.bf16.f32 v4  }
0x43: {  	v11 =	vld [tilespmem:s23+$0xFFFFFFF0];
	v4 =	vunpack.i.l.bf16.f32 v4;
	v20 =	vand.u32 $0x7FFF8, v2;
	v2 =	vadd.s32 $0xA000, v7  }
0x44: {  	v4 =	vmul.f32 v4, v1;
	v18 =	vmul.f32 v18, v1;
	v22 =	vand.u32 $0x7FFF8, v2  }
0x45: {  	v2 =	vor.u32 v12, v6;
	v6 =	vor.u32 v8, v22;
	v22 =	vand.u32 $0x7FFF8, v23  }
0x46: {  	[tilespmem:v16+s21+$0x0] =	vst.idx.add.f32.msk $0xffff, v4;
	v4 =	vor.u32 v8, v22  }
0x47: {  	v26 =	vshrl.u32 v19, $0xE;
	s17 =	simm.s32 $0x1E5B0;
	[tilespmem:v15+s21+$0x0] =	vst.idx.add.f32.msk $0xffff, v18;
	v15 =	vadd.s32 $0x7800, v3;
	v22 =	vunpack.i.l.bf16.f32 v13  }
0x48: {  	v18 =	vld [tilespmem:s17+$0x0];
	v16 =	vand.u32 $0x3FFF, v11;
	v3 =	vunpack.i.u.bf16.f32 v13;
	v22 =	vmul.f32 v22, v5  }
0x49: {  	v19 =	vand.u32 $0x7, v26;
	v11 =	vshrl.u32 v11, $0xE;
	v13 =	vld.idx.msk [tilespmem:v21+s2+$0x0], $0xffff;
	v25 =	vmul.f32 v3, v5  }
0x4a: {  	v27 =	vadd.s32 $0x2800, v21;
	v29 =	vadd.s32 $0x7800, v26;
	v23 =	vand.u32 $0x7, v11;
	[tilespmem:v6+s21+$0x0] =	vst.idx.add.f32.msk $0xffff, v22  }
0x4b: {  	v24 =	vadd.s32 $0x2800, v11;
	v3 =	vor.u32 v12, v20;
	v12 =	vadd.s32 $0x2800, v26;
	[tilespmem:v4+s21+$0x0] =	vst.idx.add.f32.msk $0xffff, v25  }
0x4c: {  	v20 =	vadd.s32 $0x5000, v11;
	v24 =	vand.u32 $0x7FFF8, v24;
	v4 =	vand.u32 $0x7FFF8, v12;
	v15 =	vld.idx.msk [tilespmem:v15+s2+$0x0], $0xffff  }
0x4d: {  	v6 =	vor.u32 v23, v24;
	v22 =	vor.u32 v19, v4;
	v24 =	vld.idx.msk [tilespmem:v16+s2+$0x0], $0xffff;
	v4 =	vadd.s32 $0xF000, v7  }
0x4e: {  	v25 =	vunpack.i.l.bf16.f32 v13;
	v13 =	vunpack.i.u.bf16.f32 v13;
	v28 =	vand.u32 $0x7FFF8, v4;
	v4 =	vld [tilespmem:s17+$0xFFFFFFF0]  }
0x4f: {  	v7 =	vadd.s32 $0x11800, v7;
	v25 =	vmul.f32 v25, v18;
	v28 =	vor.u32 v8, v28  }
0x50: {  	v9 =	vld.idx.msk [tilespmem:v9+s2+$0x0], $0xffff;
	v30 =	vadd.s32 $0x5000, v16;
	v13 =	vmul.f32 v13, v18;
	v7 =	vand.u32 $0x7FFF8, v7  }
0x51: {  	v20 =	vand.u32 $0x7FFF8, v20;
	v7 =	vor.u32 v8, v7;
	[tilespmem:v26+s21+$0x0] =	vst.idx.add.f32.msk $0xffff, v25;
	v8 =	vunpack.i.l.bf16.f32 v15  }
0x52: {  	[tilespmem:v22+s21+$0x0] =	vst.idx.add.f32.msk $0xffff, v13;
	v13 =	vunpack.i.u.bf16.f32 v24;
	v24 =	vunpack.i.l.bf16.f32 v24;
	v8 =	vmul.f32 v8, v5  }
0x53: {  	v12 =	vadd.s32 $0x7800, v11;
	v25 =	vadd.s32 $0x2800, v16;
	v22 =	vld.idx.msk [tilespmem:v27+s2+$0x0], $0xffff;
	v24 =	vmul.f32 v24, v4  }
0x54: {  	v20 =	vor.u32 v23, v20;
	v12 =	vand.u32 $0x7FFF8, v12;
	v27 =	vadd.s32 $0x5000, v26;
	[tilespmem:v28+s21+$0x0] =	vst.idx.add.f32.msk $0xffff, v8  }
0x55: {  	s23 =	simm.s32 $0x1E050;
	v15 =	vunpack.i.u.bf16.f32 v15;
	v13 =	vmul.f32 v13, v4;
	v27 =	vand.u32 $0x7FFF8, v27;
	[tilespmem:v11+s21+$0x0] =	vst.idx.add.f32.msk $0xffff, v24  }
0x56: {  	v5 =	vmul.f32 v15, v5;
	v8 =	vor.u32 v19, v27;
	v27 =	vand.u32 $0x7FFF8, v29;
	v29 =	vld [tilespmem:s23+$0x0]  }
0x57: {  	v15 =	vunpack.i.u.bf16.f32 v9;
	v9 =	vunpack.i.l.bf16.f32 v9;
	v24 =	vor.u32 v19, v27;
	[tilespmem:v6+s21+$0x0] =	vst.idx.add.f32.msk $0xffff, v13  }
0x58: {  	v12 =	vor.u32 v23, v12;
	v9 =	vmul.f32 v9, v1;
	v25 =	vld.idx.msk [tilespmem:v25+s2+$0x0], $0xffff;
	v6 =	vunpack.i.l.bf16.f32 v22  }
0x59: {  	v13 =	vadd.s32 $0x5000, v21;
	[tilespmem:v7+s21+$0x0] =	vst.idx.add.f32.msk $0xffff, v5;
	v22 =	vunpack.i.u.bf16.f32 v22;
	v6 =	vmul.f32 v6, v18  }
0x5a: {  	v15 =	vmul.f32 v15, v1;
	v28 =	vadd.s32 $0xC800, v11;
	[tilespmem:v10+s21+$0x0] =	vst.idx.add.f32.msk $0xffff, v9;
	v22 =	vmul.f32 v22, v18  }
0x5b: {  	v27 =	vadd.s32 $0xA000, v11;
	v28 =	vand.u32 $0x7FFF8, v28;
	v7 =	vadd.s32 $0xA000, v26;
	[tilespmem:v8+s21+$0x0] =	vst.idx.add.f32.msk $0xffff, v6  }
0x5c: {  	v10 =	vadd.s32 $0xC800, v26;
	v27 =	vand.u32 $0x7FFF8, v27;
	v6 =	vadd.s32 $0x7800, v16;
	[tilespmem:v24+s21+$0x0] =	vst.idx.add.f32.msk $0xffff, v22  }
0x5d: {  	v16 =	vadd.s32 $0xF000, v11;
	v11 =	vadd.s32 $0x11800, v11;
	v22 =	vld [tilespmem:s23+$0xFFFFFFF0];
	v24 =	vunpack.i.u.bf16.f32 v25  }
0x5e: {  	v25 =	vunpack.i.l.bf16.f32 v25;
	v5 =	vand.u32 $0x7FFF8, v11;
	v11 =	vand.u32 $0x3FFF, v29;
	v13 =	vld.idx.msk [tilespmem:v13+s2+$0x0], $0xffff  }
0x5f: {  	[tilespmem:v14+s21+$0x0] =	vst.idx.add.f32.msk $0xffff, v15;
	v14 =	vand.u32 $0x7FFF8, v7;
	v31 =	vor.u32 v23, v27;
	v25 =	vmul.f32 v25, v4  }
0x60: {  	v8 =	vor.u32 v23, v28;
	v16 =	vand.u32 $0x7FFF8, v16;
	v9 =	vmul.f32 v24, v4  }
0x61: {  	v10 =	vand.u32 $0x7FFF8, v10;
	v7 =	vor.u32 v23, v16;
	v16 =	vor.u32 v19, v14;
	[tilespmem:v20+s21+$0x0] =	vst.idx.add.f32.msk $0xffff, v25  }
0x62: {  	v5 =	vor.u32 v23, v5;
	v23 =	vor.u32 v19, v10;
	[tilespmem:v12+s21+$0x0] =	vst.idx.add.f32.msk $0xffff, v9  }
0x63: {  	v20 =	vadd.s32 $0x7800, v21;
	v15 =	vand.u32 $0x3FFF, v22;
	v21 =	vld.idx.msk [tilespmem:v11+s2+$0x0], $0xffff;
	v10 =	vunpack.i.l.bf16.f32 v13  }
0x64: {  	s16 =	simm.s32 $0x1E5D0;
	v14 =	vshrl.u32 v22, $0xE;
	v30 =	vld.idx.msk [tilespmem:v30+s2+$0x0], $0xffff;
	v9 =	vunpack.i.u.bf16.f32 v13;
	v13 =	vmul.f32 v10, v18  }
0x65: {  	v28 =	vadd.s32 $0xF000, v26;
	v12 =	vadd.s32 $0x2800, v14;
	v22 =	vmul.f32 v9, v18;
	v9 =	vld [tilespmem:s16+$0x0]  }
0x66: {  	v26 =	vadd.s32 $0x11800, v26;
	v24 =	vand.u32 $0x7FFF8, v12;
	v12 =	vshrl.u32 v29, $0xE;
	[tilespmem:v16+s21+$0x0] =	vst.idx.add.f32.msk $0xffff, v13  }
0x67: {  	v28 =	vand.u32 $0x7FFF8, v28;
	v33 =	vadd.s32 $0x2800, v11;
	v25 =	vadd.s32 $0x2800, v12;
	[tilespmem:v23+s21+$0x0] =	vst.idx.add.f32.msk $0xffff, v22  }
0x68: {  	v28 =	vor.u32 v19, v28;
	v13 =	vand.u32 $0x7, v12;
	v23 =	vand.u32 $0x7FFF8, v25;
	v29 =	vld.idx.msk [tilespmem:v15+s2+$0x0], $0xffff  }
0x69: {  	v27 =	vadd.s32 $0x2800, v15;
	v10 =	vand.u32 $0x7, v14;
	v25 =	vld.idx.msk [tilespmem:v20+s2+$0x0], $0xffff;
	v23 =	vor.u32 v13, v23  }
0x6a: {  	v24 =	vor.u32 v10, v24;
	v16 =	vadd.s32 $0x5000, v14;
	v32 =	vunpack.i.l.bf16.f32 v21  }
0x6b: {  	v21 =	vunpack.i.u.bf16.f32 v21;
	v20 =	vand.u32 $0x7FFF8, v16;
	v16 =	vld [tilespmem:s16+$0xFFFFFFF0];
	v32 =	vmul.f32 v32, v9  }
0x6c: {  	v22 =	vadd.s32 $0x7800, v14;
	v34 =	vmul.f32 v21, v9;
	v21 =	vand.u32 $0x7FFF8, v26  }
0x6d: {  	v62 =	vunpack.i.u.bf16.f32 v30;
	v22 =	vand.u32 $0x7FFF8, v22;
	v26 =	vor.u32 v19, v21;
	[tilespmem:v12+s21+$0x0] =	vst.idx.add.f32.msk $0xffff, v32  }
0x6e: {  	v21 =	vor.u32 v10, v22;
	v22 =	vunpack.i.l.bf16.f32 v25;
	[tilespmem:v23+s21+$0x0] =	vst.idx.add.f32.msk $0xffff, v34;
	v23 =	vunpack.i.u.bf16.f32 v29  }
0x6f: {  	v17 =	vld.idx.msk [tilespmem:v17+s2+$0x0], $0xffff;
	v25 =	vunpack.i.u.bf16.f32 v25;
	v29 =	vunpack.i.l.bf16.f32 v29;
	v22 =	vmul.f32 v22, v18  }
0x70: {  	v20 =	vor.u32 v10, v20;
	v32 =	vld.idx.msk [tilespmem:v33+s2+$0x0], $0xffff;
	v18 =	vmul.f32 v25, v18;
	v25 =	vmul.f32 v29, v16  }
0x71: {  	v19 =	vadd.s32 $0x5000, v15;
	v23 =	vmul.f32 v23, v16;
	v29 =	vadd.s32 $0x5000, v12;
	[tilespmem:v28+s21+$0x0] =	vst.idx.add.f32.msk $0xffff, v22  }
0x72: {  	v22 =	vand.u32 $0x7FFF8, v29;
	v28 =	vadd.s32 $0x7800, v12;
	v29 =	vunpack.i.l.bf16.f32 v30;
	[tilespmem:v14+s21+$0x0] =	vst.idx.add.f32.msk $0xffff, v25  }
0x73: {  	[tilespmem:v26+s21+$0x0] =	vst.idx.add.f32.msk $0xffff, v18;
	v18 =	vadd.s32 $0xA000, v14;
	v25 =	vor.u32 v13, v22;
	v22 =	vand.u32 $0x7FFF8, v28  }
0x74: {  	[tilespmem:v24+s21+$0x0] =	vst.idx.add.f32.msk $0xffff, v23;
	v23 =	vadd.s32 $0xC800, v14;
	v63 =	vmul.f32 v29, v4;
	v26 =	vor.u32 v13, v22  }
0x75: {  	v24 =	vld.idx.msk [tilespmem:v27+s2+$0x0], $0xffff;
	v27 =	vadd.s32 $0x5000, v11;
	v22 =	vmul.f32 v62, v4;
	v29 =	vunpack.i.l.bf16.f32 v32  }
0x76: {  	s17 =	simm.s32 $0x40;
	s23 =	simm.s32 $0x1E070;
	v28 =	vand.u32 $0x7FFF8, v18;
	v30 =	vunpack.i.u.bf16.f32 v32;
	[tilespmem:v31+s21+$0x0] =	vst.idx.add.f32.msk $0xffff, v63;
	v29 =	vmul.f32 v29, v9  }
.LBB2_5:
0x77: {  	v31 =	vld [tilespmem:s23+$0x0];
	v18 =	vor.u32 v10, v28;
	v23 =	vand.u32 $0x7FFF8, v23;
	v28 =	vmul.f32 v30, v9  }
0x78: {  	v15 =	vadd.s32 $0x7800, v15;
	v23 =	vor.u32 v10, v23;
	[tilespmem:v25+s21+$0x0] =	vst.idx.add.f32.msk $0xffff, v29;
	v25 =	vunpack.i.u.bf16.f32 v17  }
0x79: {  	v29 =	vadd.s32 $0xF000, v14;
	v14 =	vadd.s32 $0x11800, v14;
	v17 =	vunpack.i.l.bf16.f32 v17;
	[tilespmem:v26+s21+$0x0] =	vst.idx.add.f32.msk $0xffff, v28  }
0x7a: {  	v26 =	vand.u32 $0x7FFF8, v29;
	v28 =	vmul.f32 v17, v1;
	v25 =	vmul.f32 v25, v1;
	v1 =	vmovc v4;
	v27 =	vld.idx.msk [tilespmem:v27+s2+$0x0], $0xffff  }
0x7b: {  	s17 =	sadd.s32 $0x20, s17;
	v14 =	vand.u32 $0x7FFF8, v14;
	v4 =	vmovc v16;
	v17 =	vunpack.i.u.bf16.f32 v24;
	v24 =	vunpack.i.l.bf16.f32 v24;
	v29 =	vld [tilespmem:s23+$0xFFFFFFF0]  }
0x7c: {  	v30 =	vadd.s32 $0xA000, v12;
	p0 =	slt.u32 s17, $0x560;
	v24 =	vmul.f32 v24, v4;
	v16 =	vand.u32 $0x3FFF, v31;
	[tilespmem:v8+s21+$0x0] =	vst.idx.add.f32.msk $0xffff, v22;
	v8 =	vmovc v23  }
0x7d: {  	v22 =	vmul.f32 v17, v4;
	v23 =	vand.u32 $0x7FFF8, v30;
	v30 =	vadd.s32 $0xC800, v12;
	v17 =	vld.idx.msk [tilespmem:v6+s2+$0x0], $0xffff;
	v6 =	vmovc v15  }
0x7e: {  	v15 =	vand.u32 $0x7FFF8, v30;
	[tilespmem:v20+s21+$0x0] =	vst.idx.add.f32.msk $0xffff, v24;
	v24 =	vor.u32 v10, v26;
	v20 =	vor.u32 v13, v23  }
0x7f: {  	[tilespmem:v21+s21+$0x0] =	vst.idx.add.f32.msk $0xffff, v22;
	v22 =	vor.u32 v10, v14;
	v21 =	vor.u32 v13, v15  }
0x80: {  	v10 =	vunpack.i.l.bf16.f32 v27;
	v15 =	vand.u32 $0x3FFF, v29;
	v23 =	vld.idx.msk [tilespmem:v19+s2+$0x0], $0xffff;
	v19 =	vadd.s32 $0x7800, v11;
	v11 =	vmovc v16  }
0x81: {  	s16 =	sadd.s32 $0x20, s16;
	v14 =	vshrl.u32 v29, $0xE;
	v26 =	vld.idx.msk [tilespmem:v16+s2+$0x0], $0xffff;
	v16 =	vunpack.i.u.bf16.f32 v27;
	v27 =	vmul.f32 v10, v9  }
0x82: {  	v10 =	vand.u32 $0x7, v14;
	v29 =	vadd.s32 $0x2800, v14;
	v30 =	vld [tilespmem:s16+$0x0];
	v16 =	vmul.f32 v16, v9  }
0x83: {  	v31 =	vshrl.u32 v31, $0xE;
	v32 =	vadd.s32 $0x2800, v15;
	v29 =	vand.u32 $0x7FFF8, v29;
	[tilespmem:v20+s21+$0x0] =	vst.idx.add.f32.msk $0xffff, v27  }
0x84: {  	v27 =	vor.u32 v10, v29;
	v20 =	vadd.s32 $0x5000, v14;
	v29 =	vadd.s32 $0x2800, v31;
	[tilespmem:v21+s21+$0x0] =	vst.idx.add.f32.msk $0xffff, v16  }
0x85: {  	v33 =	vand.u32 $0x7, v31;
	v21 =	vadd.s32 $0x7800, v14;
	v16 =	vand.u32 $0x7FFF8, v29;
	v29 =	vld.idx.msk [tilespmem:v19+s2+$0x0], $0xffff  }
0x86: {  	v19 =	vand.u32 $0x7FFF8, v20;
	v35 =	vor.u32 v33, v16;
	v20 =	vadd.s32 $0xF000, v12;
	v34 =	vld.idx.msk [tilespmem:v15+s2+$0x0], $0xffff  }
0x87: {  	v38 =	vadd.s32 $0x11800, v12;
	v37 =	vadd.s32 $0x2800, v11;
	v12 =	vmovc v31;
	v36 =	vunpack.i.l.bf16.f32 v26;
	v16 =	vld [tilespmem:s16+$0xFFFFFFF0]  }
0x88: {  	v26 =	vunpack.i.u.bf16.f32 v26;
	v20 =	vand.u32 $0x7FFF8, v20;
	v36 =	vmul.f32 v36, v30;
	[tilespmem:v2+s21+$0x0] =	vst.idx.add.f32.msk $0xffff, v28;
	v2 =	vmovc v7  }
0x89: {  	v39 =	vmul.f32 v26, v30;
	v26 =	vor.u32 v13, v20;
	v28 =	vand.u32 $0x7FFF8, v38;
	[tilespmem:v3+s21+$0x0] =	vst.idx.add.f32.msk $0xffff, v25  }
0x8a: {  	v20 =	vor.u32 v10, v19;
	v38 =	vand.u32 $0x7FFF8, v21;
	v25 =	vor.u32 v13, v28;
	[tilespmem:v31+s21+$0x0] =	vst.idx.add.f32.msk $0xffff, v36  }
0x8b: {  	v19 =	vadd.s32 $0x5000, v15;
	v7 =	vmovc v24;
	v21 =	vor.u32 v10, v38;
	[tilespmem:v35+s21+$0x0] =	vst.idx.add.f32.msk $0xffff, v39;
	v35 =	vunpack.i.l.bf16.f32 v29  }
0x8c: {  	v3 =	vmovc v5;
	v5 =	vmovc v22;
	v24 =	vunpack.i.u.bf16.f32 v29;
	v36 =	vunpack.i.u.bf16.f32 v34;
	v31 =	vld.idx.msk [tilespmem:v37+s2+$0x0], $0xffff;
	v28 =	vmul.f32 v35, v9  }
0x8d: {  	v13 =	vmovc v33;
	v22 =	vunpack.i.l.bf16.f32 v34;
	v24 =	vmul.f32 v24, v9;
	v29 =	vmul.f32 v36, v16;
	v9 =	vmovc v30  }
0x8e: {  	v33 =	vunpack.i.u.bf16.f32 v23;
	v22 =	vmul.f32 v22, v16;
	v30 =	vadd.s32 $0x5000, v12;
	[tilespmem:v26+s21+$0x0] =	vst.idx.add.f32.msk $0xffff, v28  }
.Ltmp1:
0x8f: {  	v26 =	vand.u32 $0x7FFF8, v30;
	v28 =	vadd.s32 $0x7800, v12;
	v30 =	vunpack.i.l.bf16.f32 v23;
	[tilespmem:v25+s21+$0x0] =	vst.idx.add.f32.msk $0xffff, v24;
	(pc) =	sbr.rel @p0 .LBB2_5-.Ltmp1, $4  }
0x90: {  	v34 =	vadd.s32 $0xA000, v14;
	v25 =	vor.u32 v13, v26;
	[tilespmem:v14+s21+$0x0] =	vst.idx.add.f32.msk $0xffff, v22;
	v22 =	vand.u32 $0x7FFF8, v28  }
0x91: {  	v23 =	vadd.s32 $0xC800, v14;
	v35 =	vmul.f32 v30, v4;
	[tilespmem:v27+s21+$0x0] =	vst.idx.add.f32.msk $0xffff, v29;
	v26 =	vor.u32 v13, v22  }
0x92: {  	v29 =	vunpack.i.l.bf16.f32 v31;
	v27 =	vadd.s32 $0x5000, v11;
	v22 =	vmul.f32 v33, v4;
	v24 =	vld.idx.msk [tilespmem:v32+s2+$0x0], $0xffff  }
0x93: {  	s23 =	sadd.s32 $0x20, s23;
	v28 =	vand.u32 $0x7FFF8, v34;
	v30 =	vunpack.i.u.bf16.f32 v31;
	v29 =	vmul.f32 v29, v9;
	[tilespmem:v18+s21+$0x0] =	vst.idx.add.f32.msk $0xffff, v35  }
0x94: {  	_ =	sdelay $0x2  }
0x95: {  	v18 =	vmul.f32 v30, v9  }
0x96: {  	[tilespmem:v25+s21+$0x0] =	vst.idx.add.f32.msk $0xffff, v29  }
0x97: {  	[tilespmem:v26+s21+$0x0] =	vst.idx.add.f32.msk $0xffff, v18;
	v18 =	vunpack.i.l.bf16.f32 v24  }
0x98: {  	v25 =	vld.idx.msk [tilespmem:v27+s2+$0x0], $0xffff;
	v24 =	vunpack.i.u.bf16.f32 v24;
	v18 =	vmul.f32 v18, v16  }
0x99: {  	v26 =	vadd.s32 $0xA000, v12;
	v24 =	vmul.f32 v24, v16  }
0x9a: {  	v26 =	vand.u32 $0x7FFF8, v26;
	v27 =	vadd.s32 $0xC800, v12;
	[tilespmem:v20+s21+$0x0] =	vst.idx.add.f32.msk $0xffff, v18  }
0x9b: {  	v18 =	vor.u32 v13, v26;
	v20 =	vand.u32 $0x7FFF8, v27;
	[tilespmem:v21+s21+$0x0] =	vst.idx.add.f32.msk $0xffff, v24  }
0x9c: {  	v20 =	vor.u32 v13, v20;
	v19 =	vld.idx.msk [tilespmem:v19+s2+$0x0], $0xffff  }
0x9d: {  	v11 =	vadd.s32 $0x7800, v11;
	v21 =	vunpack.i.l.bf16.f32 v25  }
0x9e: {  	v24 =	vunpack.i.u.bf16.f32 v25;
	v21 =	vmul.f32 v21, v9  }
0x9f: {  	v23 =	vand.u32 $0x7FFF8, v23;
	[tilespmem:v8+s21+$0x0] =	vst.idx.add.f32.msk $0xffff, v22;
	v25 =	vor.u32 v10, v28;
	v8 =	vmul.f32 v24, v9  }
0xa0: {  	v22 =	vor.u32 v10, v23;
	[tilespmem:v18+s21+$0x0] =	vst.idx.add.f32.msk $0xffff, v21  }
0xa1: {  	v15 =	vadd.s32 $0x7800, v15;
	[tilespmem:v20+s21+$0x0] =	vst.idx.add.f32.msk $0xffff, v8;
	v8 =	vunpack.i.l.bf16.f32 v19  }
0xa2: {  	v11 =	vld.idx.msk [tilespmem:v11+s2+$0x0], $0xffff;
	v18 =	vunpack.i.u.bf16.f32 v19;
	v8 =	vmul.f32 v8, v16  }
0xa3: {  	v6 =	vld.idx.msk [tilespmem:v6+s2+$0x0], $0xffff;
	v21 =	vadd.s32 $0xF000, v14;
	v20 =	vadd.s32 $0xF000, v12;
	v18 =	vmul.f32 v18, v16  }
0xa4: {  	v12 =	vadd.s32 $0x11800, v12;
	v19 =	vunpack.i.u.bf16.f32 v17;
	v20 =	vand.u32 $0x7FFF8, v20;
	[tilespmem:v25+s21+$0x0] =	vst.idx.add.f32.msk $0xffff, v8  }
0xa5: {  	v12 =	vand.u32 $0x7FFF8, v12;
	v8 =	vunpack.i.l.bf16.f32 v17;
	v17 =	vor.u32 v13, v20;
	[tilespmem:v22+s21+$0x0] =	vst.idx.add.f32.msk $0xffff, v18  }
0xa6: {  	v14 =	vadd.s32 $0x11800, v14;
	v12 =	vor.u32 v13, v12;
	v8 =	vmul.f32 v8, v1;
	v13 =	vld.idx.msk [tilespmem:v15+s2+$0x0], $0xffff  }
0xa7: {  	v14 =	vand.u32 $0x7FFF8, v14;
	v1 =	vmul.f32 v19, v1;
	v18 =	vunpack.i.l.bf16.f32 v11  }
0xa8: {  	v15 =	vand.u32 $0x7FFF8, v21;
	[tilespmem:v2+s21+$0x0] =	vst.idx.add.f32.msk $0xffff, v8;
	v2 =	vunpack.i.u.bf16.f32 v11;
	v8 =	vmul.f32 v18, v9  }
0xa9: {  	v11 =	vor.u32 v10, v15;
	[tilespmem:v3+s21+$0x0] =	vst.idx.add.f32.msk $0xffff, v1;
	v1 =	vmul.f32 v2, v9;
	v2 =	vunpack.i.l.bf16.f32 v6  }
0xaa: {  	v3 =	vor.u32 v10, v14;
	v6 =	vunpack.i.u.bf16.f32 v6;
	[tilespmem:v17+s21+$0x0] =	vst.idx.add.f32.msk $0xffff, v8;
	v2 =	vmul.f32 v2, v4  }
0xab: {  	[tilespmem:v12+s21+$0x0] =	vst.idx.add.f32.msk $0xffff, v1;
	v1 =	vmul.f32 v6, v4;
	v4 =	vunpack.i.l.bf16.f32 v13  }
0xac: {  	p0 =	seq.s32 s0, $0x38;
	[tilespmem:v7+s21+$0x0] =	vst.idx.add.f32.msk $0xffff, v2;
	v2 =	vunpack.i.u.bf16.f32 v13;
	v4 =	vmul.f32 v4, v16  }
0xad: {  	s1 =	sshrl.u32 @!p0 s1, $0x3;
	[tilespmem:v5+s21+$0x0] =	vst.idx.add.f32.msk $0xffff, v1;
	v1 =	vmul.f32 v2, v16  }
0xae: {  	s1 =	sadd.s32 @!p0 $0x160, s1;
	[tilespmem:v11+s21+$0x0] =	vst.idx.add.f32.msk $0xffff, v4  }
0xaf: {  	s17 =	simm.s32 @!p0 $0x0;
	s23 =	simm.s32 @!p0 $0x1E000;
	s16 =	sadd.s32 @!p0 s3, s1;
	[tilespmem:v3+s21+$0x0] =	vst.idx.add.f32.msk $0xffff, v1  }
0xb0: {  	[tilespmem:s23], [sflag:$0x1] =	stream.linear.gather @!p0 [hbm4b:s16+s17], $0x580, $0x38;
	[tilespmem:$0x1F600] =	vst v63  }
0xb1: {  	s1 =	sadd.s32 @!p0 s4, s1;
	s16 =	simm.s32 @!p0 $0x1E580  }
0xb2: {  	[tilespmem:s16], [sflag:$0x1] =	stream.linear.gather @!p0 [hbm4b:s1+s17], $0x580, $0x38;
	[tilespmem:$0x1F600] =	vst v63  }
0xb3: {  	_ =	swait.ge [sflag:s22], $0x580  }
0xb4: {  	[sflag:s22] =	ssyncset.done $0x0  }
0xb5: {  	[sflag:s22] =	ssyncadd.s32 $0xFFFFFA80  }
0xb6: {  	_ =	swait.ge [sflag:s22], $0x580  }
0xb7: {  	[sflag:s22] =	ssyncset.done $0x0  }
0xb8: {  	s17 =	simm.s32 $0x1EB10;
	[sflag:s22] =	ssyncadd.s32 $0xFFFFFA80  }
0xb9: {  	v1 =	vld [tilespmem:s17+$0x0];
	_ =	sdelay $0x4  }
0xba: {  	v3 =	vand.u32 $0x3FFF, v1  }
0xbb: {  	v2 =	vld [tilespmem:s17+$0xFFFFFFF0];
	_ =	sdelay $0x3  }
0xbc: {  	s23 =	simm.s32 $0x1F090;
	v4 =	vld.idx.msk [tilespmem:v3+s2+$0x0], $0xffff  }
0xbd: {  	v5 =	vld [tilespmem:s23+$0x0];
	v6 =	vand.u32 $0x3FFF, v2;
	v7 =	vshrl.u32 v1, $0xE  }
0xbe: {  	v1 =	vadd.s32 $0x2800, v7  }
0xbf: {  	s16 =	simm.s32 $0x1EB30;
	v8 =	vand.u32 $0x7, v7;
	v1 =	vand.u32 $0x7FFF8, v1  }
0xc0: {  	v19 =	vld [tilespmem:s16+$0x0];
	v9 =	vor.u32 v8, v1  }
0xc1: {  	v10 =	vadd.s32 $0x2800, v3;
	v1 =	vunpack.i.l.bf16.f32 v4  }
0xc2: {  	v11 =	vld.idx.msk [tilespmem:v6+s2+$0x0], $0xffff;
	v4 =	vunpack.i.u.bf16.f32 v4;
	v12 =	vmul.f32 v1, v5  }
0xc3: {  	v2 =	vshrl.u32 v2, $0xE;
	v1 =	vld [tilespmem:s23+$0xFFFFFFF0];
	v4 =	vmul.f32 v4, v5  }
0xc4: {  	v13 =	vadd.s32 $0x2800, v2;
	[tilespmem:v7+s21+$0x0] =	vst.idx.add.f32.msk $0xffff, v12  }
0xc5: {  	v21 =	vand.u32 $0x3FFF, v19;
	v13 =	vand.u32 $0x7FFF8, v13;
	v12 =	vand.u32 $0x7, v2;
	[tilespmem:v9+s21+$0x0] =	vst.idx.add.f32.msk $0xffff, v4  }
0xc6: {  	v14 =	vadd.s32 $0x5000, v7;
	v15 =	vadd.s32 $0x7800, v7;
	v9 =	vor.u32 v12, v13;
	v10 =	vld.idx.msk [tilespmem:v10+s2+$0x0], $0xffff  }
0xc7: {  	v4 =	vadd.s32 $0x2800, v6;
	v13 =	vunpack.i.u.bf16.f32 v11;
	v11 =	vunpack.i.l.bf16.f32 v11  }
0xc8: {  	v16 =	vadd.s32 $0x5000, v2;
	v14 =	vand.u32 $0x7FFF8, v14;
	v11 =	vmul.f32 v11, v1  }
0xc9: {  	v15 =	vand.u32 $0x7FFF8, v15;
	v14 =	vor.u32 v8, v14;
	v13 =	vmul.f32 v13, v1  }
0xca: {  	v17 =	vadd.s32 $0xA000, v2;
	v18 =	vadd.s32 $0xC800, v2;
	[tilespmem:v2+s21+$0x0] =	vst.idx.add.f32.msk $0xffff, v11;
	v11 =	vor.u32 v8, v15  }
0xcb: {  	v23 =	vadd.s32 $0xC800, v7;
	v15 =	vadd.s32 $0x7800, v2;
	[tilespmem:v9+s21+$0x0] =	vst.idx.add.f32.msk $0xffff, v13;
	v9 =	vunpack.i.l.bf16.f32 v10  }
0xcc: {  	v13 =	vadd.s32 $0x5000, v3;
	v4 =	vld.idx.msk [tilespmem:v4+s2+$0x0], $0xffff;
	v10 =	vunpack.i.u.bf16.f32 v10;
	v9 =	vmul.f32 v9, v5  }
0xcd: {  	v16 =	vand.u32 $0x7FFF8, v16;
	v15 =	vand.u32 $0x7FFF8, v15;
	v10 =	vmul.f32 v10, v5  }
0xce: {  	v16 =	vor.u32 v12, v16;
	v15 =	vor.u32 v12, v15;
	[tilespmem:v14+s21+$0x0] =	vst.idx.add.f32.msk $0xffff, v9;
	v14 =	vand.u32 $0x7FFF8, v17  }
0xcf: {  	v9 =	vadd.s32 $0x5000, v6;
	v17 =	vand.u32 $0x7FFF8, v18;
	[tilespmem:v11+s21+$0x0] =	vst.idx.add.f32.msk $0xffff, v10;
	v10 =	vor.u32 v12, v14  }
0xd0: {  	v14 =	vor.u32 v12, v17;
	v11 =	vadd.s32 $0xF000, v2;
	v17 =	vadd.s32 $0x7800, v6  }
0xd1: {  	v2 =	vadd.s32 $0x11800, v2;
	v13 =	vld.idx.msk [tilespmem:v13+s2+$0x0], $0xffff;
	v6 =	vand.u32 $0x7FFF8, v11;
	v18 =	vunpack.i.u.bf16.f32 v4  }
0xd2: {  	v11 =	vld [tilespmem:s16+$0xFFFFFFF0];
	v4 =	vunpack.i.l.bf16.f32 v4;
	v20 =	vand.u32 $0x7FFF8, v2;
	v2 =	vadd.s32 $0xA000, v7  }
0xd3: {  	v4 =	vmul.f32 v4, v1;
	v18 =	vmul.f32 v18, v1;
	v22 =	vand.u32 $0x7FFF8, v2  }
0xd4: {  	v2 =	vor.u32 v12, v6;
	v6 =	vor.u32 v8, v22;
	v22 =	vand.u32 $0x7FFF8, v23  }
0xd5: {  	[tilespmem:v16+s21+$0x0] =	vst.idx.add.f32.msk $0xffff, v4;
	v4 =	vor.u32 v8, v22  }
0xd6: {  	s17 =	simm.s32 $0x1F0B0;
	v26 =	vshrl.u32 v19, $0xE;
	[tilespmem:v15+s21+$0x0] =	vst.idx.add.f32.msk $0xffff, v18;
	v15 =	vadd.s32 $0x7800, v3;
	v22 =	vunpack.i.l.bf16.f32 v13  }
0xd7: {  	v18 =	vld [tilespmem:s17+$0x0];
	v16 =	vand.u32 $0x3FFF, v11;
	v3 =	vunpack.i.u.bf16.f32 v13;
	v22 =	vmul.f32 v22, v5  }
0xd8: {  	v19 =	vand.u32 $0x7, v26;
	v11 =	vshrl.u32 v11, $0xE;
	v13 =	vld.idx.msk [tilespmem:v21+s2+$0x0], $0xffff;
	v25 =	vmul.f32 v3, v5  }
0xd9: {  	v27 =	vadd.s32 $0x2800, v21;
	v29 =	vadd.s32 $0x7800, v26;
	v23 =	vand.u32 $0x7, v11;
	[tilespmem:v6+s21+$0x0] =	vst.idx.add.f32.msk $0xffff, v22  }
0xda: {  	v24 =	vadd.s32 $0x2800, v11;
	v3 =	vor.u32 v12, v20;
	v12 =	vadd.s32 $0x2800, v26;
	[tilespmem:v4+s21+$0x0] =	vst.idx.add.f32.msk $0xffff, v25  }
0xdb: {  	v20 =	vadd.s32 $0x5000, v11;
	v24 =	vand.u32 $0x7FFF8, v24;
	v4 =	vand.u32 $0x7FFF8, v12;
	v15 =	vld.idx.msk [tilespmem:v15+s2+$0x0], $0xffff  }
0xdc: {  	v6 =	vor.u32 v23, v24;
	v22 =	vor.u32 v19, v4;
	v24 =	vld.idx.msk [tilespmem:v16+s2+$0x0], $0xffff;
	v4 =	vadd.s32 $0xF000, v7  }
0xdd: {  	v25 =	vunpack.i.l.bf16.f32 v13;
	v13 =	vunpack.i.u.bf16.f32 v13;
	v28 =	vand.u32 $0x7FFF8, v4;
	v4 =	vld [tilespmem:s17+$0xFFFFFFF0]  }
0xde: {  	v7 =	vadd.s32 $0x11800, v7;
	v25 =	vmul.f32 v25, v18;
	v28 =	vor.u32 v8, v28  }
0xdf: {  	v9 =	vld.idx.msk [tilespmem:v9+s2+$0x0], $0xffff;
	v30 =	vadd.s32 $0x5000, v16;
	v13 =	vmul.f32 v13, v18;
	v7 =	vand.u32 $0x7FFF8, v7  }
0xe0: {  	v20 =	vand.u32 $0x7FFF8, v20;
	v7 =	vor.u32 v8, v7;
	[tilespmem:v26+s21+$0x0] =	vst.idx.add.f32.msk $0xffff, v25;
	v8 =	vunpack.i.l.bf16.f32 v15  }
0xe1: {  	[tilespmem:v22+s21+$0x0] =	vst.idx.add.f32.msk $0xffff, v13;
	v13 =	vunpack.i.u.bf16.f32 v24;
	v24 =	vunpack.i.l.bf16.f32 v24;
	v8 =	vmul.f32 v8, v5  }
0xe2: {  	v12 =	vadd.s32 $0x7800, v11;
	v25 =	vadd.s32 $0x2800, v16;
	v22 =	vld.idx.msk [tilespmem:v27+s2+$0x0], $0xffff;
	v24 =	vmul.f32 v24, v4  }
0xe3: {  	v20 =	vor.u32 v23, v20;
	v12 =	vand.u32 $0x7FFF8, v12;
	v27 =	vadd.s32 $0x5000, v26;
	[tilespmem:v28+s21+$0x0] =	vst.idx.add.f32.msk $0xffff, v8  }
0xe4: {  	s23 =	simm.s32 $0x1EB50;
	v15 =	vunpack.i.u.bf16.f32 v15;
	v13 =	vmul.f32 v13, v4;
	v27 =	vand.u32 $0x7FFF8, v27;
	[tilespmem:v11+s21+$0x0] =	vst.idx.add.f32.msk $0xffff, v24  }
0xe5: {  	v5 =	vmul.f32 v15, v5;
	v8 =	vor.u32 v19, v27;
	v27 =	vand.u32 $0x7FFF8, v29;
	v29 =	vld [tilespmem:s23+$0x0]  }
0xe6: {  	v15 =	vunpack.i.u.bf16.f32 v9;
	v9 =	vunpack.i.l.bf16.f32 v9;
	v24 =	vor.u32 v19, v27;
	[tilespmem:v6+s21+$0x0] =	vst.idx.add.f32.msk $0xffff, v13  }
0xe7: {  	v12 =	vor.u32 v23, v12;
	v9 =	vmul.f32 v9, v1;
	v25 =	vld.idx.msk [tilespmem:v25+s2+$0x0], $0xffff;
	v6 =	vunpack.i.l.bf16.f32 v22  }
0xe8: {  	v13 =	vadd.s32 $0x5000, v21;
	[tilespmem:v7+s21+$0x0] =	vst.idx.add.f32.msk $0xffff, v5;
	v22 =	vunpack.i.u.bf16.f32 v22;
	v6 =	vmul.f32 v6, v18  }
0xe9: {  	v15 =	vmul.f32 v15, v1;
	v28 =	vadd.s32 $0xC800, v11;
	[tilespmem:v10+s21+$0x0] =	vst.idx.add.f32.msk $0xffff, v9;
	v22 =	vmul.f32 v22, v18  }
0xea: {  	v27 =	vadd.s32 $0xA000, v11;
	v28 =	vand.u32 $0x7FFF8, v28;
	v7 =	vadd.s32 $0xA000, v26;
	[tilespmem:v8+s21+$0x0] =	vst.idx.add.f32.msk $0xffff, v6  }
0xeb: {  	v10 =	vadd.s32 $0xC800, v26;
	v27 =	vand.u32 $0x7FFF8, v27;
	v6 =	vadd.s32 $0x7800, v16;
	[tilespmem:v24+s21+$0x0] =	vst.idx.add.f32.msk $0xffff, v22  }
0xec: {  	v16 =	vadd.s32 $0xF000, v11;
	v11 =	vadd.s32 $0x11800, v11;
	v22 =	vld [tilespmem:s23+$0xFFFFFFF0];
	v24 =	vunpack.i.u.bf16.f32 v25  }
0xed: {  	v25 =	vunpack.i.l.bf16.f32 v25;
	v5 =	vand.u32 $0x7FFF8, v11;
	v11 =	vand.u32 $0x3FFF, v29;
	v13 =	vld.idx.msk [tilespmem:v13+s2+$0x0], $0xffff  }
0xee: {  	[tilespmem:v14+s21+$0x0] =	vst.idx.add.f32.msk $0xffff, v15;
	v14 =	vand.u32 $0x7FFF8, v7;
	v31 =	vor.u32 v23, v27;
	v25 =	vmul.f32 v25, v4  }
0xef: {  	v8 =	vor.u32 v23, v28;
	v16 =	vand.u32 $0x7FFF8, v16;
	v9 =	vmul.f32 v24, v4  }
0xf0: {  	v10 =	vand.u32 $0x7FFF8, v10;
	v7 =	vor.u32 v23, v16;
	v16 =	vor.u32 v19, v14;
	[tilespmem:v20+s21+$0x0] =	vst.idx.add.f32.msk $0xffff, v25  }
0xf1: {  	v5 =	vor.u32 v23, v5;
	v23 =	vor.u32 v19, v10;
	[tilespmem:v12+s21+$0x0] =	vst.idx.add.f32.msk $0xffff, v9  }
0xf2: {  	v20 =	vadd.s32 $0x7800, v21;
	v15 =	vand.u32 $0x3FFF, v22;
	v21 =	vld.idx.msk [tilespmem:v11+s2+$0x0], $0xffff;
	v10 =	vunpack.i.l.bf16.f32 v13  }
0xf3: {  	s1 =	simm.s32 $0x1F0D0;
	v14 =	vshrl.u32 v22, $0xE;
	v30 =	vld.idx.msk [tilespmem:v30+s2+$0x0], $0xffff;
	v9 =	vunpack.i.u.bf16.f32 v13;
	v13 =	vmul.f32 v10, v18  }
0xf4: {  	v28 =	vadd.s32 $0xF000, v26;
	v12 =	vadd.s32 $0x2800, v14;
	v22 =	vmul.f32 v9, v18;
	v9 =	vld [tilespmem:s1+$0x0]  }
0xf5: {  	v26 =	vadd.s32 $0x11800, v26;
	v24 =	vand.u32 $0x7FFF8, v12;
	v12 =	vshrl.u32 v29, $0xE;
	[tilespmem:v16+s21+$0x0] =	vst.idx.add.f32.msk $0xffff, v13  }
0xf6: {  	v28 =	vand.u32 $0x7FFF8, v28;
	v33 =	vadd.s32 $0x2800, v11;
	v25 =	vadd.s32 $0x2800, v12;
	[tilespmem:v23+s21+$0x0] =	vst.idx.add.f32.msk $0xffff, v22  }
0xf7: {  	v28 =	vor.u32 v19, v28;
	v13 =	vand.u32 $0x7, v12;
	v23 =	vand.u32 $0x7FFF8, v25;
	v29 =	vld.idx.msk [tilespmem:v15+s2+$0x0], $0xffff  }
0xf8: {  	v27 =	vadd.s32 $0x2800, v15;
	v10 =	vand.u32 $0x7, v14;
	v25 =	vld.idx.msk [tilespmem:v20+s2+$0x0], $0xffff;
	v23 =	vor.u32 v13, v23  }
0xf9: {  	v24 =	vor.u32 v10, v24;
	v16 =	vadd.s32 $0x5000, v14;
	v32 =	vunpack.i.l.bf16.f32 v21  }
0xfa: {  	v21 =	vunpack.i.u.bf16.f32 v21;
	v20 =	vand.u32 $0x7FFF8, v16;
	v16 =	vld [tilespmem:s1+$0xFFFFFFF0];
	v32 =	vmul.f32 v32, v9  }
0xfb: {  	v22 =	vadd.s32 $0x7800, v14;
	v34 =	vmul.f32 v21, v9;
	v21 =	vand.u32 $0x7FFF8, v26  }
0xfc: {  	v62 =	vunpack.i.u.bf16.f32 v30;
	v22 =	vand.u32 $0x7FFF8, v22;
	v26 =	vor.u32 v19, v21;
	[tilespmem:v12+s21+$0x0] =	vst.idx.add.f32.msk $0xffff, v32  }
0xfd: {  	v21 =	vor.u32 v10, v22;
	v22 =	vunpack.i.l.bf16.f32 v25;
	[tilespmem:v23+s21+$0x0] =	vst.idx.add.f32.msk $0xffff, v34;
	v23 =	vunpack.i.u.bf16.f32 v29  }
0xfe: {  	v17 =	vld.idx.msk [tilespmem:v17+s2+$0x0], $0xffff;
	v25 =	vunpack.i.u.bf16.f32 v25;
	v29 =	vunpack.i.l.bf16.f32 v29;
	v22 =	vmul.f32 v22, v18  }
0xff: {  	v20 =	vor.u32 v10, v20;
	v32 =	vld.idx.msk [tilespmem:v33+s2+$0x0], $0xffff;
	v18 =	vmul.f32 v25, v18;
	v25 =	vmul.f32 v29, v16  }
0x100: {  	v19 =	vadd.s32 $0x5000, v15;
	v23 =	vmul.f32 v23, v16;
	v29 =	vadd.s32 $0x5000, v12;
	[tilespmem:v28+s21+$0x0] =	vst.idx.add.f32.msk $0xffff, v22  }
0x101: {  	v22 =	vand.u32 $0x7FFF8, v29;
	v28 =	vadd.s32 $0x7800, v12;
	v29 =	vunpack.i.l.bf16.f32 v30;
	[tilespmem:v14+s21+$0x0] =	vst.idx.add.f32.msk $0xffff, v25  }
0x102: {  	[tilespmem:v26+s21+$0x0] =	vst.idx.add.f32.msk $0xffff, v18;
	v18 =	vadd.s32 $0xA000, v14;
	v25 =	vor.u32 v13, v22;
	v22 =	vand.u32 $0x7FFF8, v28  }
0x103: {  	[tilespmem:v24+s21+$0x0] =	vst.idx.add.f32.msk $0xffff, v23;
	v23 =	vadd.s32 $0xC800, v14;
	v63 =	vmul.f32 v29, v4;
	v26 =	vor.u32 v13, v22  }
0x104: {  	v24 =	vld.idx.msk [tilespmem:v27+s2+$0x0], $0xffff;
	v27 =	vadd.s32 $0x5000, v11;
	v22 =	vmul.f32 v62, v4;
	v29 =	vunpack.i.l.bf16.f32 v32  }
0x105: {  	s16 =	simm.s32 $0x40;
	s17 =	simm.s32 $0x1EB70;
	v28 =	vand.u32 $0x7FFF8, v18;
	v30 =	vunpack.i.u.bf16.f32 v32;
	[tilespmem:v31+s21+$0x0] =	vst.idx.add.f32.msk $0xffff, v63;
	v29 =	vmul.f32 v29, v9  }
.LBB2_7:
0x106: {  	v31 =	vld [tilespmem:s17+$0x0];
	v18 =	vor.u32 v10, v28;
	v23 =	vand.u32 $0x7FFF8, v23;
	v28 =	vmul.f32 v30, v9  }
0x107: {  	v15 =	vadd.s32 $0x7800, v15;
	v23 =	vor.u32 v10, v23;
	[tilespmem:v25+s21+$0x0] =	vst.idx.add.f32.msk $0xffff, v29;
	v25 =	vunpack.i.u.bf16.f32 v17  }
0x108: {  	v29 =	vadd.s32 $0xF000, v14;
	v14 =	vadd.s32 $0x11800, v14;
	v17 =	vunpack.i.l.bf16.f32 v17;
	[tilespmem:v26+s21+$0x0] =	vst.idx.add.f32.msk $0xffff, v28  }
0x109: {  	v26 =	vand.u32 $0x7FFF8, v29;
	v28 =	vmul.f32 v17, v1;
	v25 =	vmul.f32 v25, v1;
	v1 =	vmovc v4;
	v27 =	vld.idx.msk [tilespmem:v27+s2+$0x0], $0xffff  }
0x10a: {  	s16 =	sadd.s32 $0x20, s16;
	v14 =	vand.u32 $0x7FFF8, v14;
	v4 =	vmovc v16;
	v17 =	vunpack.i.u.bf16.f32 v24;
	v24 =	vunpack.i.l.bf16.f32 v24;
	v29 =	vld [tilespmem:s17+$0xFFFFFFF0]  }
0x10b: {  	v30 =	vadd.s32 $0xA000, v12;
	p0 =	slt.u32 s16, $0x560;
	v24 =	vmul.f32 v24, v4;
	v16 =	vand.u32 $0x3FFF, v31;
	[tilespmem:v8+s21+$0x0] =	vst.idx.add.f32.msk $0xffff, v22;
	v8 =	vmovc v23  }
0x10c: {  	v22 =	vmul.f32 v17, v4;
	v23 =	vand.u32 $0x7FFF8, v30;
	v30 =	vadd.s32 $0xC800, v12;
	v17 =	vld.idx.msk [tilespmem:v6+s2+$0x0], $0xffff;
	v6 =	vmovc v15  }
0x10d: {  	v15 =	vand.u32 $0x7FFF8, v30;
	[tilespmem:v20+s21+$0x0] =	vst.idx.add.f32.msk $0xffff, v24;
	v24 =	vor.u32 v10, v26;
	v20 =	vor.u32 v13, v23  }
0x10e: {  	[tilespmem:v21+s21+$0x0] =	vst.idx.add.f32.msk $0xffff, v22;
	v22 =	vor.u32 v10, v14;
	v21 =	vor.u32 v13, v15  }
0x10f: {  	v10 =	vunpack.i.l.bf16.f32 v27;
	v15 =	vand.u32 $0x3FFF, v29;
	v23 =	vld.idx.msk [tilespmem:v19+s2+$0x0], $0xffff;
	v19 =	vadd.s32 $0x7800, v11;
	v11 =	vmovc v16  }
0x110: {  	s1 =	sadd.s32 $0x20, s1;
	v14 =	vshrl.u32 v29, $0xE;
	v26 =	vld.idx.msk [tilespmem:v16+s2+$0x0], $0xffff;
	v16 =	vunpack.i.u.bf16.f32 v27;
	v27 =	vmul.f32 v10, v9  }
0x111: {  	v10 =	vand.u32 $0x7, v14;
	v29 =	vadd.s32 $0x2800, v14;
	v30 =	vld [tilespmem:s1+$0x0];
	v16 =	vmul.f32 v16, v9  }
0x112: {  	v31 =	vshrl.u32 v31, $0xE;
	v32 =	vadd.s32 $0x2800, v15;
	v29 =	vand.u32 $0x7FFF8, v29;
	[tilespmem:v20+s21+$0x0] =	vst.idx.add.f32.msk $0xffff, v27  }
0x113: {  	v27 =	vor.u32 v10, v29;
	v20 =	vadd.s32 $0x5000, v14;
	v29 =	vadd.s32 $0x2800, v31;
	[tilespmem:v21+s21+$0x0] =	vst.idx.add.f32.msk $0xffff, v16  }
0x114: {  	v33 =	vand.u32 $0x7, v31;
	v21 =	vadd.s32 $0x7800, v14;
	v16 =	vand.u32 $0x7FFF8, v29;
	v29 =	vld.idx.msk [tilespmem:v19+s2+$0x0], $0xffff  }
0x115: {  	v19 =	vand.u32 $0x7FFF8, v20;
	v35 =	vor.u32 v33, v16;
	v20 =	vadd.s32 $0xF000, v12;
	v34 =	vld.idx.msk [tilespmem:v15+s2+$0x0], $0xffff  }
0x116: {  	v38 =	vadd.s32 $0x11800, v12;
	v37 =	vadd.s32 $0x2800, v11;
	v12 =	vmovc v31;
	v36 =	vunpack.i.l.bf16.f32 v26;
	v16 =	vld [tilespmem:s1+$0xFFFFFFF0]  }
0x117: {  	v26 =	vunpack.i.u.bf16.f32 v26;
	v20 =	vand.u32 $0x7FFF8, v20;
	v36 =	vmul.f32 v36, v30;
	[tilespmem:v2+s21+$0x0] =	vst.idx.add.f32.msk $0xffff, v28;
	v2 =	vmovc v7  }
0x118: {  	v39 =	vmul.f32 v26, v30;
	v26 =	vor.u32 v13, v20;
	v28 =	vand.u32 $0x7FFF8, v38;
	[tilespmem:v3+s21+$0x0] =	vst.idx.add.f32.msk $0xffff, v25  }
0x119: {  	v20 =	vor.u32 v10, v19;
	v38 =	vand.u32 $0x7FFF8, v21;
	v25 =	vor.u32 v13, v28;
	[tilespmem:v31+s21+$0x0] =	vst.idx.add.f32.msk $0xffff, v36  }
0x11a: {  	v19 =	vadd.s32 $0x5000, v15;
	v7 =	vmovc v24;
	v21 =	vor.u32 v10, v38;
	[tilespmem:v35+s21+$0x0] =	vst.idx.add.f32.msk $0xffff, v39;
	v35 =	vunpack.i.l.bf16.f32 v29  }
0x11b: {  	v3 =	vmovc v5;
	v5 =	vmovc v22;
	v24 =	vunpack.i.u.bf16.f32 v29;
	v36 =	vunpack.i.u.bf16.f32 v34;
	v31 =	vld.idx.msk [tilespmem:v37+s2+$0x0], $0xffff;
	v28 =	vmul.f32 v35, v9  }
0x11c: {  	v13 =	vmovc v33;
	v22 =	vunpack.i.l.bf16.f32 v34;
	v24 =	vmul.f32 v24, v9;
	v29 =	vmul.f32 v36, v16;
	v9 =	vmovc v30  }
0x11d: {  	v33 =	vunpack.i.u.bf16.f32 v23;
	v22 =	vmul.f32 v22, v16;
	v30 =	vadd.s32 $0x5000, v12;
	[tilespmem:v26+s21+$0x0] =	vst.idx.add.f32.msk $0xffff, v28  }
.Ltmp2:
0x11e: {  	v26 =	vand.u32 $0x7FFF8, v30;
	v28 =	vadd.s32 $0x7800, v12;
	v30 =	vunpack.i.l.bf16.f32 v23;
	[tilespmem:v25+s21+$0x0] =	vst.idx.add.f32.msk $0xffff, v24;
	(pc) =	sbr.rel @p0 .LBB2_7-.Ltmp2, $4  }
0x11f: {  	v34 =	vadd.s32 $0xA000, v14;
	v25 =	vor.u32 v13, v26;
	[tilespmem:v14+s21+$0x0] =	vst.idx.add.f32.msk $0xffff, v22;
	v22 =	vand.u32 $0x7FFF8, v28  }
0x120: {  	v23 =	vadd.s32 $0xC800, v14;
	v35 =	vmul.f32 v30, v4;
	[tilespmem:v27+s21+$0x0] =	vst.idx.add.f32.msk $0xffff, v29;
	v26 =	vor.u32 v13, v22  }
0x121: {  	v29 =	vunpack.i.l.bf16.f32 v31;
	v27 =	vadd.s32 $0x5000, v11;
	v22 =	vmul.f32 v33, v4;
	v24 =	vld.idx.msk [tilespmem:v32+s2+$0x0], $0xffff  }
0x122: {  	s17 =	sadd.s32 $0x20, s17;
	v28 =	vand.u32 $0x7FFF8, v34;
	v30 =	vunpack.i.u.bf16.f32 v31;
	v29 =	vmul.f32 v29, v9;
	[tilespmem:v18+s21+$0x0] =	vst.idx.add.f32.msk $0xffff, v35  }
0x123: {  	_ =	sdelay $0x2  }
0x124: {  	v18 =	vmul.f32 v30, v9  }
0x125: {  	[tilespmem:v25+s21+$0x0] =	vst.idx.add.f32.msk $0xffff, v29  }
0x126: {  	[tilespmem:v26+s21+$0x0] =	vst.idx.add.f32.msk $0xffff, v18;
	v38 =	vunpack.i.l.bf16.f32 v24  }
0x127: {  	v25 =	vld.idx.msk [tilespmem:v27+s2+$0x0], $0xffff;
	v39 =	vunpack.i.u.bf16.f32 v24;
	v18 =	vmul.f32 v38, v16  }
0x128: {  	v40 =	vadd.s32 $0xA000, v12;
	v24 =	vmul.f32 v39, v16  }
0x129: {  	v41 =	vadd.s32 $0xC800, v12;
	v26 =	vand.u32 $0x7FFF8, v40;
	[tilespmem:v20+s21+$0x0] =	vst.idx.add.f32.msk $0xffff, v18  }
0x12a: {  	v43 =	vand.u32 $0x7FFF8, v41;
	v42 =	vor.u32 v13, v26;
	[tilespmem:v21+s21+$0x0] =	vst.idx.add.f32.msk $0xffff, v24  }
0x12b: {  	v20 =	vor.u32 v13, v43;
	v19 =	vld.idx.msk [tilespmem:v19+s2+$0x0], $0xffff  }
0x12c: {  	v11 =	vadd.s32 $0x7800, v11;
	v44 =	vunpack.i.l.bf16.f32 v25  }
0x12d: {  	v45 =	vunpack.i.u.bf16.f32 v25;
	v21 =	vmul.f32 v44, v9  }
0x12e: {  	v46 =	vor.u32 v10, v28;
	v23 =	vand.u32 $0x7FFF8, v23;
	[tilespmem:v8+s21+$0x0] =	vst.idx.add.f32.msk $0xffff, v22;
	v47 =	vmul.f32 v45, v9  }
0x12f: {  	v48 =	vor.u32 v10, v23;
	[tilespmem:v42+s21+$0x0] =	vst.idx.add.f32.msk $0xffff, v21  }
0x130: {  	v15 =	vadd.s32 $0x7800, v15;
	[tilespmem:v20+s21+$0x0] =	vst.idx.add.f32.msk $0xffff, v47;
	v49 =	vunpack.i.l.bf16.f32 v19  }
0x131: {  	v11 =	vld.idx.msk [tilespmem:v11+s2+$0x0], $0xffff;
	v50 =	vunpack.i.u.bf16.f32 v19;
	v8 =	vmul.f32 v49, v16  }
0x132: {  	v51 =	vunpack.i.u.bf16.f32 v17;
	v52 =	vadd.s32 $0xF000, v12;
	v6 =	vld.idx.msk [tilespmem:v6+s2+$0x0], $0xffff;
	v18 =	vmul.f32 v50, v16  }
0x133: {  	v53 =	vadd.s32 $0xF000, v14;
	v54 =	vadd.s32 $0x11800, v12;
	v20 =	vand.u32 $0x7FFF8, v52;
	[tilespmem:v46+s21+$0x0] =	vst.idx.add.f32.msk $0xffff, v8  }
0x134: {  	v55 =	vunpack.i.l.bf16.f32 v17;
	v12 =	vand.u32 $0x7FFF8, v54;
	v56 =	vor.u32 v13, v20;
	[tilespmem:v48+s21+$0x0] =	vst.idx.add.f32.msk $0xffff, v18  }
0x135: {  	v57 =	vadd.s32 $0x11800, v14;
	v12 =	vor.u32 v13, v12;
	v8 =	vmul.f32 v55, v1;
	v58 =	vld.idx.msk [tilespmem:v15+s2+$0x0], $0xffff  }
0x136: {  	v59 =	vand.u32 $0x7FFF8, v53;
	v1 =	vmul.f32 v51, v1;
	v60 =	vunpack.i.l.bf16.f32 v11  }
0x137: {  	v14 =	vand.u32 $0x7FFF8, v57;
	[tilespmem:v2+s21+$0x0] =	vst.idx.add.f32.msk $0xffff, v8;
	v2 =	vunpack.i.u.bf16.f32 v11;
	v61 =	vmul.f32 v60, v9  }
0x138: {  	s0 =	sadd.s32 $0x1, s0;
	v62 =	vor.u32 v10, v59;
	[tilespmem:v3+s21+$0x0] =	vst.idx.add.f32.msk $0xffff, v1;
	v1 =	vmul.f32 v2, v9;
	v2 =	vunpack.i.l.bf16.f32 v6  }
0x139: {  	p0 =	sne.s32 s0, $0x39;
	v3 =	vor.u32 v10, v14;
	v6 =	vunpack.i.u.bf16.f32 v6;
	v2 =	vmul.f32 v2, v4;
	[tilespmem:v56+s21+$0x0] =	vst.idx.add.f32.msk $0xffff, v61  }
.Ltmp3:
0x13a: {  	[tilespmem:v12+s21+$0x0] =	vst.idx.add.f32.msk $0xffff, v1;
	v1 =	vmul.f32 v6, v4;
	v63 =	vunpack.i.l.bf16.f32 v58;
	(pc) =	sbr.rel @p0 .LBB2_4-.Ltmp3, $4  }
0x13b: {  	[tilespmem:v7+s21+$0x0] =	vst.idx.add.f32.msk $0xffff, v2;
	v2 =	vunpack.i.u.bf16.f32 v58;
	v4 =	vmul.f32 v63, v16  }
0x13c: {  	[tilespmem:v5+s21+$0x0] =	vst.idx.add.f32.msk $0xffff, v1;
	v1 =	vmul.f32 v2, v16  }
0x13d: {  	[tilespmem:v62+s21+$0x0] =	vst.idx.add.f32.msk $0xffff, v4  }
0x13e: {  	[tilespmem:v3+s21+$0x0] =	vst.idx.add.f32.msk $0xffff, v1  }
0x13f: {  	[hbm4b:s6+s2] =	stream.linear.scatter [tilespmem:s21], [sflag:$0x3], $0x2800, $0x38;
	[tilespmem:$0x1F600] =	vst v63  }
0x140: {  	_ =	swait.ge [sflag:s15], $0x2800  }
0x141: {  	[sflag:s15] =	ssyncset.done $0x0  }
0x142: {  	s0 =	simm.s32 $0xC800;
	[sflag:s15] =	ssyncadd.s32 $0xFFFFD800  }
0x143: {  	[hbm4b:s7+s2] =	stream.linear.scatter [tilespmem:s0], [sflag:$0x3], $0x2800, $0x38;
	[tilespmem:$0x1F600] =	vst v63  }
0x144: {  	_ =	swait.ge [sflag:s15], $0x2800  }
0x145: {  	[sflag:s15] =	ssyncset.done $0x0  }
0x146: {  	[sflag:s15] =	ssyncadd.s32 $0xFFFFD800  }
0x147: {  	[hbm4b:s8+s2] =	stream.linear.scatter [tilespmem:s24], [sflag:$0x3], $0x2800, $0x38;
	[tilespmem:$0x1F600] =	vst v63  }
0x148: {  	_ =	swait.ge [sflag:s15], $0x2800  }
0x149: {  	[sflag:s15] =	ssyncset.done $0x0  }
0x14a: {  	[sflag:s15] =	ssyncadd.s32 $0xFFFFD800  }
0x14b: {  	[hbm4b:s9+s2] =	stream.linear.scatter [tilespmem:s25], [sflag:$0x3], $0x2800, $0x38;
	[tilespmem:$0x1F600] =	vst v63  }
0x14c: {  	_ =	swait.ge [sflag:s15], $0x2800  }
0x14d: {  	[sflag:s15] =	ssyncset.done $0x0  }
0x14e: {  	[sflag:s15] =	ssyncadd.s32 $0xFFFFD800  }
0x14f: {  	[hbm4b:s10+s2] =	stream.linear.scatter [tilespmem:s26], [sflag:$0x3], $0x2800, $0x38;
	[tilespmem:$0x1F600] =	vst v63  }
0x150: {  	_ =	swait.ge [sflag:s15], $0x2800  }
0x151: {  	[sflag:s15] =	ssyncset.done $0x0  }
0x152: {  	[sflag:s15] =	ssyncadd.s32 $0xFFFFD800  }
0x153: {  	[hbm4b:s11+s2] =	stream.linear.scatter [tilespmem:s28], [sflag:$0x3], $0x2800, $0x38;
	[tilespmem:$0x1F600] =	vst v63  }
0x154: {  	_ =	swait.ge [sflag:s15], $0x2800  }
0x155: {  	[sflag:s15] =	ssyncset.done $0x0  }
0x156: {  	[sflag:s15] =	ssyncadd.s32 $0xFFFFD800  }
0x157: {  	[hbm4b:s12+s2] =	stream.linear.scatter [tilespmem:s29], [sflag:$0x3], $0x2800, $0x38;
	[tilespmem:$0x1F600] =	vst v63  }
0x158: {  	s31 =	sadd.s32 $0x1, s31;
	_ =	swait.ge [sflag:s15], $0x2800  }
0x159: {  	p0 =	sne.s32 s31, s14;
	[sflag:s15] =	ssyncset.done $0x0  }
.Ltmp4:
0x15a: {  	[sflag:s15] =	ssyncadd.s32 $0xFFFFD800;
	(pc) =	sbr.rel @p0 .LBB2_1-.Ltmp4, $4  }
0x15b: {  	[hbm4b:s13+s2] =	stream.linear.scatter [tilespmem:s30], [sflag:$0x3], $0x2800, $0x38;
	[tilespmem:$0x1F600] =	vst v63  }
0x15c: {  	_ =	swait.ge [sflag:s15], $0x2800  }
0x15d: {  	[sflag:s15] =	ssyncset.done $0x0  }
0x15e: {  	[sflag:s15] =	ssyncadd.s32 $0xFFFFD800  }
0x15f: {  	_ =	sfence.sel $0x180000  }
0x160: {  	[bflag:$0x0] =	sbarrier.arrive $0xFFFF  }
0x161: {  	_ =	strace $0x9000004D  }
0x162: {  	s0 =	stileid.u32;
	[bflag:$0x2] =	sbarrier.arrive $0xFFFF  }
0x163: {  	p0 =	sne.s32 s0, $0x0;
	s0 =	rddreg [dreg:$0x2]  }
0x164: {  	s0 =	sadd.s32 @!p0 $0x100000, s0  }
0x165: {  	[sflag:s0] =	ssyncadd.tile.s32 @!p0 $0x1;
	_ =	shalt  }
.Lfunc_end2:
_tile_overlayer_lowered:
.L_overlay_start_2:
0x166: {  	(tag) =	ssettag $0x2  }
0x167: {  	s0 =	rddreg [dreg:$0x0];
	s2 =	stileid.u32  }
0x168: {  	s1 =	rddreg [dreg:$0x1];
	p0 =	sne.s32 s2, $0x0  }
0x169: {  	s3 =	rddreg [dreg:$0x2];
	[bflag:$0x3] =	sbarrier.arrive $0xFFFF;
	s2 =	simm.s32 @!p0 $0x1C03  }
0x16a: {  	[timem:s3], [sflag:s2] =	dma.local @!p0 [hbm:s0], s1  }
0x16b: {  	s0 =	simm.s32 @!p0 $0x3  }
0x16c: {  	_ =	swait.ge @!p0 [sflag:s0], s1  }
0x16d: {  	s1 =	ssub.s32 @!p0 $0x0, s1;
	[sflag:s0] =	ssyncset.done @!p0 $0x0  }
0x16e: {  	[sflag:s0] =	ssyncadd.s32 @!p0 s1  }
0x16f: {  	[bflag:$0x3] =	sbarrier.arrive $0xFFFF  }
0x170: {  	_ =	shalt  }

// kernel: kernel.8.cloned.1.call-start
scs
__scs_entry_jumppad:
0x0: {  	(pc) =	sbr.rel $0x88, $3  }
0x1: {  	(tag) =	ssettag $0x0;
	lr =	simm.s32 $0x1  }
0x2: {  	[smem:$0x3F99] =	sst lr;
	_ =	strace $0xD0000000  }
0x3: {  	_ = 	snop  }
0x4: {  	_ = 	snop  }
0x5: {  	_ = 	snop  }
0x6: {  	_ = 	snop  }
0x7: {  	_ = 	snop  }
__scs_overlays_trampoline_lowered:
0x8: {  	[smem:$0x3FA8] =	sst s0  }
0x9: {  	[smem:$0x3FA9] =	sst s1  }
0xa: {  	[smem:$0x3FAA] =	sst s2  }
0xb: {  	[smem:$0x3FAB] =	sst s3  }
0xc: {  	[smem:$0x3FAC] =	sst s4  }
0xd: {  	[smem:$0x3FAD] =	sst s5  }
0xe: {  	[smem:$0x3FAE] =	sst s6  }
0xf: {  	[smem:$0x3FAF] =	sst s7  }
0x10: {  	[smem:$0x3FB0] =	sst s8  }
0x11: {  	[smem:$0x3FB1] =	sst s9;
	s0 =	simm.s32 @!p0 $0x0  }
0x12: {  	s1 =	sld [smem:$0x3F97];
	s0 =	simm.s32 @p0 $0x1  }
0x13: {  	[smem:$0x3FB2] =	sst s0;
	s0 =	simm.s32 @!p1 $0x0  }
0x14: {  	s2 =	sld [smem:$0x3F96];
	s0 =	simm.s32 @p1 $0x1  }
0x15: {  	[smem:$0x3FB3] =	sst s0;
	s0 =	simm.s32 @!p2 $0x0  }
0x16: {  	s3 =	sld [smem:$0x3FDB];
	s0 =	simm.s32 @p2 $0x1  }
0x17: {  	s4 =	simm.s32 $0x1BF5;
	[smem:$0x3FB5] =	sst s0  }
0x18: {  	s0 =	sld [smem:$0x3F98];
	_ =	swait.ge [sflag:s4], $0x0  }
0x19: {  	s7 =	sld [smem:$0x3F99]  }
0x1a: {  	s8 =	sadd.s32 $0xFFFFE003, lr  }
0x1b: {  	s9 =	sadd.s32 $0xFFFFFEF7, lr;
	s5 =	simm.s32 $0xFFFFFFFF;
	p2 =	slt.u32 s8, $0xFFFFF086  }
0x1c: {  	p1 =	slt.u32 s9, $0xF7A;
	s5 =	simm.s32 @!p2 $0x0  }
0x1d: {  	s5 =	simm.s32 @p1 $0x1;
	p0 =	seq.s32 s7, s2  }
0x1e: {  	s7 =	smul.u32 @!p0 $0xF7A, s2;
	p2 =	seq.s32 @!p0 s5, $0x0  }
0x1f: {  	s9 =	smul.u32 $0xF7A, s1;
	s8 =	simm.s32 @!p0 $0x1BF5;
	p2 =	por !p2, p0  }
0x20: {  	[sflag:s8] =	ssyncset.s32 @!p0 $0xFFFFF086;
	s6 =	sadd.s32 @!p0 s3, s7;
	s7 =	simm.s32 @!p0 $0x108  }
0x21: {  	s3 =	sadd.s32 s3, s9;
	s6 =	sadd.s32 @!p0 $0x88, s6;
	s7 =	simm.s32 @p2 $0x1082  }
0x22: {  	[simem:s7], [sflag:s8] =	dma.local @!p0 [hbm:s6], $0xF7A  }
0x23: {  	s9 =	sor.u32 $0xD0000000, s2;
	s6 =	simm.s32 $0x108;
	_ =	swait.ge @!p0 [sflag:s8], $0x0  }
0x24: {  	s3 =	sadd.s32 $0x88, s3;
	s6 =	simm.s32 @!p1 $0x1082;
	[sflag:s4] =	ssyncset.s32 $0xFFFFF086  }
0x25: {  	[simem:s6], [sflag:s4] =	dma.local [hbm:s3], $0xF7A  }
0x26: {  	[smem:$0x3F99] =	sst s1;
	(tag) =	ssettag s2;
	_ =	strace s9  }
0x27: {  	s1 =	sld [smem:$0x3FA9]  }
0x28: {  	s2 =	sld [smem:$0x3FAA]  }
0x29: {  	s4 =	sld [smem:$0x3FAC]  }
0x2a: {  	p0 =	seq.s32 s5, $0x0;
	s5 =	sld [smem:$0x3FAD]  }
0x2b: {  	s6 =	sld [smem:$0x3FAE]  }
0x2c: {  	s7 =	sld [smem:$0x3FAF]  }
0x2d: {  	s3 =	simm.s32 $0x108;
	s8 =	sld [smem:$0x3FB0]  }
0x2e: {  	s3 =	simm.s32 @!p0 $0x1082;
	s9 =	sld [smem:$0x3FB1]  }
0x2f: {  	lr =	sadd.s32 s0, s3;
	s0 =	sld [smem:$0x3FA8]  }
0x30: {  	s3 =	sld [smem:$0x3FAB]  }
0x31: {  	[smem:$0x3FB4] =	sst s10  }
0x32: {  	s10 =	sld [smem:$0x3FB2];
	_ =	sdelay $0x3  }
0x33: {  	p0 =	seq.s32 s10, $0x1;
	s10 =	sld [smem:$0x3FB4];
	_ =	sdelay $0x3  }
0x34: {  	[smem:$0x3FB4] =	sst s10  }
0x35: {  	s10 =	sld [smem:$0x3FB3];
	_ =	sdelay $0x3  }
0x36: {  	p1 =	seq.s32 s10, $0x1;
	s10 =	sld [smem:$0x3FB4];
	_ =	sdelay $0x3  }
0x37: {  	[smem:$0x3FB4] =	sst s10  }
0x38: {  	s10 =	sld [smem:$0x3FB5]  }
0x39: {  	_ = 	snop;
	(pc) =	sbr.ind lr, $3  }
0x3a: {  	_ = 	snop  }
0x3b: {  	_ = 	snop  }
0x3c: {  	p2 =	seq.s32 s10, $0x1;
	s10 =	sld [smem:$0x3FB4]  }
0x3d: {  	_ =	shalt  }
0x3e: {  	_ =	shalt  }
0x3f: {  	_ =	shalt  }
0x40: {  	_ =	shalt  }
0x41: {  	_ =	shalt  }
0x42: {  	_ =	shalt  }
0x43: {  	_ =	shalt  }
0x44: {  	_ =	shalt  }
0x45: {  	_ =	shalt  }
0x46: {  	_ =	shalt  }
0x47: {  	_ =	shalt  }
0x48: {  	_ =	shalt  }
0x49: {  	_ =	shalt  }
0x4a: {  	_ =	shalt  }
0x4b: {  	_ =	shalt  }
0x4c: {  	_ =	shalt  }
0x4d: {  	_ =	shalt  }
0x4e: {  	_ =	shalt  }
0x4f: {  	_ =	shalt  }
0x50: {  	_ =	shalt  }
0x51: {  	_ =	shalt  }
0x52: {  	_ =	shalt  }
0x53: {  	_ =	shalt  }
0x54: {  	_ =	shalt  }
0x55: {  	_ =	shalt  }
0x56: {  	_ =	shalt  }
0x57: {  	_ =	shalt  }
0x58: {  	_ =	shalt  }
0x59: {  	_ =	shalt  }
0x5a: {  	_ =	shalt  }
0x5b: {  	_ =	shalt  }
0x5c: {  	_ =	shalt  }
0x5d: {  	_ =	shalt  }
0x5e: {  	_ =	shalt  }
0x5f: {  	_ =	shalt  }
0x60: {  	_ =	shalt  }
0x61: {  	_ =	shalt  }
0x62: {  	_ =	shalt  }
0x63: {  	_ =	shalt  }
0x64: {  	_ =	shalt  }
0x65: {  	_ =	shalt  }
0x66: {  	_ =	shalt  }
0x67: {  	_ =	shalt  }
0x68: {  	_ =	shalt  }
0x69: {  	_ =	shalt  }
0x6a: {  	_ =	shalt  }
0x6b: {  	_ =	shalt  }
0x6c: {  	_ =	shalt  }
0x6d: {  	_ =	shalt  }
0x6e: {  	_ =	shalt  }
0x6f: {  	_ =	shalt  }
0x70: {  	_ =	shalt  }
0x71: {  	_ =	shalt  }
0x72: {  	_ =	shalt  }
0x73: {  	_ =	shalt  }
0x74: {  	_ =	shalt  }
0x75: {  	_ =	shalt  }
0x76: {  	_ =	shalt  }
0x77: {  	_ =	shalt  }
0x78: {  	_ =	shalt  }
0x79: {  	_ =	shalt  }
0x7a: {  	_ =	shalt  }
0x7b: {  	_ =	shalt  }
0x7c: {  	_ =	shalt  }
0x7d: {  	_ =	shalt  }
0x7e: {  	_ =	shalt  }
0x7f: {  	_ =	shalt  }
0x80: {  	_ =	shalt  }
0x81: {  	_ =	shalt  }
0x82: {  	_ =	shalt  }
0x83: {  	_ =	shalt  }
0x84: {  	_ =	shalt  }
0x85: {  	_ =	shalt  }
0x86: {  	_ =	shalt  }
0x87: {  	_ =	shalt  }
.Lfunc_end0:
.L_simem_size_0:
called_computation_lowered:
.L_overlay_start_0:
0x88: {  	s2 =	sld [smem:$0x3FD9]  }
0x89: {  	s3 =	sld [smem:$0x3FFE];
	_ =	sdelay $0x1  }
0x8a: {  	s1 =	srdreg.scid  }
0x8b: {  	s0 =	sand.u32 $0x1, s1  }
0x8c: {  	s17 =	sshll.u32 s0, $0xA;
	s2 =	sadd.s32 s3, s2  }
0x8d: {  	s2 =	sadd.s32 s2, s17  }
0x8e: {  	[smem:$0x3FC0] =	sst s2  }
0x8f: {  	_ = 	snop  }
0x90: {  	(tm) =	ssettm $0x1  }
0x91: {  	s18 =	sld [smem:$0x3FFB];
	_ =	sdelay $0x3  }
0x92: {  	_ =	strace s18  }
0x93: {  	s2 =	sld [smem:$0x3FFC];
	_ =	sdelay $0x3  }
0x94: {  	_ =	strace s2  }
0x95: {  	s2 =	sld [smem:$0x3FFD];
	_ =	sdelay $0x3  }
0x96: {  	_ =	strace s2  }
0x97: {  	_ =	strace $0x8FFFFFFF  }
0x98: {  	s19 =	sld [smem:$0x3FDB];
	_ =	sdelay $0x1  }
0x99: {  	s20 =	simm.s32 $_scs_section_size  }
0x9a: {  	s4 =	simm.s32 $_size__tile_overlayer_lowered;
	s5 =	simm.s32 $_tile_overlayer_lowered  }
0x9b: {  	s6 =	simm.s32 $0x1BFF;
	s21 =	sshll.u32 s5, $0x1;
	s3 =	sadd.s32 s20, s19  }
0x9c: {  	s22 =	simm.s32 $0x0;
	s4 =	sshll.u32 s4, $0x1;
	s5 =	sadd.s32 s21, s3  }
0x9d: {  	[timem:s22], [sflag:s6] =	dma.local [hbm:s5], s4  }
0x9e: {  	_ =	swait.ge [sflag:s6], s4  }
0x9f: {  	s4 =	ssub.s32 $0x0, s4;
	[sflag:s6] =	ssyncset.done $0x0  }
0xa0: {  	[sflag:s6] =	ssyncadd.s32 s4;
	_ =	sdelay $0x1  }
0xa1: {  	s23 =	simm.s32 $0x1B8B  }
0xa2: {  	_ =	swait.ge [sflag:s23], $0x1  }
0xa3: {  	[sflag:s23] =	ssyncset.done $0x0  }
0xa4: {  	[sflag:s23] =	ssyncadd.s32 $0xFFFFFFFF  }
0xa5: {  	s4 =	sld [smem:$0x0]  }
0xa6: {  	s5 =	sand.u32 $0xFFFFFFFE, s1  }
0xa7: {  	p0 =	sne.s32 s1, s5  }
0xa8: {  	s5 =	sshll.u32 @p0 s5, $0xE  }
0xa9: {  	s5 =	sadd.s32 @p0 $0x11B8D, s5;
	s6 =	sshll.u32 @p0 s4, $0x11  }
0xaa: {  	s5 =	sor.u32 @p0 s6, s5  }
0xab: {  	[sflag:s5] =	ssyncadd.remote.s32 @p0 $0x1;
	_ =	sdelay $0x1  }
0xac: {  	s5 =	simm.s32 @p0 $0x1B8D  }
0xad: {  	_ =	swait.eq @p0 [sflag:s5], $0x1  }
0xae: {  	[sflag:s5] =	ssyncadd.s32 @p0 $0xFFFFFFFF  }
0xaf: {  	s6 =	sshll.u32 @!p0 s1, $0xE  }
0xb0: {  	s6 =	sor.u32 @!p0 $0x4000, s6;
	s5 =	simm.s32 @!p0 $0x1B8D  }
0xb1: {  	s4 =	sshll.u32 @!p0 s4, $0x11;
	s6 =	sadd.s32 @!p0 $0x11B8D, s6;
	_ =	swait.eq @!p0 [sflag:s5], $0x1  }
0xb2: {  	s4 =	sor.u32 @!p0 s4, s6;
	[sflag:s5] =	ssyncadd.s32 @!p0 $0xFFFFFFFF  }
0xb3: {  	s25 =	simm.s32 $0x1B8E;
	s24 =	sld [smem:$0x3FFE];
	[sflag:s4] =	ssyncadd.remote.s32 @!p0 $0x1  }
0xb4: {  	s26 =	simm.s32 $execute0_lowered;
	[smem:$0x3FD2] =	sst s25  }
0xb5: {  	s5 =	sshll.u32 s26, $0x1;
	_ =	strace $0x80000049;
	[dreg:$0x1] =	wrdreg $0xFFFFFFFF  }
0xb6: {  	s28 =	simm.s32 $_size_execute0_lowered;
	s3 =	sadd.s32 s3, s5;
	[dreg:$0x0] =	wrdreg $0x0  }
0xb7: {  	s5 =	sshll.u32 s28, $0x1;
	[dreg:$0x2] =	wrdreg s3  }
0xb8: {  	[dreg:$0x3] =	wrdreg s5  }
0xb9: {  	[dreg:$0x4] =	wrdreg $0xC0  }
0xba: {  	_ =	task [dreg:s22], $0x5FFFF  }
0xbb: {  	[dreg:$0x1] =	wrdreg $0xFFFFFFFF  }
0xbc: {  	[dreg:$0x0] =	wrdreg $0x60  }
0xbd: {  	[dreg:$0x2] =	wrdreg s24  }
0xbe: {  	[dreg:$0x3] =	wrdreg $0x9  }
0xbf: {  	_ =	task.clear_ibuf [dreg:s22], $0x4FFFF;
	_ =	strace $0x90000049  }
0xc0: {  	s29 =	simm.s32 $0x9;
	_ =	strace $0x8000004B  }
0xc1: {  	_ =	swait.ge [sflag:s29], $0x1  }
0xc2: {  	[sflag:s29] =	ssyncadd.s32 $0xFFFFFFFF  }
0xc3: {  	_ =	strace $0x9000004B  }
0xc4: {  	_ =	sfence  }
0xc5: {  	s30 =	sld [smem:$0x0];
	_ =	sdelay $0x2  }
0xc6: {  	s31 =	sshll.u32 s1, $0xD;
	s1 =	sshrl.u32 s1, $0x2  }
0xc7: {  	s4 =	sand.u32 $0x4000, s31;
	s1 =	sadd.s32 s1, s30  }
0xc8: {  	s0 =	sor.u32 s4, s0;
	s1 =	sshll.u32 s1, $0x11  }
0xc9: {  	s0 =	sor.u32 s1, s0  }
0xca: {  	s0 =	sadd.s32 $0x8F2B, s0  }
0xcb: {  	[sflag:s0] =	ssyncadd.remote.s32 $0x1  }
0xcc: {  	_ =	sfence.sel $0xFFFF  }
0xcd: {  	[dreg:$0x0] =	wrdreg $0xFFFFFFFF;
	(pc) =	sbr.abs _section_cstart, $3  }
0xce: {  	[dreg:$0x1] =	wrdreg $0xFFFFFFFF  }
0xcf: {  	_ =	task.clear_ibuf [dreg:s22], $0x2FFFF;
	_ =	strace $0x9FFFFFFF  }
0xd0: {  	(tm) =	ssettm $0x7FFFFFFF  }
0xd1: {  	_ =	shalt  }
tec
execute0_lowered:
.L_overlay_start_1:
0x0: {  	(tag) =	ssettag $0x1  }
0x1: {  	s0 =	rddreg [dreg:$0x0]  }
0x2: {  	s1 =	simm.s32 $0x0;
	s2 =	srdreg.scid;
	s13 =	stileid.u32  }
0x3: {  	s29 =	simm.s32 $0x2800;
	s31 =	simm.s32 $0x1;
	s30 =	simm.s32 $0x7800  }
0x4: {  	[smem:$0x7FF] =	sst s1;
	s2 =	sand.u32 $0x1, s2;
	s3 =	sshll.u32 s13, $0x1  }
0x5: {  	s4 =	sadd.s32 $0xD3000, s0;
	s5 =	sshrl.u32 s13, $0x2;
	s6 =	sadd.s32 $0xCE000, s0  }
0x6: {  	s8 =	sadd.s32 $0xC8400, s0;
	s9 =	sadd.s32 $0xD8000, s0;
	s3 =	sor.u32 s2, s3  }
0x7: {  	s5 =	smul.u32 $0x14000, s5;
	s2 =	ssub.s32 $0x2, s2;
	s7 =	sshll.u32 s3, $0x7  }
0x8: {  	s3 =	smul.u32 $0xB0, s3;
	s10 =	sshrl.u32 s2, $0x1;
	s7 =	sand.u32 $0x380, s7  }
0x9: {  	p0 =	sgt.u32 s13, $0x8;
	s2 =	ssub.s32 s2, s10;
	s5 =	sor.u32 s5, s7  }
0xa: {  	s7 =	sadd.s32 $0xDD000, s0;
	s23 =	sadd.s32 s4, s3;
	s24 =	sadd.s32 $0x1600, s3  }
0xb: {  	s11 =	sadd.s32 s6, s3;
	s25 =	sadd.s32 s8, s3;
	s15 =	sadd.s32 $0x2C00, s3  }
0xc: {  	s21 =	sadd.s32 $0x4200, s3;
	s28 =	smax.u32 s2, $0x1;
	[dreg:$0x2] =	wrdreg s23  }
0xd: {  	s2 =	simm.s32 $0x5;
	s5 =	sshrl.u32 s5, $0x3;
	[dreg:$0x3] =	wrdreg s11  }
0xe: {  	[dreg:$0x4] =	wrdreg s25;
	s26 =	sadd.s32 s4, s24;
	s12 =	sadd.s32 s6, s24  }
0xf: {  	s14 =	sadd.s32 s8, s24;
	s20 =	sadd.s32 s6, s15;
	[dreg:$0x5] =	wrdreg s26  }
0x10: {  	s22 =	sadd.s32 s6, s21;
	s23 =	sadd.s32 s8, s21;
	[dreg:$0x6] =	wrdreg s12  }
0x11: {  	s16 =	sadd.s32 s7, s3;
	s17 =	sadd.s32 s9, s24;
	[dreg:$0x7] =	wrdreg s14  }
0x12: {  	s18 =	sadd.s32 s7, s24;
	s19 =	sadd.s32 s9, s15;
	[dreg:$0x9] =	wrdreg s20  }
0x13: {  	s24 =	sadd.s32 s9, s21;
	s25 =	sadd.s32 s7, s21;
	[dreg:$0xc] =	wrdreg s22  }
0x14: {  	s6 =	simm.s32 $0x6;
	s12 =	sadd.s32 s4, s15;
	[dreg:$0xd] =	wrdreg s23  }
0x15: {  	s14 =	sadd.s32 s8, s15;
	s4 =	sadd.s32 s4, s21;
	[dreg:$0xe] =	wrdreg s24  }
0x16: {  	s20 =	sadd.s32 s7, s15;
	[dreg:$0xf] =	wrdreg s25;
	s26 =	sadd.s32 s5, s0  }
0x17: {  	s23 =	sadd.s32 $0xCDA00, s0;
	s24 =	sadd.s32 $0xCD400, s0;
	s15 =	simm.s32 $0x2  }
.Ltmp0:
0x18: {  	s0 =	simm.s32 $0x5000;
	[dreg:$0x8] =	wrdreg s12;
	(pc) =	sbr.rel .LBB2_1-.Ltmp0, $4  }
0x19: {  	s21 =	simm.s32 $0x3;
	s22 =	simm.s32 $0x4;
	[dreg:$0xa] =	wrdreg s14  }
0x1a: {  	s5 =	simm.s32 $0x7;
	s7 =	simm.s32 $0x0;
	[dreg:$0xb] =	wrdreg s4  }
0x1b: {  	s14 =	sadd.s32 s9, s3;
	s25 =	sadd.s32 $0xE2000, s26;
	s26 =	sadd.s32 $0xEC000, s26  }
0x1c: {  	v0 =	vimm.f32 $0.0e+00;
	v1 =	vimm.f32 $1.000000000e+00;
	s3 =	simm.s32 $0x80;
	s4 =	simm.s32 $0x400;
	_ =	strace $0x8000004A  }
.LBB2_12:
0x1d: {  	_ = 	snop  }
0x1e: {  	v11 =	vshll.u32 v5, $0xE  }
0x1f: {  	s10 =	sadd.s32 $0x10, s10;
	v11 =	vadd.s32 v8, v11  }
0x20: {  	[tilespmem:s10+$0x0] =	vst v11  }
0x21: {  	v9 =	vld.idx.msk [tilespmem:v9+s1+$0x0], $0xffff  }
0x22: {  	v56 =	vld.idx.msk [tilespmem:v8+s29+$0x0], $0xffff  }
0x23: {  	s9 =	sadd.s32 $0x10, s9  }
0x24: {  	v6 =	vadd.f32 v7, v6;
	v57 =	vld [tilespmem:s9+$0x0];
	_ =	sdelay $0x1  }
0x25: {  	s9 =	sadd.s32 $0x10, s9;
	v58 =	vmul.f32 $2.000000030e-01, v6  }
0x26: {  	vm0 =	vgt.f32 v6, $0.0e+00;
	v59 =	vld [tilespmem:s9+$0x0];
	v8 =	vadd.f32 v56, v9  }
0x27: {  	v10 =	vmul.f32 $1.442695020e+00, v10;
	v6 =	vsel vm0, v6, v58  }
0x28: {  	v6 =	vmul.f32 v6, v57;
	v60 =	vmul.f32 $2.000000030e-01, v8  }
0x29: {  	(erf) = vpow2.f32 v10;
	vm15 =	vgt.f32 v8, $0.0e+00  }
0x2a: {  	v6 =	vmul.f32 $1.442695020e+00, v6;
	v7 =	vsel vm15, v8, v60  }
0x2b: {  	v7 =	vmul.f32 v7, v59  }
0x2c: {  	(erf) = vpow2.f32 v6  }
0x2d: {  	v61 =	vmul.f32 $1.442695020e+00, v7;
	_ =	sdelay $0x1  }
0x2e: {  	v62 =	vpop (erf);
	s8 =	sadd.s32 $0x10, s8;
	(erf) = vpow2.f32 v61  }
0x2f: {  	[tilespmem:s8+$0x0] =	vst v62  }
0x30: {  	[tilespmem:v2+s0+$0x0] =	vst.idx.add.f32.msk $0xffff, v62  }
0x31: {  	s8 =	sadd.s32 $0x10, s8;
	[tilespmem:v2+s30+$0x0] =	vst.idx.add.f32.msk $0xffff, v1;
	v63 =	vpop (erf)  }
0x32: {  	[tilespmem:s8+$0x0] =	vst v63  }
0x33: {  	[tilespmem:v3+s0+$0x0] =	vst.idx.add.f32.msk $0xffff, v63  }
0x34: {  	s8 =	sadd.s32 $0x10, s8;
	[tilespmem:v3+s30+$0x0] =	vst.idx.add.f32.msk $0xffff, v1;
	v2 =	vpop (erf)  }
0x35: {  	[tilespmem:s8+$0x0] =	vst v2  }
0x36: {  	[tilespmem:v4+s0+$0x0] =	vst.idx.add.f32.msk $0xffff, v2  }
0x37: {  	s8 =	sadd.s32 $0x10, s8;
	[tilespmem:v4+s30+$0x0] =	vst.idx.add.f32.msk $0xffff, v1;
	v2 =	vpop (erf)  }
0x38: {  	[tilespmem:s8+$0x0] =	vst v2  }
0x39: {  	[tilespmem:v5+s0+$0x0] =	vst.idx.add.f32.msk $0xffff, v2  }
0x3a: {  	[tilespmem:v5+s30+$0x0] =	vst.idx.add.f32.msk $0xffff, v1  }
0x3b: {  	s11 =	simm.s32 $0x10300;
	s8 =	rddreg [dreg:$0xe]  }
0x3c: {  	[hbm4b:s8+s1] =	stream.linear.scatter [tilespmem:s11], [sflag:$0x6], $0x580, $0x38;
	[tilespmem:$0x10E00] =	vst v63  }
0x3d: {  	s13 =	simm.s32 $0x10880;
	s12 =	rddreg [dreg:$0xf]  }
0x3e: {  	[hbm4b:s12+s1] =	stream.linear.scatter [tilespmem:s13], [sflag:$0x6], $0x580, $0x38;
	[tilespmem:$0x10E00] =	vst v63  }
.LBB2_13:
0x3f: {  	[hbm4b:s25+s3] =	stream.strided.scatter [tilespmem:s0], [sflag:$0x7], $0x2800, s4, s3, $0x38;
	[tilespmem:$0x10E00] =	vst v63  }
0x40: {  	_ =	swait.ge [sflag:s5], $0x2800  }
0x41: {  	[sflag:s5] =	ssyncset.done $0x0  }
0x42: {  	[sflag:s5] =	ssyncadd.s32 $0xFFFFD800  }
0x43: {  	[hbm4b:s26+s3] =	stream.strided.scatter [tilespmem:s30], [sflag:$0x7], $0x2800, s4, s3, $0x38;
	[tilespmem:$0x10E00] =	vst v63  }
0x44: {  	_ =	swait.ge [sflag:s5], $0x2800  }
0x45: {  	[sflag:s5] =	ssyncset.done $0x0  }
0x46: {  	[sflag:s5] =	ssyncadd.s32 $0xFFFFD800  }
0x47: {  	_ =	swait.ge [sflag:s6], $0x580  }
0x48: {  	[sflag:s6] =	ssyncset.done $0x0  }
0x49: {  	[sflag:s6] =	ssyncadd.s32 $0xFFFFFA80  }
0x4a: {  	_ =	swait.ge [sflag:s6], $0x580  }
0x4b: {  	[sflag:s6] =	ssyncset.done $0x0  }
0x4c: {  	[sflag:s6] =	ssyncadd.s32 $0xFFFFFA80  }
0x4d: {  	_ =	swait.ge [sflag:s6], $0x580  }
0x4e: {  	[sflag:s6] =	ssyncset.done $0x0  }
0x4f: {  	[sflag:s6] =	ssyncadd.s32 $0xFFFFFA80  }
0x50: {  	_ =	swait.ge [sflag:s6], $0x580  }
0x51: {  	[sflag:s6] =	ssyncset.done $0x0  }
0x52: {  	[sflag:s6] =	ssyncadd.s32 $0xFFFFFA80  }
0x53: {  	_ =	swait.ge [sflag:s6], $0x580  }
0x54: {  	[sflag:s6] =	ssyncset.done $0x0  }
0x55: {  	[sflag:s6] =	ssyncadd.s32 $0xFFFFFA80  }
0x56: {  	_ =	swait.ge [sflag:s6], $0x580  }
0x57: {  	[sflag:s6] =	ssyncset.done $0x0  }
0x58: {  	s8 =	simm.s32 @!p0 $0x6;
	s7 =	sadd.s32 $0x1, s7;
	[sflag:s6] =	ssyncadd.s32 $0xFFFFFA80  }
0x59: {  	p1 =	sne.s32 s7, s28;
	_ =	swait.ge @!p0 [sflag:s8], $0x580  }
.Ltmp1:
0x5a: {  	[sflag:s8] =	ssyncset.done @!p0 $0x0;
	(pc) =	sbr.rel @!p1 .LBB2_14-.Ltmp1, $4  }
0x5b: {  	[sflag:s8] =	ssyncadd.s32 @!p0 $0xFFFFFA80  }
0x5c: {  	_ =	swait.ge @!p0 [sflag:s8], $0x580  }
0x5d: {  	[sflag:s8] =	ssyncset.done @!p0 $0x0  }
0x5e: {  	[sflag:s8] =	ssyncadd.s32 @!p0 $0xFFFFFA80  }
.LBB2_1:
0x5f: {  	[tilespmem:s1], [sflag:$0x1] =	stream.linear.gather [hbm4b:s23+s1], $0x2800, $0x38;
	[tilespmem:$0x10E00] =	vst v63  }
0x60: {  	_ = 	snop  }
0x61: {  	[tilespmem:s29], [sflag:$0x1] =	stream.linear.gather [hbm4b:s24+s1], $0x2800, $0x38;
	[tilespmem:$0x10E00] =	vst v63  }
0x62: {  	s8 =	rddreg [dreg:$0x2];
	s9 =	simm.s32 $0xA000  }
0x63: {  	[tilespmem:s9], [sflag:$0x2] =	stream.linear.gather [hbm4b:s8+s1], $0x580, $0x38;
	[tilespmem:$0x10E00] =	vst v63  }
0x64: {  	s10 =	rddreg [dreg:$0x3];
	s11 =	simm.s32 $0xA580  }
0x65: {  	[tilespmem:s11], [sflag:$0x2] =	stream.linear.gather [hbm4b:s10+s1], $0x580, $0x38;
	[tilespmem:$0x10E00] =	vst v63  }
0x66: {  	s12 =	rddreg [dreg:$0x4];
	s13 =	simm.s32 $0xAB00  }
0x67: {  	[tilespmem:s13], [sflag:$0x2] =	stream.linear.gather [hbm4b:s12+s1], $0x580, $0x38;
	[tilespmem:$0x10E00] =	vst v63  }
0x68: {  	s10 =	rddreg [dreg:$0x5];
	s11 =	simm.s32 $0xBB80  }
0x69: {  	[tilespmem:s11], [sflag:$0x3] =	stream.linear.gather [hbm4b:s10+s1], $0x580, $0x38;
	[tilespmem:$0x10E00] =	vst v63  }
0x6a: {  	s12 =	rddreg [dreg:$0x6];
	s13 =	simm.s32 $0xC100  }
0x6b: {  	[tilespmem:s13], [sflag:$0x3] =	stream.linear.gather [hbm4b:s12+s1], $0x580, $0x38;
	[tilespmem:$0x10E00] =	vst v63  }
0x6c: {  	s10 =	rddreg [dreg:$0x7];
	s11 =	simm.s32 $0xC680  }
0x6d: {  	[tilespmem:s11], [sflag:$0x3] =	stream.linear.gather [hbm4b:s10+s1], $0x580, $0x38;
	[tilespmem:$0x10E00] =	vst v63  }
0x6e: {  	s12 =	rddreg [dreg:$0x8];
	s13 =	simm.s32 $0xD700  }
0x6f: {  	[tilespmem:s13], [sflag:$0x4] =	stream.linear.gather [hbm4b:s12+s1], $0x580, $0x38;
	[tilespmem:$0x10E00] =	vst v63  }
0x70: {  	s10 =	rddreg [dreg:$0x9];
	s11 =	simm.s32 $0xDC80  }
0x71: {  	[tilespmem:s11], [sflag:$0x4] =	stream.linear.gather [hbm4b:s10+s1], $0x580, $0x38;
	[tilespmem:$0x10E00] =	vst v63  }
0x72: {  	s12 =	rddreg [dreg:$0xa];
	s13 =	simm.s32 $0xE200  }
0x73: {  	[tilespmem:s13], [sflag:$0x4] =	stream.linear.gather [hbm4b:s12+s1], $0x580, $0x38;
	[tilespmem:$0x10E00] =	vst v63  }
0x74: {  	s8 =	simm.s32 @!p0 $0x0;
	s9 =	simm.s32 @!p0 $0xF280;
	s10 =	rddreg [dreg:$0xb]  }
0x75: {  	[tilespmem:s9], [sflag:$0x5] =	stream.linear.gather @!p0 [hbm4b:s10+s8], $0x580, $0x38;
	[tilespmem:$0x10E00] =	vst v63  }
0x76: {  	s9 =	simm.s32 @!p0 $0xF800;
	s10 =	rddreg [dreg:$0xc]  }
0x77: {  	[tilespmem:s9], [sflag:$0x5] =	stream.linear.gather @!p0 [hbm4b:s10+s8], $0x580, $0x38;
	[tilespmem:$0x10E00] =	vst v63  }
0x78: {  	s9 =	simm.s32 @!p0 $0xFD80;
	s10 =	rddreg [dreg:$0xd]  }
0x79: {  	[tilespmem:s9], [sflag:$0x5] =	stream.linear.gather @!p0 [hbm4b:s10+s8], $0x580, $0x38;
	[tilespmem:$0x10E00] =	vst v63  }
0x7a: {  	s8 =	simm.s32 $0x40;
	s9 =	simm.s32 $0x0  }
.LBB2_2:
0x7b: {  	p1 =	sne.s32 s8, $0x9FC0;
	[tilespmem:s9+$0x5000] =	vst v0;
	s10 =	smov.u32 s8;
	s8 =	sadd.s32 $0x40, s8  }
.Ltmp2:
0x7c: {  	[tilespmem:s9+$0x7800] =	vst v0;
	(pc) =	sbr.rel @p1 .LBB2_2-.Ltmp2, $2  }
0x7d: {  	_ =	sdelay $0x2  }
0x7e: {  	s9 =	sshra.s32 s10, $0x2  }
0x7f: {  	[tilespmem:s9+$0x5000] =	vst v0  }
0x80: {  	[tilespmem:s9+$0x7800] =	vst v0  }
0x81: {  	_ =	swait.ge [sflag:s31], $0x2800  }
0x82: {  	[sflag:s31] =	ssyncset.done $0x0  }
0x83: {  	[sflag:s31] =	ssyncadd.s32 $0xFFFFD800  }
0x84: {  	_ =	swait.ge [sflag:s31], $0x2800  }
0x85: {  	[sflag:s31] =	ssyncset.done $0x0  }
0x86: {  	[sflag:s31] =	ssyncadd.s32 $0xFFFFD800  }
0x87: {  	_ =	swait.ge [sflag:s15], $0x580  }
0x88: {  	[sflag:s15] =	ssyncset.done $0x0  }
0x89: {  	[sflag:s15] =	ssyncadd.s32 $0xFFFFFA80  }
0x8a: {  	_ =	swait.ge [sflag:s15], $0x580  }
0x8b: {  	[sflag:s15] =	ssyncset.done $0x0  }
0x8c: {  	[sflag:s15] =	ssyncadd.s32 $0xFFFFFA80  }
0x8d: {  	_ =	swait.ge [sflag:s15], $0x580  }
0x8e: {  	[sflag:s15] =	ssyncset.done $0x0  }
0x8f: {  	s8 =	simm.s32 $0xA000;
	[sflag:s15] =	ssyncadd.s32 $0xFFFFFA80  }
0x90: {  	s11 =	simm.s32 $0xA580;
	v9 =	vld [tilespmem:s8+$0x0]  }
0x91: {  	v2 =	vld [tilespmem:s11+$0x0];
	_ =	sdelay $0x3  }
0x92: {  	v3 =	vshll.u32 v9, $0xE  }
0x93: {  	s12 =	simm.s32 $0xB600;
	s9 =	simm.s32 $0xA590;
	v3 =	vadd.s32 v2, v3  }
0x94: {  	v5 =	vld [tilespmem:s9+$0x0];
	[tilespmem:s12+$0x0] =	vst v3  }
0x95: {  	v3 =	vld.idx.msk [tilespmem:v9+s1+$0x0], $0xffff  }
0x96: {  	s13 =	simm.s32 $0xA010;
	v4 =	vld.idx.msk [tilespmem:v2+s29+$0x0], $0xffff  }
0x97: {  	v2 =	vld [tilespmem:s13+$0x0];
	_ =	sdelay $0x1  }
0x98: {  	s10 =	simm.s32 $0xAB00  }
0x99: {  	s11 =	simm.s32 $0xA020;
	v6 =	vld [tilespmem:s10+$0x0]  }
0x9a: {  	s12 =	simm.s32 $0xA5A0;
	v4 =	vadd.f32 v4, v3;
	v3 =	vld [tilespmem:s11+$0x0]  }
0x9b: {  	v10 =	vld [tilespmem:s12+$0x0];
	v8 =	vshll.u32 v2, $0xE  }
0x9c: {  	s13 =	simm.s32 $0xB610;
	v8 =	vadd.s32 v5, v8;
	v7 =	vmul.f32 $2.000000030e-01, v4  }
0x9d: {  	vm0 =	vgt.f32 v4, $0.0e+00;
	[tilespmem:s13+$0x0] =	vst v8  }
0x9e: {  	v5 =	vld.idx.msk [tilespmem:v5+s29+$0x0], $0xffff;
	v4 =	vsel vm0, v4, v7  }
0x9f: {  	v4 =	vmul.f32 v4, v6;
	v6 =	vld.idx.msk [tilespmem:v2+s1+$0x0], $0xffff;
	v7 =	vshll.u32 v3, $0xE  }
0xa0: {  	s11 =	simm.s32 $0xB620;
	v7 =	vadd.s32 v10, v7  }
0xa1: {  	v8 =	vmul.f32 $1.442695020e+00, v4;
	[tilespmem:s11+$0x0] =	vst v7  }
0xa2: {  	v7 =	vld.idx.msk [tilespmem:v3+s1+$0x0], $0xffff  }
0xa3: {  	s12 =	simm.s32 $0xAB10;
	(erf) = vpow2.f32 v8;
	v8 =	vld.idx.msk [tilespmem:v10+s29+$0x0], $0xffff  }
0xa4: {  	s9 =	simm.s32 $0xA030;
	v10 =	vld [tilespmem:s12+$0x0];
	v6 =	vadd.f32 v5, v6  }
0xa5: {  	s10 =	simm.s32 $0xA5B0;
	v4 =	vld [tilespmem:s9+$0x0]  }
0xa6: {  	v11 =	vld [tilespmem:s10+$0x0];
	v12 =	vmul.f32 $2.000000030e-01, v6  }
0xa7: {  	vm14 =	vgt.f32 v6, $0.0e+00  }
0xa8: {  	v6 =	vsel vm14, v6, v12  }
0xa9: {  	s9 =	simm.s32 $0xAB20;
	v62 =	vadd.f32 v8, v7;
	v7 =	vmul.f32 v6, v10  }
0xaa: {  	s13 =	simm.s32 $0xA040;
	v14 =	vld [tilespmem:s9+$0x0];
	v13 =	vshll.u32 v4, $0xE  }
0xab: {  	s10 =	simm.s32 $0xB630;
	s11 =	simm.s32 $0xA5C0;
	v5 =	vld [tilespmem:s13+$0x0];
	v61 =	vadd.s32 v11, v13;
	v15 =	vmul.f32 $1.442695020e+00, v7  }
0xac: {  	v8 =	vld [tilespmem:s11+$0x0];
	[tilespmem:s10+$0x0] =	vst v61  }
0xad: {  	s8 =	simm.s32 $0xB080;
	v6 =	vld.idx.msk [tilespmem:v4+s1+$0x0], $0xffff;
	v63 =	vpop (erf);
	(erf) = vpow2.f32 v15  }
0xae: {  	v10 =	vmul.f32 $2.000000030e-01, v62;
	v7 =	vld.idx.msk [tilespmem:v11+s29+$0x0], $0xffff;
	[tilespmem:s8+$0x0] =	vst v63  }
0xaf: {  	vm15 =	vgt.f32 v62, $0.0e+00;
	[tilespmem:v9+s0+$0x0] =	vst.idx.add.f32.msk $0xffff, v63  }
0xb0: {  	v10 =	vsel vm15, v62, v10;
	[tilespmem:v9+s30+$0x0] =	vst.idx.add.f32.msk $0xffff, v1;
	v9 =	vmov v5  }
0xb1: {  	s12 =	simm.s32 $0x40;
	s13 =	simm.s32 $0xA050;
	v10 =	vmul.f32 v10, v14  }
.LBB2_4:
0xb2: {  	v11 =	vshll.u32 v5, $0xE;
	s11 =	sadd.s32 $0x10, s11;
	v12 =	vmov v5;
	v5 =	vld [tilespmem:s13+$0x0]  }
0xb3: {  	s10 =	sadd.s32 $0x10, s10;
	s9 =	sadd.s32 $0x10, s9;
	s12 =	sadd.s32 $0x10, s12;
	v13 =	vld [tilespmem:s11+$0x0];
	v11 =	vadd.s32 v8, v11;
	v15 =	vmul.f32 $1.442695020e+00, v10  }
0xb4: {  	p1 =	slt.u32 s12, $0x570;
	[tilespmem:s10+$0x0] =	vst v11;
	v11 =	vadd.f32 v7, v6;
	v14 =	vld [tilespmem:s9+$0x0]  }
.Ltmp3:
0xb5: {  	v6 =	vld.idx.msk [tilespmem:v9+s1+$0x0], $0xffff;
	(erf) = vpow2.f32 v15;
	(pc) =	sbr.rel @p1 .LBB2_4-.Ltmp3, $4  }
0xb6: {  	s8 =	sadd.s32 $0x10, s8;
	v7 =	vld.idx.msk [tilespmem:v8+s29+$0x0], $0xffff;
	v15 =	vmul.f32 $2.000000030e-01, v11;
	v10 =	vpop (erf)  }
0xb7: {  	vm0 =	vgt.f32 v11, $0.0e+00;
	[tilespmem:s8+$0x0] =	vst v10;
	v9 =	vmov v5  }
0xb8: {  	v11 =	vsel vm0, v11, v15;
	[tilespmem:v2+s0+$0x0] =	vst.idx.add.f32.msk $0xffff, v10;
	v8 =	vmov v13  }
0xb9: {  	s13 =	sadd.s32 $0x10, s13;
	v10 =	vmul.f32 v11, v14;
	[tilespmem:v2+s30+$0x0] =	vst.idx.add.f32.msk $0xffff, v1;
	v2 =	vmovc v3;
	v3 =	vmov v4;
	v4 =	vmov v12  }
0xba: {  	_ = 	snop  }
0xbb: {  	v11 =	vshll.u32 v5, $0xE  }
0xbc: {  	s10 =	sadd.s32 $0x10, s10;
	v11 =	vadd.s32 v8, v11  }
0xbd: {  	[tilespmem:s10+$0x0] =	vst v11  }
0xbe: {  	v9 =	vld.idx.msk [tilespmem:v9+s1+$0x0], $0xffff  }
0xbf: {  	s9 =	sadd.s32 $0x10, s9;
	v8 =	vld.idx.msk [tilespmem:v8+s29+$0x0], $0xffff  }
0xc0: {  	v6 =	vadd.f32 v7, v6;
	v7 =	vld [tilespmem:s9+$0x0];
	_ =	sdelay $0x1  }
0xc1: {  	v11 =	vmul.f32 $2.000000030e-01, v6  }
0xc2: {  	s9 =	sadd.s32 $0x10, s9;
	vm0 =	vgt.f32 v6, $0.0e+00  }
0xc3: {  	v6 =	vsel vm0, v6, v11;
	v8 =	vadd.f32 v8, v9;
	v9 =	vld [tilespmem:s9+$0x0]  }
0xc4: {  	v10 =	vmul.f32 $1.442695020e+00, v10;
	v6 =	vmul.f32 v6, v7  }
0xc5: {  	v7 =	vmul.f32 $2.000000030e-01, v8  }
0xc6: {  	(erf) = vpow2.f32 v10;
	v6 =	vmul.f32 $1.442695020e+00, v6;
	vm12 =	vgt.f32 v8, $0.0e+00  }
0xc7: {  	v7 =	vsel vm12, v8, v7  }
0xc8: {  	(erf) = vpow2.f32 v6;
	v7 =	vmul.f32 v7, v9;
	_ =	sdelay $0x1  }
0xc9: {  	v6 =	vmul.f32 $1.442695020e+00, v7;
	_ =	sdelay $0x1  }
0xca: {  	s8 =	sadd.s32 $0x10, s8;
	v7 =	vpop (erf);
	(erf) = vpow2.f32 v6  }
0xcb: {  	[tilespmem:s8+$0x0] =	vst v7  }
0xcc: {  	[tilespmem:v2+s0+$0x0] =	vst.idx.add.f32.msk $0xffff, v7  }
0xcd: {  	s8 =	sadd.s32 $0x10, s8;
	v6 =	vpop (erf);
	[tilespmem:v2+s30+$0x0] =	vst.idx.add.f32.msk $0xffff, v1  }
0xce: {  	[tilespmem:s8+$0x0] =	vst v6  }
0xcf: {  	v2 =	vpop (erf);
	s8 =	sadd.s32 $0x10, s8;
	[tilespmem:v3+s0+$0x0] =	vst.idx.add.f32.msk $0xffff, v6  }
0xd0: {  	[tilespmem:s8+$0x0] =	vst v2  }
0xd1: {  	[tilespmem:v3+s30+$0x0] =	vst.idx.add.f32.msk $0xffff, v1  }
0xd2: {  	[tilespmem:v4+s0+$0x0] =	vst.idx.add.f32.msk $0xffff, v2  }
0xd3: {  	s8 =	sadd.s32 $0x10, s8;
	[tilespmem:v4+s30+$0x0] =	vst.idx.add.f32.msk $0xffff, v1;
	v2 =	vpop (erf)  }
0xd4: {  	[tilespmem:s8+$0x0] =	vst v2  }
0xd5: {  	[tilespmem:v5+s0+$0x0] =	vst.idx.add.f32.msk $0xffff, v2  }
0xd6: {  	s13 =	simm.s32 $0xB080;
	[tilespmem:v5+s30+$0x0] =	vst.idx.add.f32.msk $0xffff, v1  }
0xd7: {  	[hbm4b:s14+s1] =	stream.linear.scatter [tilespmem:s13], [sflag:$0x6], $0x580, $0x38;
	[tilespmem:$0x10E00] =	vst v63  }
0xd8: {  	s9 =	simm.s32 $0xB600  }
0xd9: {  	[hbm4b:s16+s1] =	stream.linear.scatter [tilespmem:s9], [sflag:$0x6], $0x580, $0x38;
	[tilespmem:$0x10E00] =	vst v63  }
0xda: {  	_ =	swait.ge [sflag:s21], $0x580  }
0xdb: {  	[sflag:s21] =	ssyncset.done $0x0  }
0xdc: {  	[sflag:s21] =	ssyncadd.s32 $0xFFFFFA80  }
0xdd: {  	_ =	swait.ge [sflag:s21], $0x580  }
0xde: {  	[sflag:s21] =	ssyncset.done $0x0  }
0xdf: {  	[sflag:s21] =	ssyncadd.s32 $0xFFFFFA80  }
0xe0: {  	_ =	swait.ge [sflag:s21], $0x580  }
0xe1: {  	[sflag:s21] =	ssyncset.done $0x0  }
0xe2: {  	s10 =	simm.s32 $0xBB80;
	[sflag:s21] =	ssyncadd.s32 $0xFFFFFA80  }
0xe3: {  	s11 =	simm.s32 $0xC100;
	v9 =	vld [tilespmem:s10+$0x0]  }
0xe4: {  	v2 =	vld [tilespmem:s11+$0x0];
	_ =	sdelay $0x3  }
0xe5: {  	v3 =	vshll.u32 v9, $0xE  }
0xe6: {  	s12 =	simm.s32 $0xD180;
	s9 =	simm.s32 $0xC110;
	v3 =	vadd.s32 v2, v3  }
0xe7: {  	v5 =	vld [tilespmem:s9+$0x0];
	[tilespmem:s12+$0x0] =	vst v3  }
0xe8: {  	v3 =	vld.idx.msk [tilespmem:v9+s1+$0x0], $0xffff  }
0xe9: {  	s13 =	simm.s32 $0xBB90;
	v4 =	vld.idx.msk [tilespmem:v2+s29+$0x0], $0xffff  }
0xea: {  	v2 =	vld [tilespmem:s13+$0x0];
	_ =	sdelay $0x1  }
0xeb: {  	s10 =	simm.s32 $0xC680  }
0xec: {  	s11 =	simm.s32 $0xBBA0;
	v6 =	vld [tilespmem:s10+$0x0]  }
0xed: {  	s12 =	simm.s32 $0xC120;
	v4 =	vadd.f32 v4, v3;
	v3 =	vld [tilespmem:s11+$0x0]  }
0xee: {  	v10 =	vld [tilespmem:s12+$0x0];
	v8 =	vshll.u32 v2, $0xE  }
0xef: {  	s13 =	simm.s32 $0xD190;
	v8 =	vadd.s32 v5, v8;
	v7 =	vmul.f32 $2.000000030e-01, v4  }
0xf0: {  	vm13 =	vgt.f32 v4, $0.0e+00;
	[tilespmem:s13+$0x0] =	vst v8  }
0xf1: {  	v5 =	vld.idx.msk [tilespmem:v5+s29+$0x0], $0xffff;
	v4 =	vsel vm13, v4, v7  }
0xf2: {  	v4 =	vmul.f32 v4, v6;
	v6 =	vld.idx.msk [tilespmem:v2+s1+$0x0], $0xffff;
	v7 =	vshll.u32 v3, $0xE  }
0xf3: {  	s11 =	simm.s32 $0xD1A0;
	v7 =	vadd.s32 v10, v7  }
0xf4: {  	v8 =	vmul.f32 $1.442695020e+00, v4;
	[tilespmem:s11+$0x0] =	vst v7  }
0xf5: {  	v7 =	vld.idx.msk [tilespmem:v3+s1+$0x0], $0xffff  }
0xf6: {  	s12 =	simm.s32 $0xC690;
	(erf) = vpow2.f32 v8;
	v8 =	vld.idx.msk [tilespmem:v10+s29+$0x0], $0xffff  }
0xf7: {  	s9 =	simm.s32 $0xBBB0;
	v10 =	vld [tilespmem:s12+$0x0];
	v6 =	vadd.f32 v5, v6  }
0xf8: {  	s10 =	simm.s32 $0xC130;
	v4 =	vld [tilespmem:s9+$0x0]  }
0xf9: {  	v11 =	vld [tilespmem:s10+$0x0];
	v12 =	vmul.f32 $2.000000030e-01, v6  }
0xfa: {  	vm14 =	vgt.f32 v6, $0.0e+00  }
0xfb: {  	v6 =	vsel vm14, v6, v12  }
0xfc: {  	s9 =	simm.s32 $0xC6A0;
	v62 =	vadd.f32 v8, v7;
	v7 =	vmul.f32 v6, v10  }
0xfd: {  	s13 =	simm.s32 $0xBBC0;
	v14 =	vld [tilespmem:s9+$0x0];
	v13 =	vshll.u32 v4, $0xE  }
0xfe: {  	s10 =	simm.s32 $0xD1B0;
	s11 =	simm.s32 $0xC140;
	v5 =	vld [tilespmem:s13+$0x0];
	v61 =	vadd.s32 v11, v13;
	v15 =	vmul.f32 $1.442695020e+00, v7  }
0xff: {  	v8 =	vld [tilespmem:s11+$0x0];
	[tilespmem:s10+$0x0] =	vst v61  }
0x100: {  	s8 =	simm.s32 $0xCC00;
	v6 =	vld.idx.msk [tilespmem:v4+s1+$0x0], $0xffff;
	v63 =	vpop (erf);
	(erf) = vpow2.f32 v15  }
0x101: {  	v10 =	vmul.f32 $2.000000030e-01, v62;
	v7 =	vld.idx.msk [tilespmem:v11+s29+$0x0], $0xffff;
	[tilespmem:s8+$0x0] =	vst v63  }
0x102: {  	vm15 =	vgt.f32 v62, $0.0e+00;
	[tilespmem:v9+s0+$0x0] =	vst.idx.add.f32.msk $0xffff, v63  }
0x103: {  	v10 =	vsel vm15, v62, v10;
	[tilespmem:v9+s30+$0x0] =	vst.idx.add.f32.msk $0xffff, v1;
	v9 =	vmov v5  }
0x104: {  	s12 =	simm.s32 $0x40;
	s13 =	simm.s32 $0xBBD0;
	v10 =	vmul.f32 v10, v14  }
.LBB2_6:
0x105: {  	v11 =	vshll.u32 v5, $0xE;
	s11 =	sadd.s32 $0x10, s11;
	v12 =	vmov v5;
	v5 =	vld [tilespmem:s13+$0x0]  }
0x106: {  	s10 =	sadd.s32 $0x10, s10;
	s9 =	sadd.s32 $0x10, s9;
	s12 =	sadd.s32 $0x10, s12;
	v13 =	vld [tilespmem:s11+$0x0];
	v11 =	vadd.s32 v8, v11;
	v15 =	vmul.f32 $1.442695020e+00, v10  }
0x107: {  	p1 =	slt.u32 s12, $0x570;
	[tilespmem:s10+$0x0] =	vst v11;
	v11 =	vadd.f32 v7, v6;
	v14 =	vld [tilespmem:s9+$0x0]  }
.Ltmp4:
0x108: {  	v6 =	vld.idx.msk [tilespmem:v9+s1+$0x0], $0xffff;
	(erf) = vpow2.f32 v15;
	(pc) =	sbr.rel @p1 .LBB2_6-.Ltmp4, $4  }
0x109: {  	s8 =	sadd.s32 $0x10, s8;
	v7 =	vld.idx.msk [tilespmem:v8+s29+$0x0], $0xffff;
	v15 =	vmul.f32 $2.000000030e-01, v11;
	v10 =	vpop (erf)  }
0x10a: {  	vm0 =	vgt.f32 v11, $0.0e+00;
	[tilespmem:s8+$0x0] =	vst v10;
	v9 =	vmov v5  }
0x10b: {  	v11 =	vsel vm0, v11, v15;
	[tilespmem:v2+s0+$0x0] =	vst.idx.add.f32.msk $0xffff, v10;
	v8 =	vmov v13  }
0x10c: {  	s13 =	sadd.s32 $0x10, s13;
	v10 =	vmul.f32 v11, v14;
	[tilespmem:v2+s30+$0x0] =	vst.idx.add.f32.msk $0xffff, v1;
	v2 =	vmovc v3;
	v3 =	vmov v4;
	v4 =	vmov v12  }
0x10d: {  	_ = 	snop  }
0x10e: {  	v11 =	vshll.u32 v5, $0xE  }
0x10f: {  	s10 =	sadd.s32 $0x10, s10;
	v11 =	vadd.s32 v8, v11  }
0x110: {  	[tilespmem:s10+$0x0] =	vst v11  }
0x111: {  	v9 =	vld.idx.msk [tilespmem:v9+s1+$0x0], $0xffff  }
0x112: {  	s9 =	sadd.s32 $0x10, s9;
	v8 =	vld.idx.msk [tilespmem:v8+s29+$0x0], $0xffff  }
0x113: {  	v6 =	vadd.f32 v7, v6;
	v7 =	vld [tilespmem:s9+$0x0];
	_ =	sdelay $0x1  }
0x114: {  	v11 =	vmul.f32 $2.000000030e-01, v6  }
0x115: {  	s9 =	sadd.s32 $0x10, s9;
	vm0 =	vgt.f32 v6, $0.0e+00  }
0x116: {  	v6 =	vsel vm0, v6, v11;
	v8 =	vadd.f32 v8, v9;
	v9 =	vld [tilespmem:s9+$0x0]  }
0x117: {  	v10 =	vmul.f32 $1.442695020e+00, v10;
	v6 =	vmul.f32 v6, v7  }
0x118: {  	v7 =	vmul.f32 $2.000000030e-01, v8  }
0x119: {  	(erf) = vpow2.f32 v10;
	v6 =	vmul.f32 $1.442695020e+00, v6;
	vm12 =	vgt.f32 v8, $0.0e+00  }
0x11a: {  	v7 =	vsel vm12, v8, v7  }
0x11b: {  	(erf) = vpow2.f32 v6;
	v7 =	vmul.f32 v7, v9;
	_ =	sdelay $0x1  }
0x11c: {  	v6 =	vmul.f32 $1.442695020e+00, v7;
	_ =	sdelay $0x1  }
0x11d: {  	s8 =	sadd.s32 $0x10, s8;
	v7 =	vpop (erf);
	(erf) = vpow2.f32 v6  }
0x11e: {  	[tilespmem:s8+$0x0] =	vst v7  }
0x11f: {  	[tilespmem:v2+s0+$0x0] =	vst.idx.add.f32.msk $0xffff, v7  }
0x120: {  	s8 =	sadd.s32 $0x10, s8;
	v6 =	vpop (erf);
	[tilespmem:v2+s30+$0x0] =	vst.idx.add.f32.msk $0xffff, v1  }
0x121: {  	[tilespmem:s8+$0x0] =	vst v6  }
0x122: {  	v2 =	vpop (erf);
	s8 =	sadd.s32 $0x10, s8;
	[tilespmem:v3+s0+$0x0] =	vst.idx.add.f32.msk $0xffff, v6  }
0x123: {  	[tilespmem:s8+$0x0] =	vst v2  }
0x124: {  	[tilespmem:v3+s30+$0x0] =	vst.idx.add.f32.msk $0xffff, v1  }
0x125: {  	[tilespmem:v4+s0+$0x0] =	vst.idx.add.f32.msk $0xffff, v2  }
0x126: {  	s8 =	sadd.s32 $0x10, s8;
	[tilespmem:v4+s30+$0x0] =	vst.idx.add.f32.msk $0xffff, v1;
	v2 =	vpop (erf)  }
0x127: {  	[tilespmem:s8+$0x0] =	vst v2  }
0x128: {  	[tilespmem:v5+s0+$0x0] =	vst.idx.add.f32.msk $0xffff, v2  }
0x129: {  	s13 =	simm.s32 $0xCC00;
	[tilespmem:v5+s30+$0x0] =	vst.idx.add.f32.msk $0xffff, v1  }
0x12a: {  	[hbm4b:s17+s1] =	stream.linear.scatter [tilespmem:s13], [sflag:$0x6], $0x580, $0x38;
	[tilespmem:$0x10E00] =	vst v63  }
0x12b: {  	s9 =	simm.s32 $0xD180  }
0x12c: {  	[hbm4b:s18+s1] =	stream.linear.scatter [tilespmem:s9], [sflag:$0x6], $0x580, $0x38;
	[tilespmem:$0x10E00] =	vst v63  }
0x12d: {  	_ =	swait.ge [sflag:s22], $0x580  }
0x12e: {  	[sflag:s22] =	ssyncset.done $0x0  }
0x12f: {  	[sflag:s22] =	ssyncadd.s32 $0xFFFFFA80  }
0x130: {  	_ =	swait.ge [sflag:s22], $0x580  }
0x131: {  	[sflag:s22] =	ssyncset.done $0x0  }
0x132: {  	[sflag:s22] =	ssyncadd.s32 $0xFFFFFA80  }
0x133: {  	_ =	swait.ge [sflag:s22], $0x580  }
0x134: {  	[sflag:s22] =	ssyncset.done $0x0  }
0x135: {  	s10 =	simm.s32 $0xD700;
	[sflag:s22] =	ssyncadd.s32 $0xFFFFFA80  }
0x136: {  	s11 =	simm.s32 $0xDC80;
	v9 =	vld [tilespmem:s10+$0x0]  }
0x137: {  	v2 =	vld [tilespmem:s11+$0x0];
	_ =	sdelay $0x3  }
0x138: {  	v3 =	vshll.u32 v9, $0xE  }
0x139: {  	s12 =	simm.s32 $0xED00;
	s9 =	simm.s32 $0xDC90;
	v3 =	vadd.s32 v2, v3  }
0x13a: {  	v5 =	vld [tilespmem:s9+$0x0];
	[tilespmem:s12+$0x0] =	vst v3  }
0x13b: {  	v3 =	vld.idx.msk [tilespmem:v9+s1+$0x0], $0xffff  }
0x13c: {  	s13 =	simm.s32 $0xD710;
	v4 =	vld.idx.msk [tilespmem:v2+s29+$0x0], $0xffff  }
0x13d: {  	v2 =	vld [tilespmem:s13+$0x0];
	_ =	sdelay $0x1  }
0x13e: {  	s10 =	simm.s32 $0xE200  }
0x13f: {  	s11 =	simm.s32 $0xD720;
	v6 =	vld [tilespmem:s10+$0x0]  }
0x140: {  	s12 =	simm.s32 $0xDCA0;
	v4 =	vadd.f32 v4, v3;
	v3 =	vld [tilespmem:s11+$0x0]  }
0x141: {  	v10 =	vld [tilespmem:s12+$0x0];
	v8 =	vshll.u32 v2, $0xE  }
0x142: {  	s13 =	simm.s32 $0xED10;
	v8 =	vadd.s32 v5, v8;
	v7 =	vmul.f32 $2.000000030e-01, v4  }
0x143: {  	vm13 =	vgt.f32 v4, $0.0e+00;
	[tilespmem:s13+$0x0] =	vst v8  }
0x144: {  	v5 =	vld.idx.msk [tilespmem:v5+s29+$0x0], $0xffff;
	v4 =	vsel vm13, v4, v7  }
0x145: {  	v4 =	vmul.f32 v4, v6;
	v6 =	vld.idx.msk [tilespmem:v2+s1+$0x0], $0xffff;
	v7 =	vshll.u32 v3, $0xE  }
0x146: {  	s11 =	simm.s32 $0xED20;
	v7 =	vadd.s32 v10, v7  }
0x147: {  	v8 =	vmul.f32 $1.442695020e+00, v4;
	[tilespmem:s11+$0x0] =	vst v7  }
0x148: {  	v7 =	vld.idx.msk [tilespmem:v3+s1+$0x0], $0xffff  }
0x149: {  	s12 =	simm.s32 $0xE210;
	(erf) = vpow2.f32 v8;
	v8 =	vld.idx.msk [tilespmem:v10+s29+$0x0], $0xffff  }
0x14a: {  	s9 =	simm.s32 $0xD730;
	v10 =	vld [tilespmem:s12+$0x0];
	v6 =	vadd.f32 v5, v6  }
0x14b: {  	s10 =	simm.s32 $0xDCB0;
	v4 =	vld [tilespmem:s9+$0x0]  }
0x14c: {  	v11 =	vld [tilespmem:s10+$0x0];
	v12 =	vmul.f32 $2.000000030e-01, v6  }
0x14d: {  	vm14 =	vgt.f32 v6, $0.0e+00  }
0x14e: {  	v6 =	vsel vm14, v6, v12  }
0x14f: {  	s9 =	simm.s32 $0xE220;
	v62 =	vadd.f32 v8, v7;
	v7 =	vmul.f32 v6, v10  }
0x150: {  	s13 =	simm.s32 $0xD740;
	v14 =	vld [tilespmem:s9+$0x0];
	v13 =	vshll.u32 v4, $0xE  }
0x151: {  	s10 =	simm.s32 $0xED30;
	s11 =	simm.s32 $0xDCC0;
	v5 =	vld [tilespmem:s13+$0x0];
	v61 =	vadd.s32 v11, v13;
	v15 =	vmul.f32 $1.442695020e+00, v7  }
0x152: {  	v8 =	vld [tilespmem:s11+$0x0];
	[tilespmem:s10+$0x0] =	vst v61  }
0x153: {  	s8 =	simm.s32 $0xE780;
	v6 =	vld.idx.msk [tilespmem:v4+s1+$0x0], $0xffff;
	v63 =	vpop (erf);
	(erf) = vpow2.f32 v15  }
0x154: {  	v10 =	vmul.f32 $2.000000030e-01, v62;
	v7 =	vld.idx.msk [tilespmem:v11+s29+$0x0], $0xffff;
	[tilespmem:s8+$0x0] =	vst v63  }
0x155: {  	vm15 =	vgt.f32 v62, $0.0e+00;
	[tilespmem:v9+s0+$0x0] =	vst.idx.add.f32.msk $0xffff, v63  }
0x156: {  	v10 =	vsel vm15, v62, v10;
	[tilespmem:v9+s30+$0x0] =	vst.idx.add.f32.msk $0xffff, v1;
	v9 =	vmov v5  }
0x157: {  	s12 =	simm.s32 $0x40;
	s13 =	simm.s32 $0xD750;
	v10 =	vmul.f32 v10, v14  }
.LBB2_8:
0x158: {  	v11 =	vshll.u32 v5, $0xE;
	s11 =	sadd.s32 $0x10, s11;
	v12 =	vmov v5;
	v5 =	vld [tilespmem:s13+$0x0]  }
0x159: {  	s10 =	sadd.s32 $0x10, s10;
	s9 =	sadd.s32 $0x10, s9;
	s12 =	sadd.s32 $0x10, s12;
	v13 =	vld [tilespmem:s11+$0x0];
	v11 =	vadd.s32 v8, v11;
	v15 =	vmul.f32 $1.442695020e+00, v10  }
0x15a: {  	p1 =	slt.u32 s12, $0x570;
	[tilespmem:s10+$0x0] =	vst v11;
	v11 =	vadd.f32 v7, v6;
	v14 =	vld [tilespmem:s9+$0x0]  }
.Ltmp5:
0x15b: {  	v6 =	vld.idx.msk [tilespmem:v9+s1+$0x0], $0xffff;
	(erf) = vpow2.f32 v15;
	(pc) =	sbr.rel @p1 .LBB2_8-.Ltmp5, $4  }
0x15c: {  	s8 =	sadd.s32 $0x10, s8;
	v7 =	vld.idx.msk [tilespmem:v8+s29+$0x0], $0xffff;
	v15 =	vmul.f32 $2.000000030e-01, v11;
	v10 =	vpop (erf)  }
0x15d: {  	vm0 =	vgt.f32 v11, $0.0e+00;
	[tilespmem:s8+$0x0] =	vst v10;
	v9 =	vmov v5  }
0x15e: {  	v11 =	vsel vm0, v11, v15;
	[tilespmem:v2+s0+$0x0] =	vst.idx.add.f32.msk $0xffff, v10;
	v8 =	vmov v13  }
0x15f: {  	s13 =	sadd.s32 $0x10, s13;
	v10 =	vmul.f32 v11, v14;
	[tilespmem:v2+s30+$0x0] =	vst.idx.add.f32.msk $0xffff, v1;
	v2 =	vmovc v3;
	v3 =	vmov v4;
	v4 =	vmov v12  }
0x160: {  	_ = 	snop  }
0x161: {  	v11 =	vshll.u32 v5, $0xE  }
0x162: {  	s10 =	sadd.s32 $0x10, s10;
	v11 =	vadd.s32 v8, v11  }
0x163: {  	[tilespmem:s10+$0x0] =	vst v11  }
0x164: {  	v9 =	vld.idx.msk [tilespmem:v9+s1+$0x0], $0xffff  }
0x165: {  	v56 =	vld.idx.msk [tilespmem:v8+s29+$0x0], $0xffff  }
0x166: {  	s9 =	sadd.s32 $0x10, s9  }
0x167: {  	v6 =	vadd.f32 v7, v6;
	v57 =	vld [tilespmem:s9+$0x0];
	_ =	sdelay $0x1  }
0x168: {  	s9 =	sadd.s32 $0x10, s9;
	v58 =	vmul.f32 $2.000000030e-01, v6  }
0x169: {  	vm0 =	vgt.f32 v6, $0.0e+00;
	v59 =	vld [tilespmem:s9+$0x0];
	v8 =	vadd.f32 v56, v9  }
0x16a: {  	v10 =	vmul.f32 $1.442695020e+00, v10;
	v6 =	vsel vm0, v6, v58  }
0x16b: {  	v6 =	vmul.f32 v6, v57;
	v60 =	vmul.f32 $2.000000030e-01, v8  }
0x16c: {  	(erf) = vpow2.f32 v10;
	vm15 =	vgt.f32 v8, $0.0e+00  }
0x16d: {  	v6 =	vmul.f32 $1.442695020e+00, v6;
	v7 =	vsel vm15, v8, v60  }
0x16e: {  	v7 =	vmul.f32 v7, v59  }
0x16f: {  	(erf) = vpow2.f32 v6  }
0x170: {  	v61 =	vmul.f32 $1.442695020e+00, v7;
	_ =	sdelay $0x1  }
0x171: {  	s8 =	sadd.s32 $0x10, s8;
	v62 =	vpop (erf);
	(erf) = vpow2.f32 v61  }
0x172: {  	[tilespmem:s8+$0x0] =	vst v62  }
0x173: {  	[tilespmem:v2+s0+$0x0] =	vst.idx.add.f32.msk $0xffff, v62  }
0x174: {  	s8 =	sadd.s32 $0x10, s8;
	[tilespmem:v2+s30+$0x0] =	vst.idx.add.f32.msk $0xffff, v1;
	v63 =	vpop (erf)  }
0x175: {  	[tilespmem:s8+$0x0] =	vst v63  }
0x176: {  	[tilespmem:v3+s0+$0x0] =	vst.idx.add.f32.msk $0xffff, v63  }
0x177: {  	s8 =	sadd.s32 $0x10, s8;
	[tilespmem:v3+s30+$0x0] =	vst.idx.add.f32.msk $0xffff, v1;
	v2 =	vpop (erf)  }
0x178: {  	[tilespmem:s8+$0x0] =	vst v2  }
0x179: {  	[tilespmem:v4+s0+$0x0] =	vst.idx.add.f32.msk $0xffff, v2  }
0x17a: {  	s8 =	sadd.s32 $0x10, s8;
	[tilespmem:v4+s30+$0x0] =	vst.idx.add.f32.msk $0xffff, v1;
	v2 =	vpop (erf)  }
0x17b: {  	[tilespmem:s8+$0x0] =	vst v2  }
.Ltmp6:
0x17c: {  	[tilespmem:v5+s0+$0x0] =	vst.idx.add.f32.msk $0xffff, v2;
	(pc) =	sbr.rel @p0 .LBB2_13-.Ltmp6, $4  }
0x17d: {  	s12 =	simm.s32 $0xE780;
	[tilespmem:v5+s30+$0x0] =	vst.idx.add.f32.msk $0xffff, v1  }
0x17e: {  	[hbm4b:s19+s1] =	stream.linear.scatter [tilespmem:s12], [sflag:$0x6], $0x580, $0x38;
	[tilespmem:$0x10E00] =	vst v63  }
0x17f: {  	s13 =	simm.s32 $0xED00  }
0x180: {  	[hbm4b:s20+s1] =	stream.linear.scatter [tilespmem:s13], [sflag:$0x6], $0x580, $0x38;
	[tilespmem:$0x10E00] =	vst v63  }
0x181: {  	_ =	swait.ge [sflag:s2], $0x580  }
0x182: {  	[sflag:s2] =	ssyncset.done $0x0  }
0x183: {  	[sflag:s2] =	ssyncadd.s32 $0xFFFFFA80  }
0x184: {  	_ =	swait.ge [sflag:s2], $0x580  }
0x185: {  	[sflag:s2] =	ssyncset.done $0x0  }
0x186: {  	[sflag:s2] =	ssyncadd.s32 $0xFFFFFA80  }
0x187: {  	_ =	swait.ge [sflag:s2], $0x580  }
0x188: {  	[sflag:s2] =	ssyncset.done $0x0  }
0x189: {  	s8 =	simm.s32 $0xF280;
	[sflag:s2] =	ssyncadd.s32 $0xFFFFFA80  }
0x18a: {  	s9 =	simm.s32 $0xF800;
	v9 =	vld [tilespmem:s8+$0x0]  }
0x18b: {  	v2 =	vld [tilespmem:s9+$0x0];
	_ =	sdelay $0x3  }
0x18c: {  	v3 =	vshll.u32 v9, $0xE  }
0x18d: {  	s12 =	simm.s32 $0x10880;
	s9 =	simm.s32 $0xF810;
	v3 =	vadd.s32 v2, v3  }
0x18e: {  	v5 =	vld [tilespmem:s9+$0x0];
	[tilespmem:s12+$0x0] =	vst v3  }
0x18f: {  	v3 =	vld.idx.msk [tilespmem:v9+s1+$0x0], $0xffff  }
0x190: {  	s13 =	simm.s32 $0xF290;
	v4 =	vld.idx.msk [tilespmem:v2+s29+$0x0], $0xffff  }
0x191: {  	v2 =	vld [tilespmem:s13+$0x0];
	_ =	sdelay $0x1  }
0x192: {  	s10 =	simm.s32 $0xFD80  }
0x193: {  	s11 =	simm.s32 $0xF2A0;
	v6 =	vld [tilespmem:s10+$0x0]  }
0x194: {  	s12 =	simm.s32 $0xF820;
	v4 =	vadd.f32 v4, v3;
	v3 =	vld [tilespmem:s11+$0x0]  }
0x195: {  	v10 =	vld [tilespmem:s12+$0x0];
	v8 =	vshll.u32 v2, $0xE  }
0x196: {  	s13 =	simm.s32 $0x10890;
	v8 =	vadd.s32 v5, v8;
	v7 =	vmul.f32 $2.000000030e-01, v4  }
0x197: {  	vm0 =	vgt.f32 v4, $0.0e+00;
	[tilespmem:s13+$0x0] =	vst v8  }
0x198: {  	v5 =	vld.idx.msk [tilespmem:v5+s29+$0x0], $0xffff;
	v4 =	vsel vm0, v4, v7  }
0x199: {  	v4 =	vmul.f32 v4, v6;
	v6 =	vld.idx.msk [tilespmem:v2+s1+$0x0], $0xffff;
	v7 =	vshll.u32 v3, $0xE  }
0x19a: {  	s11 =	simm.s32 $0x108A0;
	v7 =	vadd.s32 v10, v7  }
0x19b: {  	v8 =	vmul.f32 $1.442695020e+00, v4;
	[tilespmem:s11+$0x0] =	vst v7  }
0x19c: {  	v7 =	vld.idx.msk [tilespmem:v3+s1+$0x0], $0xffff  }
0x19d: {  	s12 =	simm.s32 $0xFD90;
	(erf) = vpow2.f32 v8;
	v8 =	vld.idx.msk [tilespmem:v10+s29+$0x0], $0xffff  }
0x19e: {  	s9 =	simm.s32 $0xF2B0;
	v10 =	vld [tilespmem:s12+$0x0];
	v6 =	vadd.f32 v5, v6  }
0x19f: {  	s10 =	simm.s32 $0xF830;
	v4 =	vld [tilespmem:s9+$0x0]  }
0x1a0: {  	v11 =	vld [tilespmem:s10+$0x0];
	v12 =	vmul.f32 $2.000000030e-01, v6  }
0x1a1: {  	vm14 =	vgt.f32 v6, $0.0e+00  }
0x1a2: {  	v6 =	vsel vm14, v6, v12  }
0x1a3: {  	s9 =	simm.s32 $0xFDA0;
	v62 =	vadd.f32 v8, v7;
	v7 =	vmul.f32 v6, v10  }
0x1a4: {  	s13 =	simm.s32 $0xF2C0;
	v14 =	vld [tilespmem:s9+$0x0];
	v13 =	vshll.u32 v4, $0xE  }
0x1a5: {  	s10 =	simm.s32 $0x108B0;
	s11 =	simm.s32 $0xF840;
	v5 =	vld [tilespmem:s13+$0x0];
	v61 =	vadd.s32 v11, v13;
	v15 =	vmul.f32 $1.442695020e+00, v7  }
0x1a6: {  	v8 =	vld [tilespmem:s11+$0x0];
	[tilespmem:s10+$0x0] =	vst v61  }
0x1a7: {  	s8 =	simm.s32 $0x10300;
	v6 =	vld.idx.msk [tilespmem:v4+s1+$0x0], $0xffff;
	v63 =	vpop (erf);
	(erf) = vpow2.f32 v15  }
0x1a8: {  	v10 =	vmul.f32 $2.000000030e-01, v62;
	v7 =	vld.idx.msk [tilespmem:v11+s29+$0x0], $0xffff;
	[tilespmem:s8+$0x0] =	vst v63  }
0x1a9: {  	vm15 =	vgt.f32 v62, $0.0e+00;
	[tilespmem:v9+s0+$0x0] =	vst.idx.add.f32.msk $0xffff, v63  }
0x1aa: {  	v10 =	vsel vm15, v62, v10;
	[tilespmem:v9+s30+$0x0] =	vst.idx.add.f32.msk $0xffff, v1;
	v9 =	vmov v5  }
0x1ab: {  	s12 =	simm.s32 $0x40;
	s13 =	simm.s32 $0xF2D0;
	v10 =	vmul.f32 v10, v14  }
.LBB2_11:
0x1ac: {  	v11 =	vshll.u32 v5, $0xE;
	s11 =	sadd.s32 $0x10, s11;
	v12 =	vmov v5;
	v5 =	vld [tilespmem:s13+$0x0]  }
0x1ad: {  	s10 =	sadd.s32 $0x10, s10;
	v15 =	vmul.f32 $1.442695020e+00, v10;
	s9 =	sadd.s32 $0x10, s9;
	s12 =	sadd.s32 $0x10, s12;
	v13 =	vld [tilespmem:s11+$0x0];
	v11 =	vadd.s32 v8, v11  }
0x1ae: {  	p1 =	slt.u32 s12, $0x570;
	[tilespmem:s10+$0x0] =	vst v11;
	v11 =	vadd.f32 v7, v6;
	v14 =	vld [tilespmem:s9+$0x0]  }
.Ltmp7:
0x1af: {  	v6 =	vld.idx.msk [tilespmem:v9+s1+$0x0], $0xffff;
	(erf) = vpow2.f32 v15;
	(pc) =	sbr.rel @p1 .LBB2_11-.Ltmp7, $4  }
0x1b0: {  	s8 =	sadd.s32 $0x10, s8;
	v7 =	vld.idx.msk [tilespmem:v8+s29+$0x0], $0xffff;
	v15 =	vmul.f32 $2.000000030e-01, v11;
	v10 =	vpop (erf)  }
0x1b1: {  	vm0 =	vgt.f32 v11, $0.0e+00;
	[tilespmem:s8+$0x0] =	vst v10;
	v9 =	vmov v5  }
0x1b2: {  	v11 =	vsel vm0, v11, v15;
	[tilespmem:v2+s0+$0x0] =	vst.idx.add.f32.msk $0xffff, v10;
	v8 =	vmov v13  }
0x1b3: {  	s13 =	sadd.s32 $0x10, s13;
	v10 =	vmul.f32 v11, v14;
	[tilespmem:v2+s30+$0x0] =	vst.idx.add.f32.msk $0xffff, v1;
	v2 =	vmovc v3;
	v3 =	vmov v4;
	v4 =	vmov v12  }
.Ltmp8:
0x1b4: {  	_ = 	snop;
	(pc) =	sbr.rel .LBB2_12-.Ltmp8, $1  }
0x1b5: {  	_ =	sdelay $0x3  }
.LBB2_14:
0x1b6: {  	_ =	sfence.sel $0x180000  }
0x1b7: {  	[bflag:$0x0] =	sbarrier.arrive $0xFFFF  }
0x1b8: {  	_ =	strace $0x9000004A  }
0x1b9: {  	s0 =	stileid.u32;
	[bflag:$0x2] =	sbarrier.arrive $0xFFFF  }
0x1ba: {  	p0 =	sne.s32 s0, $0x0;
	s0 =	rddreg [dreg:$0x1]  }
0x1bb: {  	s0 =	sadd.s32 @!p0 $0x100000, s0  }
0x1bc: {  	[sflag:s0] =	ssyncadd.tile.s32 @!p0 $0x1;
	_ =	shalt  }
.Lfunc_end2:
_tile_overlayer_lowered:
.L_overlay_start_2:
0x1bd: {  	(tag) =	ssettag $0x2  }
0x1be: {  	s0 =	rddreg [dreg:$0x0];
	s2 =	stileid.u32  }
0x1bf: {  	s1 =	rddreg [dreg:$0x1];
	p0 =	sne.s32 s2, $0x0  }
0x1c0: {  	s3 =	rddreg [dreg:$0x2];
	[bflag:$0x3] =	sbarrier.arrive $0xFFFF;
	s2 =	simm.s32 @!p0 $0x1C07  }
0x1c1: {  	[timem:s3], [sflag:s2] =	dma.local @!p0 [hbm:s0], s1  }
0x1c2: {  	s0 =	simm.s32 @!p0 $0x7  }
0x1c3: {  	_ =	swait.ge @!p0 [sflag:s0], s1  }
0x1c4: {  	s1 =	ssub.s32 @!p0 $0x0, s1;
	[sflag:s0] =	ssyncset.done @!p0 $0x0  }
0x1c5: {  	[sflag:s0] =	ssyncadd.s32 @!p0 s1  }
0x1c6: {  	[bflag:$0x3] =	sbarrier.arrive $0xFFFF  }
0x1c7: {  	_ =	shalt  }

</sc_bundles>
